<compile_context>
chip_gen: v7x
topology: tpu7x:2x2x1
jax: 0.10.2.dev20260603
libtpu: 0.0.44.dev20260713+nightly
codegen_flags: <defaults>
</compile_context>

<pallas_src>
import functools

import jax
import jax.numpy as jnp
from jax import lax
from jax.experimental import pallas as pl
from jax.experimental.pallas import tpu as pltpu
from jax.experimental.pallas import tpu_sc as plsc

_K = 128


_ACTIVE_CID = 0


@functools.lru_cache(maxsize=None)
def _make_segsum(N, E, D):
    info = plsc.get_sparse_core_info()
    NC, NS = info.num_cores, info.num_subcores
    n = -(-E // (_K * NS))
    n += n % 2
    nloops = n // 2
    calloc = NS * n
    rows_pw = -(-(N + 1) // (NS * 8)) * 8
    NPAD = rows_pw * NS

    mesh = plsc.VectorSubcoreMesh(core_axis_name="c", subcore_axis_name="s")

    @functools.partial(
        pl.kernel,
        mesh=mesh,
        out_type=jax.ShapeDtypeStruct((NPAD, D), jnp.float32),
        scratch_types=[
            pltpu.VMEM((_K,), jnp.int32),
            pltpu.VMEM((_K,), jnp.int32),
            pltpu.VMEM((_K,), jnp.int32),
            pltpu.VMEM((_K,), jnp.int32),
            pltpu.VMEM((_K, D), jnp.float32),
            pltpu.VMEM((_K, D), jnp.float32),
            pltpu.VMEM_SHARED((NPAD, D), jnp.float32),
            pltpu.SemaphoreType.DMA,
            pltpu.SemaphoreType.DMA,
            pltpu.SemaphoreType.DMA,
            pltpu.SemaphoreType.DMA,
        ],
    )
    def segsum(h_hbm, src_hbm, dst_hbm, zeros_hbm, out_hbm,
               sb0, sb1, db0, db1, rows0, rows1, acc, gs0, gs1, is0, is1):
        cid = lax.axis_index("c")
        sid = lax.axis_index("s")

        @pl.when(cid == _ACTIVE_CID)
        def _work():
            row0 = sid * n
            pltpu.sync_copy(zeros_hbm.at[pl.ds(sid * rows_pw, rows_pw), :],
                            acc.at[pl.ds(sid * rows_pw, rows_pw), :])

            def iload(c, sb, db, sem):
                a = pltpu.make_async_copy(src_hbm.at[row0 + c], sb, sem)
                b = pltpu.make_async_copy(dst_hbm.at[row0 + c], db, sem)
                return a, b

            def istart(c, sb, db, sem):
                a, b = iload(c, sb, db, sem)
                a.start()
                b.start()

            def iwait(c, sb, db, sem):
                a, b = iload(c, sb, db, sem)
                a.wait()
                b.wait()

            def gather(c, sb, buf, sem):
                return pltpu.make_async_copy(h_hbm.at[sb], buf, sem)

            plsc.subcore_barrier()
            istart(0, sb0, db0, is0)
            istart(1, sb1, db1, is1)
            iwait(0, sb0, db0, is0)
            gather(0, sb0, rows0, gs0).start()

            def body(j, carry):
                c0 = j * 2
                iwait(c0 + 1, sb1, db1, is1)
                gather(c0 + 1, sb1, rows1, gs1).start()
                gather(c0, sb0, rows0, gs0).wait()
                pltpu.sync_copy(rows0, acc.at[db0], add=True)

                @pl.when(j < nloops - 1)
                def _():
                    istart(c0 + 2, sb0, db0, is0)

                gather(c0 + 1, sb1, rows1, gs1).wait()
                pltpu.sync_copy(rows1, acc.at[db1], add=True)

                @pl.when(j < nloops - 1)
                def _():
                    istart(c0 + 3, sb1, db1, is1)
                    iwait(c0 + 2, sb0, db0, is0)
                    gather(c0 + 2, sb0, rows0, gs0).start()

                return carry

            lax.fori_loop(0, nloops, body, 0)
            plsc.subcore_barrier()
            pltpu.sync_copy(acc.at[pl.ds(sid * rows_pw, rows_pw), :],
                            out_hbm.at[pl.ds(sid * rows_pw, rows_pw), :])

    return segsum, NPAD, calloc


def _bn(x, g, b):
    m = jnp.mean(x, axis=0, keepdims=True)
    v = jnp.mean((x - m) ** 2, axis=0, keepdims=True)
    return (x - m) / jnp.sqrt(v + 1e-5) * g + b


def _emb_body(h_ref, We_ref, be_ref, out_ref):
    out_ref[...] = jnp.dot(h_ref[...], We_ref[...],
                           preferred_element_type=jnp.float32) + be_ref[...]


def _mlp_body(h_ref, parts_ref, W1_ref, b1_ref, g1_ref, bt1_ref,
              W2_ref, b2_ref, ag_ref, ab_ref, lg_ref, lb_ref, out_ref):
    h = h_ref[...]
    n = h.shape[0]
    z = h + parts_ref[:n]
    u = jnp.dot(z, W1_ref[...], preferred_element_type=jnp.float32) + b1_ref[...]
    t = jnp.maximum(_bn(u, g1_ref[...], bt1_ref[...]), 0.0)
    t = jnp.dot(t, W2_ref[...], preferred_element_type=jnp.float32) + b2_ref[...]
    t = jnp.maximum(_bn(t, ag_ref[...], ab_ref[...]), 0.0)
    t = _bn(t, lg_ref[...], lb_ref[...])
    t = jnp.maximum(t, 0.0)
    out_ref[...] = h + t


@functools.lru_cache(maxsize=None)
def _make_dense(N, D):
    emb = pl.pallas_call(
        _emb_body, out_shape=jax.ShapeDtypeStruct((N, D), jnp.float32))
    mlp = pl.pallas_call(
        _mlp_body, out_shape=jax.ShapeDtypeStruct((N, D), jnp.float32))
    return emb, mlp


def kernel(h, edge_index, e, We, be, mW1, mb1, mg1, mbt1, mW2, mb2,
           ag, ab, lg, lb):
    N, D = h.shape
    E = edge_index.shape[1]
    L = mW1.shape[0]
    segsum, NPAD, calloc = _make_segsum(N, E, D)
    emb, mlp = _make_dense(N, D)

    src = edge_index[0].astype(jnp.int32)
    dst = edge_index[1].astype(jnp.int32)
    pad = calloc * _K - E
    if pad:
        src = jnp.concatenate([src, jnp.zeros((pad,), jnp.int32)])
        dst = jnp.concatenate([dst, jnp.full((pad,), N, jnp.int32)])
    src = src.reshape(calloc, _K)
    dst = dst.reshape(calloc, _K)
    zeros = jnp.zeros((NPAD, D), jnp.float32)

    r1 = lambda a: a.reshape(1, D)
    h = emb(h, We, r1(be))
    for l in range(L):
        parts = segsum(h, src, dst, zeros)
        h = mlp(h, parts, mW1[l], r1(mb1[l]), r1(mg1[l]), r1(mbt1[l]),
                mW2[l], r1(mb2[l]), r1(ag[l]), r1(ab[l]), r1(lg[l]), r1(lb[l]))
    return h

# --- scband reference (transcript-rebuilt; emitter-appended) ---
"""Pipeline reference for scband-ginnet-59270548685353 (READ-ONLY COPY).

The authoritative reference and input builder live on the scoring server;
editing this copy changes nothing except your own understanding.
"""

import jax, jax.numpy as jnp
import numpy as np

N = 10000
E = 320000
D = 128
L = 4

def _bn(x, g, b):
    m = jnp.mean(x, axis=0)
    v = jnp.var(x, axis=0)
    return (x - m) / jnp.sqrt(v + 1e-5) * g + b

def setup_inputs(seed: int = 0):
    key = jax.random.key(seed)
    ks = jax.random.split(key, 8)
    s = 1.0 / np.sqrt(D)
    inp = {}
    inp["h"] = jax.random.normal(ks[0], (N, D), jnp.float32)
    inp["edge_index"] = jax.random.randint(ks[1], (2, E), 0, N)
    inp["e"] = jax.random.normal(ks[2], (E, 4), jnp.float32)
    inp["We"] = jax.random.normal(ks[3], (D, D), jnp.float32) * s
    inp["be"] = jnp.zeros((D,), jnp.float32)
    inp["mW1"] = jax.random.normal(ks[4], (L, D, D), jnp.float32) * s
    inp["mb1"] = jnp.zeros((L, D), jnp.float32)
    inp["mg1"] = jnp.ones((L, D), jnp.float32)
    inp["mbt1"] = jnp.zeros((L, D), jnp.float32)
    inp["mW2"] = jax.random.normal(ks[5], (L, D, D), jnp.float32) * s
    inp["mb2"] = jnp.zeros((L, D), jnp.float32)
    inp["ag"] = jnp.ones((L, D), jnp.float32)
    inp["ab"] = jnp.zeros((L, D), jnp.float32)
    inp["lg"] = jnp.ones((L, D), jnp.float32)
    inp["lb"] = jnp.zeros((L, D), jnp.float32)
    return inp

def reference(h, edge_index, e, We, be, mW1, mb1, mg1, mbt1, mW2, mb2, ag, ab, lg, lb):
    # e (edge features) is accepted but unused, matching the torch forward.
    src = edge_index[0]
    dst = edge_index[1]
    # embedding_h: Linear(in_dim, hidden_dim)
    h = h @ We + be
    for l in range(L):
        h_in = h
        # GIN neighbor sum aggregation: gather h[src], scatter-add to dst
        neigh = jax.ops.segment_sum(h[src], dst, num_segments=N)
        # (1 + eps) * h + neigh, eps = 0 (learn_eps=False, init_eps=0)
        z = h + neigh
        # MLP (n_mlp_GIN=2): Linear -> BN -> ReLU -> Linear
        t = jax.nn.relu(_bn(z @ mW1[l] + mb1[l], mg1[l], mbt1[l]))
        t = t @ mW2[l] + mb2[l]
        # ApplyNodeFunc: BN -> ReLU
        t = jax.nn.relu(_bn(t, ag[l], ab[l]))
        # GINLayer: batch_norm -> ReLU -> residual -> dropout(0)
        t = _bn(t, lg[l], lb[l])
        t = jax.nn.relu(t)
        h = h_in + t
    return h

if __name__ == "__main__":
    import jax
    _d = setup_inputs()
    print(jax.jit(kernel)(*tuple(_d.values())))

</pallas_src>

<mosaic_0001>
#map = affine_map<(d0, d1) -> (0, 0)>
module attributes {stable_mosaic.version = 14 : i64} {
  func.func @segsum(%arg0: i32, %arg1: i32, %arg2: memref<10000x128xf32, #tpu.memory_space<hbm>>, %arg3: memref<2528x128xi32, #tpu.memory_space<hbm>>, %arg4: memref<2528x128xi32, #tpu.memory_space<hbm>>, %arg5: memref<10112x128xf32, #tpu.memory_space<hbm>>, %arg6: memref<10112x128xf32, #tpu.memory_space<hbm>>, %arg7: memref<128xi32, #tpu.memory_space<vmem>>, %arg8: memref<128xi32, #tpu.memory_space<vmem>>, %arg9: memref<128xi32, #tpu.memory_space<vmem>>, %arg10: memref<128xi32, #tpu.memory_space<vmem>>, %arg11: memref<128x128xf32, #tpu.memory_space<vmem>>, %arg12: memref<128x128xf32, #tpu.memory_space<vmem>>, %arg13: memref<10112x128xf32, #tpu.memory_space<vmem_shared>>, %arg14: memref<!tpu.dma_semaphore, #tpu.memory_space<semaphore_mem>>, %arg15: memref<!tpu.dma_semaphore, #tpu.memory_space<semaphore_mem>>, %arg16: memref<!tpu.dma_semaphore, #tpu.memory_space<semaphore_mem>>, %arg17: memref<!tpu.dma_semaphore, #tpu.memory_space<semaphore_mem>>) attributes {dimension_semantics = [#tpu.dimension_semantics<core_parallel>, #tpu.dimension_semantics<subcore_parallel>], iteration_bounds = array<i64: 2, 16>, scalar_prefetch = 0 : i64, scratch_operands = 11 : i64, tpu.core_type = #tpu.core_type<sc_vector_subcore>, window_params = [{transform_indices = #map}, {transform_indices = #map}, {transform_indices = #map}, {transform_indices = #map}, {transform_indices = #map}]} {
    %eq3A = arith.constant 0 : i32
    %eq3A_0 = arith.cmpi eq, %arg0, %eq3A : i32
    %convert_element_type3A = arith.extui %eq3A_0 : i1 to i32
    %cond3A = arith.constant 0 : i32
    %cond3A_1 = arith.cmpi ne, %convert_element_type3A, %cond3A : i32
    scf.if %cond3A_1 {
      %mul3A = arith.constant 158 : i32
      %mul3A_2 = arith.muli %arg1, %mul3A : i32
      %mul3A_3 = arith.constant 632 : i32
      %mul3A_4 = arith.muli %arg1, %mul3A_3 : i32
      %mul3A_5 = arith.constant 632 : i32
      %mul3A_6 = arith.muli %arg1, %mul3A_5 : i32
      "tpu.region"() ({
        %run_scoped3A = tpu.sem_alloc : memref<!tpu.dma_semaphore, #tpu.memory_space<semaphore_mem>>
        %dma_start3A_65 = arith.constant 0 : i32
        %dma_start3A_66 = tpu.memref_slice %arg13[%mul3A_6, %dma_start3A_65] : memref<10112x128xf32, #tpu.memory_space<vmem_shared>> -> memref<632x128xf32, #tpu.memory_space<vmem_shared>>
        %dma_start3A_67 = arith.constant 0 : i32
        %dma_start3A_68 = tpu.memref_slice %arg5[%mul3A_4, %dma_start3A_67] : memref<10112x128xf32, #tpu.memory_space<hbm>> -> memref<632x128xf32, #tpu.memory_space<hbm>>
        tpu.enqueue_dma source(%dma_start3A_68 : memref<632x128xf32, #tpu.memory_space<hbm>>) target(%dma_start3A_66 : memref<632x128xf32, #tpu.memory_space<vmem_shared>>) target_semaphore(%run_scoped3A : memref<!tpu.dma_semaphore, #tpu.memory_space<semaphore_mem>>)
        %dma_wait3A_69 = arith.constant 0 : i32
        %dma_wait3A_70 = tpu.memref_slice %arg13[%mul3A_6, %dma_wait3A_69] : memref<10112x128xf32, #tpu.memory_space<vmem_shared>> -> memref<632x128xf32, #tpu.memory_space<vmem_shared>>
        %dma_wait3A_71 = arith.constant 0 : i32
        %dma_wait3A_72 = tpu.memref_slice %arg5[%mul3A_4, %dma_wait3A_71] : memref<10112x128xf32, #tpu.memory_space<hbm>> -> memref<632x128xf32, #tpu.memory_space<hbm>>
        tpu.wait_dma2 semaphore(%run_scoped3A : memref<!tpu.dma_semaphore, #tpu.memory_space<semaphore_mem>>) src(%dma_wait3A_72 : memref<632x128xf32, #tpu.memory_space<hbm>>) dst(%dma_wait3A_70 : memref<632x128xf32, #tpu.memory_space<vmem_shared>>)
        tpu.yield
      }) : () -> ()
      %barrier3A = arith.constant 0 : index
      tpu.barrier barrier_id(%barrier3A)
      %add3A = arith.constant 0 : i32
      %add3A_7 = arith.addi %mul3A_2, %add3A : i32
      %add3A_8 = arith.constant 0 : i32
      %add3A_9 = arith.addi %mul3A_2, %add3A_8 : i32
      %dma_start3A = arith.constant 0 : i32
      %dma_start3A_10 = tpu.memref_slice %arg3[%add3A_7, %dma_start3A] : memref<2528x128xi32, #tpu.memory_space<hbm>> -> memref<1x128xi32, #tpu.memory_space<hbm>>
      %dma_start3A_11 = tpu.memref_squeeze %dma_start3A_10 : memref<1x128xi32, #tpu.memory_space<hbm>> -> memref<128xi32, #tpu.memory_space<hbm>>
      %dma_start3A_12 = arith.constant 0 : i32
      %dma_start3A_13 = tpu.memref_slice %arg3[%add3A_7, %dma_start3A_12] : memref<2528x128xi32, #tpu.memory_space<hbm>> -> memref<1x128xi32, #tpu.memory_space<hbm>>
      %dma_start3A_14 = tpu.memref_squeeze %dma_start3A_13 : memref<1x128xi32, #tpu.memory_space<hbm>> -> memref<128xi32, #tpu.memory_space<hbm>>
      tpu.enqueue_dma source(%dma_start3A_14 : memref<128xi32, #tpu.memory_space<hbm>>) target(%arg7 : memref<128xi32, #tpu.memory_space<vmem>>) target_semaphore(%arg16 : memref<!tpu.dma_semaphore, #tpu.memory_space<semaphore_mem>>)
      %dma_start3A_15 = arith.constant 0 : i32
      %dma_start3A_16 = tpu.memref_slice %arg4[%add3A_9, %dma_start3A_15] : memref<2528x128xi32, #tpu.memory_space<hbm>> -> memref<1x128xi32, #tpu.memory_space<hbm>>
      %dma_start3A_17 = tpu.memref_squeeze %dma_start3A_16 : memref<1x128xi32, #tpu.memory_space<hbm>> -> memref<128xi32, #tpu.memory_space<hbm>>
      %dma_start3A_18 = arith.constant 0 : i32
      %dma_start3A_19 = tpu.memref_slice %arg4[%add3A_9, %dma_start3A_18] : memref<2528x128xi32, #tpu.memory_space<hbm>> -> memref<1x128xi32, #tpu.memory_space<hbm>>
      %dma_start3A_20 = tpu.memref_squeeze %dma_start3A_19 : memref<1x128xi32, #tpu.memory_space<hbm>> -> memref<128xi32, #tpu.memory_space<hbm>>
      tpu.enqueue_dma source(%dma_start3A_20 : memref<128xi32, #tpu.memory_space<hbm>>) target(%arg9 : memref<128xi32, #tpu.memory_space<vmem>>) target_semaphore(%arg16 : memref<!tpu.dma_semaphore, #tpu.memory_space<semaphore_mem>>)
      %add3A_21 = arith.constant 1 : i32
      %add3A_22 = arith.addi %mul3A_2, %add3A_21 : i32
      %add3A_23 = arith.constant 1 : i32
      %add3A_24 = arith.addi %mul3A_2, %add3A_23 : i32
      %dma_start3A_25 = arith.constant 0 : i32
      %dma_start3A_26 = tpu.memref_slice %arg3[%add3A_22, %dma_start3A_25] : memref<2528x128xi32, #tpu.memory_space<hbm>> -> memref<1x128xi32, #tpu.memory_space<hbm>>
      %dma_start3A_27 = tpu.memref_squeeze %dma_start3A_26 : memref<1x128xi32, #tpu.memory_space<hbm>> -> memref<128xi32, #tpu.memory_space<hbm>>
      %dma_start3A_28 = arith.constant 0 : i32
      %dma_start3A_29 = tpu.memref_slice %arg3[%add3A_22, %dma_start3A_28] : memref<2528x128xi32, #tpu.memory_space<hbm>> -> memref<1x128xi32, #tpu.memory_space<hbm>>
      %dma_start3A_30 = tpu.memref_squeeze %dma_start3A_29 : memref<1x128xi32, #tpu.memory_space<hbm>> -> memref<128xi32, #tpu.memory_space<hbm>>
      tpu.enqueue_dma source(%dma_start3A_30 : memref<128xi32, #tpu.memory_space<hbm>>) target(%arg8 : memref<128xi32, #tpu.memory_space<vmem>>) target_semaphore(%arg17 : memref<!tpu.dma_semaphore, #tpu.memory_space<semaphore_mem>>)
      %dma_start3A_31 = arith.constant 0 : i32
      %dma_start3A_32 = tpu.memref_slice %arg4[%add3A_24, %dma_start3A_31] : memref<2528x128xi32, #tpu.memory_space<hbm>> -> memref<1x128xi32, #tpu.memory_space<hbm>>
      %dma_start3A_33 = tpu.memref_squeeze %dma_start3A_32 : memref<1x128xi32, #tpu.memory_space<hbm>> -> memref<128xi32, #tpu.memory_space<hbm>>
      %dma_start3A_34 = arith.constant 0 : i32
      %dma_start3A_35 = tpu.memref_slice %arg4[%add3A_24, %dma_start3A_34] : memref<2528x128xi32, #tpu.memory_space<hbm>> -> memref<1x128xi32, #tpu.memory_space<hbm>>
      %dma_start3A_36 = tpu.memref_squeeze %dma_start3A_35 : memref<1x128xi32, #tpu.memory_space<hbm>> -> memref<128xi32, #tpu.memory_space<hbm>>
      tpu.enqueue_dma source(%dma_start3A_36 : memref<128xi32, #tpu.memory_space<hbm>>) target(%arg10 : memref<128xi32, #tpu.memory_space<vmem>>) target_semaphore(%arg17 : memref<!tpu.dma_semaphore, #tpu.memory_space<semaphore_mem>>)
      %add3A_37 = arith.constant 0 : i32
      %add3A_38 = arith.addi %mul3A_2, %add3A_37 : i32
      %add3A_39 = arith.constant 0 : i32
      %add3A_40 = arith.addi %mul3A_2, %add3A_39 : i32
      %dma_wait3A = arith.constant 0 : i32
      %dma_wait3A_41 = tpu.memref_slice %arg3[%add3A_38, %dma_wait3A] : memref<2528x128xi32, #tpu.memory_space<hbm>> -> memref<1x128xi32, #tpu.memory_space<hbm>>
      %dma_wait3A_42 = tpu.memref_squeeze %dma_wait3A_41 : memref<1x128xi32, #tpu.memory_space<hbm>> -> memref<128xi32, #tpu.memory_space<hbm>>
      %dma_wait3A_43 = arith.constant 0 : i32
      %dma_wait3A_44 = tpu.memref_slice %arg3[%add3A_38, %dma_wait3A_43] : memref<2528x128xi32, #tpu.memory_space<hbm>> -> memref<1x128xi32, #tpu.memory_space<hbm>>
      %dma_wait3A_45 = tpu.memref_squeeze %dma_wait3A_44 : memref<1x128xi32, #tpu.memory_space<hbm>> -> memref<128xi32, #tpu.memory_space<hbm>>
      tpu.wait_dma2 semaphore(%arg16 : memref<!tpu.dma_semaphore, #tpu.memory_space<semaphore_mem>>) src(%dma_wait3A_45 : memref<128xi32, #tpu.memory_space<hbm>>) dst(%arg7 : memref<128xi32, #tpu.memory_space<vmem>>)
      %dma_wait3A_46 = arith.constant 0 : i32
      %dma_wait3A_47 = tpu.memref_slice %arg4[%add3A_40, %dma_wait3A_46] : memref<2528x128xi32, #tpu.memory_space<hbm>> -> memref<1x128xi32, #tpu.memory_space<hbm>>
      %dma_wait3A_48 = tpu.memref_squeeze %dma_wait3A_47 : memref<1x128xi32, #tpu.memory_space<hbm>> -> memref<128xi32, #tpu.memory_space<hbm>>
      %dma_wait3A_49 = arith.constant 0 : i32
      %dma_wait3A_50 = tpu.memref_slice %arg4[%add3A_40, %dma_wait3A_49] : memref<2528x128xi32, #tpu.memory_space<hbm>> -> memref<1x128xi32, #tpu.memory_space<hbm>>
      %dma_wait3A_51 = tpu.memref_squeeze %dma_wait3A_50 : memref<1x128xi32, #tpu.memory_space<hbm>> -> memref<128xi32, #tpu.memory_space<hbm>>
      tpu.wait_dma2 semaphore(%arg16 : memref<!tpu.dma_semaphore, #tpu.memory_space<semaphore_mem>>) src(%dma_wait3A_51 : memref<128xi32, #tpu.memory_space<hbm>>) dst(%arg9 : memref<128xi32, #tpu.memory_space<vmem>>)
      %dma_start3A_52 = arith.constant 0 : i32
      %dma_start3A_53 = arith.constant 0 : i32
      %dma_start3A_54 = tpu.memref_slice %arg2[%dma_start3A_52, %dma_start3A_53] : memref<10000x128xf32, #tpu.memory_space<hbm>> -> memref<10000x128xf32, #tpu.memory_space<hbm>>
      tpu.enqueue_indirect_dma source(%dma_start3A_54 : memref<10000x128xf32, #tpu.memory_space<hbm>>) target(%arg11 : memref<128x128xf32, #tpu.memory_space<vmem>>) offsets(%arg7 : memref<128xi32, #tpu.memory_space<vmem>>) semaphore(%arg14 : memref<!tpu.dma_semaphore, #tpu.memory_space<semaphore_mem>>)
      %scan3A = arith.constant 0 : i32
      %scan3A_55 = arith.constant 0 : i32
      %scan3A_56 = arith.constant 79 : i32
      %scan3A_57 = arith.addi %scan3A_55, %scan3A_56 : i32
      %scan3A_58 = arith.constant 1 : i32
      scf.for %scan3A_65 = %scan3A_55 to %scan3A_57 step %scan3A_58  : i32 {
        %mul3A_66 = arith.constant 2 : i32
        %mul3A_67 = arith.muli %scan3A_65, %mul3A_66 : i32
        %add3A_68 = arith.constant 1 : i32
        %add3A_69 = arith.addi %mul3A_67, %add3A_68 : i32
        %add3A_70 = arith.addi %mul3A_2, %add3A_69 : i32
        %add3A_71 = arith.addi %mul3A_2, %add3A_69 : i32
        %dma_wait3A_72 = arith.constant 0 : i32
        %dma_wait3A_73 = tpu.memref_slice %arg3[%add3A_70, %dma_wait3A_72] : memref<2528x128xi32, #tpu.memory_space<hbm>> -> memref<1x128xi32, #tpu.memory_space<hbm>>
        %dma_wait3A_74 = tpu.memref_squeeze %dma_wait3A_73 : memref<1x128xi32, #tpu.memory_space<hbm>> -> memref<128xi32, #tpu.memory_space<hbm>>
        %dma_wait3A_75 = arith.constant 0 : i32
        %dma_wait3A_76 = tpu.memref_slice %arg3[%add3A_70, %dma_wait3A_75] : memref<2528x128xi32, #tpu.memory_space<hbm>> -> memref<1x128xi32, #tpu.memory_space<hbm>>
        %dma_wait3A_77 = tpu.memref_squeeze %dma_wait3A_76 : memref<1x128xi32, #tpu.memory_space<hbm>> -> memref<128xi32, #tpu.memory_space<hbm>>
        tpu.wait_dma2 semaphore(%arg17 : memref<!tpu.dma_semaphore, #tpu.memory_space<semaphore_mem>>) src(%dma_wait3A_77 : memref<128xi32, #tpu.memory_space<hbm>>) dst(%arg8 : memref<128xi32, #tpu.memory_space<vmem>>)
        %dma_wait3A_78 = arith.constant 0 : i32
        %dma_wait3A_79 = tpu.memref_slice %arg4[%add3A_71, %dma_wait3A_78] : memref<2528x128xi32, #tpu.memory_space<hbm>> -> memref<1x128xi32, #tpu.memory_space<hbm>>
        %dma_wait3A_80 = tpu.memref_squeeze %dma_wait3A_79 : memref<1x128xi32, #tpu.memory_space<hbm>> -> memref<128xi32, #tpu.memory_space<hbm>>
        %dma_wait3A_81 = arith.constant 0 : i32
        %dma_wait3A_82 = tpu.memref_slice %arg4[%add3A_71, %dma_wait3A_81] : memref<2528x128xi32, #tpu.memory_space<hbm>> -> memref<1x128xi32, #tpu.memory_space<hbm>>
        %dma_wait3A_83 = tpu.memref_squeeze %dma_wait3A_82 : memref<1x128xi32, #tpu.memory_space<hbm>> -> memref<128xi32, #tpu.memory_space<hbm>>
        tpu.wait_dma2 semaphore(%arg17 : memref<!tpu.dma_semaphore, #tpu.memory_space<semaphore_mem>>) src(%dma_wait3A_83 : memref<128xi32, #tpu.memory_space<hbm>>) dst(%arg10 : memref<128xi32, #tpu.memory_space<vmem>>)
        %add3A_84 = arith.constant 1 : i32
        %add3A_85 = arith.addi %mul3A_67, %add3A_84 : i32
        %dma_start3A_86 = arith.constant 0 : i32
        %dma_start3A_87 = arith.constant 0 : i32
        %dma_start3A_88 = tpu.memref_slice %arg2[%dma_start3A_86, %dma_start3A_87] : memref<10000x128xf32, #tpu.memory_space<hbm>> -> memref<10000x128xf32, #tpu.memory_space<hbm>>
        tpu.enqueue_indirect_dma source(%dma_start3A_88 : memref<10000x128xf32, #tpu.memory_space<hbm>>) target(%arg12 : memref<128x128xf32, #tpu.memory_space<vmem>>) offsets(%arg8 : memref<128xi32, #tpu.memory_space<vmem>>) semaphore(%arg15 : memref<!tpu.dma_semaphore, #tpu.memory_space<semaphore_mem>>)
        %dma_wait3A_89 = arith.constant 0 : i32
        %dma_wait3A_90 = arith.constant 0 : i32
        %dma_wait3A_91 = tpu.memref_slice %arg2[%dma_wait3A_89, %dma_wait3A_90] : memref<10000x128xf32, #tpu.memory_space<hbm>> -> memref<10000x128xf32, #tpu.memory_space<hbm>>
        tpu.wait_indirect_dma semaphore(%arg14 : memref<!tpu.dma_semaphore, #tpu.memory_space<semaphore_mem>>) src(%dma_wait3A_91 : memref<10000x128xf32, #tpu.memory_space<hbm>>) dst(%arg11 : memref<128x128xf32, #tpu.memory_space<vmem>>)
        "tpu.region"() ({
          %run_scoped3A = tpu.sem_alloc : memref<!tpu.dma_semaphore, #tpu.memory_space<semaphore_mem>>
          %dma_start3A_106 = arith.constant 0 : i32
          %dma_start3A_107 = arith.constant 0 : i32
          %dma_start3A_108 = tpu.memref_slice %arg13[%dma_start3A_106, %dma_start3A_107] : memref<10112x128xf32, #tpu.memory_space<vmem_shared>> -> memref<10112x128xf32, #tpu.memory_space<vmem_shared>>
          tpu.enqueue_indirect_dma source(%arg11 : memref<128x128xf32, #tpu.memory_space<vmem>>) target(%dma_start3A_108 : memref<10112x128xf32, #tpu.memory_space<vmem_shared>>) offsets(%arg9 : memref<128xi32, #tpu.memory_space<vmem>>) semaphore(%run_scoped3A : memref<!tpu.dma_semaphore, #tpu.memory_space<semaphore_mem>>) {add = true}
          %dma_wait3A_109 = arith.constant 0 : i32
          %dma_wait3A_110 = arith.constant 0 : i32
          %dma_wait3A_111 = tpu.memref_slice %arg13[%dma_wait3A_109, %dma_wait3A_110] : memref<10112x128xf32, #tpu.memory_space<vmem_shared>> -> memref<10112x128xf32, #tpu.memory_space<vmem_shared>>
          tpu.wait_indirect_dma semaphore(%run_scoped3A : memref<!tpu.dma_semaphore, #tpu.memory_space<semaphore_mem>>) src(%arg11 : memref<128x128xf32, #tpu.memory_space<vmem>>) dst(%dma_wait3A_111 : memref<10112x128xf32, #tpu.memory_space<vmem_shared>>)
          tpu.yield
        }) : () -> ()
        %lt3A = arith.constant 78 : i32
        %lt3A_92 = arith.cmpi slt, %scan3A_65, %lt3A : i32
        %convert_element_type3A_93 = arith.extui %lt3A_92 : i1 to i32
        %cond3A_94 = arith.constant 0 : i32
        %cond3A_95 = arith.cmpi ne, %convert_element_type3A_93, %cond3A_94 : i32
        scf.if %cond3A_95 {
          %add3A_106 = arith.constant 2 : i32
          %add3A_107 = arith.addi %mul3A_67, %add3A_106 : i32
          %add3A_108 = arith.addi %mul3A_2, %add3A_107 : i32
          %add3A_109 = arith.addi %mul3A_2, %add3A_107 : i32
          %dma_start3A_110 = arith.constant 0 : i32
          %dma_start3A_111 = tpu.memref_slice %arg3[%add3A_108, %dma_start3A_110] : memref<2528x128xi32, #tpu.memory_space<hbm>> -> memref<1x128xi32, #tpu.memory_space<hbm>>
          %dma_start3A_112 = tpu.memref_squeeze %dma_start3A_111 : memref<1x128xi32, #tpu.memory_space<hbm>> -> memref<128xi32, #tpu.memory_space<hbm>>
          %dma_start3A_113 = arith.constant 0 : i32
          %dma_start3A_114 = tpu.memref_slice %arg3[%add3A_108, %dma_start3A_113] : memref<2528x128xi32, #tpu.memory_space<hbm>> -> memref<1x128xi32, #tpu.memory_space<hbm>>
          %dma_start3A_115 = tpu.memref_squeeze %dma_start3A_114 : memref<1x128xi32, #tpu.memory_space<hbm>> -> memref<128xi32, #tpu.memory_space<hbm>>
          tpu.enqueue_dma source(%dma_start3A_115 : memref<128xi32, #tpu.memory_space<hbm>>) target(%arg7 : memref<128xi32, #tpu.memory_space<vmem>>) target_semaphore(%arg16 : memref<!tpu.dma_semaphore, #tpu.memory_space<semaphore_mem>>)
          %dma_start3A_116 = arith.constant 0 : i32
          %dma_start3A_117 = tpu.memref_slice %arg4[%add3A_109, %dma_start3A_116] : memref<2528x128xi32, #tpu.memory_space<hbm>> -> memref<1x128xi32, #tpu.memory_space<hbm>>
          %dma_start3A_118 = tpu.memref_squeeze %dma_start3A_117 : memref<1x128xi32, #tpu.memory_space<hbm>> -> memref<128xi32, #tpu.memory_space<hbm>>
          %dma_start3A_119 = arith.constant 0 : i32
          %dma_start3A_120 = tpu.memref_slice %arg4[%add3A_109, %dma_start3A_119] : memref<2528x128xi32, #tpu.memory_space<hbm>> -> memref<1x128xi32, #tpu.memory_space<hbm>>
          %dma_start3A_121 = tpu.memref_squeeze %dma_start3A_120 : memref<1x128xi32, #tpu.memory_space<hbm>> -> memref<128xi32, #tpu.memory_space<hbm>>
          tpu.enqueue_dma source(%dma_start3A_121 : memref<128xi32, #tpu.memory_space<hbm>>) target(%arg9 : memref<128xi32, #tpu.memory_space<vmem>>) target_semaphore(%arg16 : memref<!tpu.dma_semaphore, #tpu.memory_space<semaphore_mem>>)
        } else {
        }
        %add3A_96 = arith.constant 1 : i32
        %add3A_97 = arith.addi %mul3A_67, %add3A_96 : i32
        %dma_wait3A_98 = arith.constant 0 : i32
        %dma_wait3A_99 = arith.constant 0 : i32
        %dma_wait3A_100 = tpu.memref_slice %arg2[%dma_wait3A_98, %dma_wait3A_99] : memref<10000x128xf32, #tpu.memory_space<hbm>> -> memref<10000x128xf32, #tpu.memory_space<hbm>>
        tpu.wait_indirect_dma semaphore(%arg15 : memref<!tpu.dma_semaphore, #tpu.memory_space<semaphore_mem>>) src(%dma_wait3A_100 : memref<10000x128xf32, #tpu.memory_space<hbm>>) dst(%arg12 : memref<128x128xf32, #tpu.memory_space<vmem>>)
        "tpu.region"() ({
          %run_scoped3A = tpu.sem_alloc : memref<!tpu.dma_semaphore, #tpu.memory_space<semaphore_mem>>
          %dma_start3A_106 = arith.constant 0 : i32
          %dma_start3A_107 = arith.constant 0 : i32
          %dma_start3A_108 = tpu.memref_slice %arg13[%dma_start3A_106, %dma_start3A_107] : memref<10112x128xf32, #tpu.memory_space<vmem_shared>> -> memref<10112x128xf32, #tpu.memory_space<vmem_shared>>
          tpu.enqueue_indirect_dma source(%arg12 : memref<128x128xf32, #tpu.memory_space<vmem>>) target(%dma_start3A_108 : memref<10112x128xf32, #tpu.memory_space<vmem_shared>>) offsets(%arg10 : memref<128xi32, #tpu.memory_space<vmem>>) semaphore(%run_scoped3A : memref<!tpu.dma_semaphore, #tpu.memory_space<semaphore_mem>>) {add = true}
          %dma_wait3A_109 = arith.constant 0 : i32
          %dma_wait3A_110 = arith.constant 0 : i32
          %dma_wait3A_111 = tpu.memref_slice %arg13[%dma_wait3A_109, %dma_wait3A_110] : memref<10112x128xf32, #tpu.memory_space<vmem_shared>> -> memref<10112x128xf32, #tpu.memory_space<vmem_shared>>
          tpu.wait_indirect_dma semaphore(%run_scoped3A : memref<!tpu.dma_semaphore, #tpu.memory_space<semaphore_mem>>) src(%arg12 : memref<128x128xf32, #tpu.memory_space<vmem>>) dst(%dma_wait3A_111 : memref<10112x128xf32, #tpu.memory_space<vmem_shared>>)
          tpu.yield
        }) : () -> ()
        %lt3A_101 = arith.constant 78 : i32
        %lt3A_102 = arith.cmpi slt, %scan3A_65, %lt3A_101 : i32
        %convert_element_type3A_103 = arith.extui %lt3A_102 : i1 to i32
        %cond3A_104 = arith.constant 0 : i32
        %cond3A_105 = arith.cmpi ne, %convert_element_type3A_103, %cond3A_104 : i32
        scf.if %cond3A_105 {
          %add3A_106 = arith.constant 3 : i32
          %add3A_107 = arith.addi %mul3A_67, %add3A_106 : i32
          %add3A_108 = arith.addi %mul3A_2, %add3A_107 : i32
          %add3A_109 = arith.addi %mul3A_2, %add3A_107 : i32
          %dma_start3A_110 = arith.constant 0 : i32
          %dma_start3A_111 = tpu.memref_slice %arg3[%add3A_108, %dma_start3A_110] : memref<2528x128xi32, #tpu.memory_space<hbm>> -> memref<1x128xi32, #tpu.memory_space<hbm>>
          %dma_start3A_112 = tpu.memref_squeeze %dma_start3A_111 : memref<1x128xi32, #tpu.memory_space<hbm>> -> memref<128xi32, #tpu.memory_space<hbm>>
          %dma_start3A_113 = arith.constant 0 : i32
          %dma_start3A_114 = tpu.memref_slice %arg3[%add3A_108, %dma_start3A_113] : memref<2528x128xi32, #tpu.memory_space<hbm>> -> memref<1x128xi32, #tpu.memory_space<hbm>>
          %dma_start3A_115 = tpu.memref_squeeze %dma_start3A_114 : memref<1x128xi32, #tpu.memory_space<hbm>> -> memref<128xi32, #tpu.memory_space<hbm>>
          tpu.enqueue_dma source(%dma_start3A_115 : memref<128xi32, #tpu.memory_space<hbm>>) target(%arg8 : memref<128xi32, #tpu.memory_space<vmem>>) target_semaphore(%arg17 : memref<!tpu.dma_semaphore, #tpu.memory_space<semaphore_mem>>)
          %dma_start3A_116 = arith.constant 0 : i32
          %dma_start3A_117 = tpu.memref_slice %arg4[%add3A_109, %dma_start3A_116] : memref<2528x128xi32, #tpu.memory_space<hbm>> -> memref<1x128xi32, #tpu.memory_space<hbm>>
          %dma_start3A_118 = tpu.memref_squeeze %dma_start3A_117 : memref<1x128xi32, #tpu.memory_space<hbm>> -> memref<128xi32, #tpu.memory_space<hbm>>
          %dma_start3A_119 = arith.constant 0 : i32
          %dma_start3A_120 = tpu.memref_slice %arg4[%add3A_109, %dma_start3A_119] : memref<2528x128xi32, #tpu.memory_space<hbm>> -> memref<1x128xi32, #tpu.memory_space<hbm>>
          %dma_start3A_121 = tpu.memref_squeeze %dma_start3A_120 : memref<1x128xi32, #tpu.memory_space<hbm>> -> memref<128xi32, #tpu.memory_space<hbm>>
          tpu.enqueue_dma source(%dma_start3A_121 : memref<128xi32, #tpu.memory_space<hbm>>) target(%arg10 : memref<128xi32, #tpu.memory_space<vmem>>) target_semaphore(%arg17 : memref<!tpu.dma_semaphore, #tpu.memory_space<semaphore_mem>>)
          %add3A_122 = arith.constant 2 : i32
          %add3A_123 = arith.addi %mul3A_67, %add3A_122 : i32
          %add3A_124 = arith.addi %mul3A_2, %add3A_123 : i32
          %add3A_125 = arith.addi %mul3A_2, %add3A_123 : i32
          %dma_wait3A_126 = arith.constant 0 : i32
          %dma_wait3A_127 = tpu.memref_slice %arg3[%add3A_124, %dma_wait3A_126] : memref<2528x128xi32, #tpu.memory_space<hbm>> -> memref<1x128xi32, #tpu.memory_space<hbm>>
          %dma_wait3A_128 = tpu.memref_squeeze %dma_wait3A_127 : memref<1x128xi32, #tpu.memory_space<hbm>> -> memref<128xi32, #tpu.memory_space<hbm>>
          %dma_wait3A_129 = arith.constant 0 : i32
          %dma_wait3A_130 = tpu.memref_slice %arg3[%add3A_124, %dma_wait3A_129] : memref<2528x128xi32, #tpu.memory_space<hbm>> -> memref<1x128xi32, #tpu.memory_space<hbm>>
          %dma_wait3A_131 = tpu.memref_squeeze %dma_wait3A_130 : memref<1x128xi32, #tpu.memory_space<hbm>> -> memref<128xi32, #tpu.memory_space<hbm>>
          tpu.wait_dma2 semaphore(%arg16 : memref<!tpu.dma_semaphore, #tpu.memory_space<semaphore_mem>>) src(%dma_wait3A_131 : memref<128xi32, #tpu.memory_space<hbm>>) dst(%arg7 : memref<128xi32, #tpu.memory_space<vmem>>)
          %dma_wait3A_132 = arith.constant 0 : i32
          %dma_wait3A_133 = tpu.memref_slice %arg4[%add3A_125, %dma_wait3A_132] : memref<2528x128xi32, #tpu.memory_space<hbm>> -> memref<1x128xi32, #tpu.memory_space<hbm>>
          %dma_wait3A_134 = tpu.memref_squeeze %dma_wait3A_133 : memref<1x128xi32, #tpu.memory_space<hbm>> -> memref<128xi32, #tpu.memory_space<hbm>>
          %dma_wait3A_135 = arith.constant 0 : i32
          %dma_wait3A_136 = tpu.memref_slice %arg4[%add3A_125, %dma_wait3A_135] : memref<2528x128xi32, #tpu.memory_space<hbm>> -> memref<1x128xi32, #tpu.memory_space<hbm>>
          %dma_wait3A_137 = tpu.memref_squeeze %dma_wait3A_136 : memref<1x128xi32, #tpu.memory_space<hbm>> -> memref<128xi32, #tpu.memory_space<hbm>>
          tpu.wait_dma2 semaphore(%arg16 : memref<!tpu.dma_semaphore, #tpu.memory_space<semaphore_mem>>) src(%dma_wait3A_137 : memref<128xi32, #tpu.memory_space<hbm>>) dst(%arg9 : memref<128xi32, #tpu.memory_space<vmem>>)
          %add3A_138 = arith.constant 2 : i32
          %add3A_139 = arith.addi %mul3A_67, %add3A_138 : i32
          %dma_start3A_140 = arith.constant 0 : i32
          %dma_start3A_141 = arith.constant 0 : i32
          %dma_start3A_142 = tpu.memref_slice %arg2[%dma_start3A_140, %dma_start3A_141] : memref<10000x128xf32, #tpu.memory_space<hbm>> -> memref<10000x128xf32, #tpu.memory_space<hbm>>
          tpu.enqueue_indirect_dma source(%dma_start3A_142 : memref<10000x128xf32, #tpu.memory_space<hbm>>) target(%arg11 : memref<128x128xf32, #tpu.memory_space<vmem>>) offsets(%arg7 : memref<128xi32, #tpu.memory_space<vmem>>) semaphore(%arg14 : memref<!tpu.dma_semaphore, #tpu.memory_space<semaphore_mem>>)
        } else {
        }
      }
      %scan3A_59 = arith.constant 79 : i32
      %barrier3A_60 = arith.constant 0 : index
      tpu.barrier barrier_id(%barrier3A_60)
      %mul3A_61 = arith.constant 632 : i32
      %mul3A_62 = arith.muli %arg1, %mul3A_61 : i32
      %mul3A_63 = arith.constant 632 : i32
      %mul3A_64 = arith.muli %arg1, %mul3A_63 : i32
      "tpu.region"() ({
        %run_scoped3A = tpu.sem_alloc : memref<!tpu.dma_semaphore, #tpu.memory_space<semaphore_mem>>
        %dma_start3A_65 = arith.constant 0 : i32
        %dma_start3A_66 = tpu.memref_slice %arg6[%mul3A_64, %dma_start3A_65] : memref<10112x128xf32, #tpu.memory_space<hbm>> -> memref<632x128xf32, #tpu.memory_space<hbm>>
        %dma_start3A_67 = arith.constant 0 : i32
        %dma_start3A_68 = tpu.memref_slice %arg13[%mul3A_62, %dma_start3A_67] : memref<10112x128xf32, #tpu.memory_space<vmem_shared>> -> memref<632x128xf32, #tpu.memory_space<vmem_shared>>
        tpu.enqueue_dma source(%dma_start3A_68 : memref<632x128xf32, #tpu.memory_space<vmem_shared>>) target(%dma_start3A_66 : memref<632x128xf32, #tpu.memory_space<hbm>>) target_semaphore(%run_scoped3A : memref<!tpu.dma_semaphore, #tpu.memory_space<semaphore_mem>>)
        %dma_wait3A_69 = arith.constant 0 : i32
        %dma_wait3A_70 = tpu.memref_slice %arg6[%mul3A_64, %dma_wait3A_69] : memref<10112x128xf32, #tpu.memory_space<hbm>> -> memref<632x128xf32, #tpu.memory_space<hbm>>
        %dma_wait3A_71 = arith.constant 0 : i32
        %dma_wait3A_72 = tpu.memref_slice %arg13[%mul3A_62, %dma_wait3A_71] : memref<10112x128xf32, #tpu.memory_space<vmem_shared>> -> memref<632x128xf32, #tpu.memory_space<vmem_shared>>
        tpu.wait_dma2 semaphore(%run_scoped3A : memref<!tpu.dma_semaphore, #tpu.memory_space<semaphore_mem>>) src(%dma_wait3A_72 : memref<632x128xf32, #tpu.memory_space<vmem_shared>>) dst(%dma_wait3A_70 : memref<632x128xf32, #tpu.memory_space<hbm>>)
        tpu.yield
      }) : () -> ()
    } else {
    }
    return
  }
}

#map = affine_map<(d0, d1) -> (0, 0)>
module attributes {stable_mosaic.version = 14 : i64} {
  func.func @segsum(%arg0: i32, %arg1: i32, %arg2: memref<10000x128xf32, #tpu.memory_space<hbm>>, %arg3: memref<2528x128xi32, #tpu.memory_space<hbm>>, %arg4: memref<2528x128xi32, #tpu.memory_space<hbm>>, %arg5: memref<10112x128xf32, #tpu.memory_space<hbm>>, %arg6: memref<10112x128xf32, #tpu.memory_space<hbm>>, %arg7: memref<128xi32, #tpu.memory_space<vmem>>, %arg8: memref<128xi32, #tpu.memory_space<vmem>>, %arg9: memref<128xi32, #tpu.memory_space<vmem>>, %arg10: memref<128xi32, #tpu.memory_space<vmem>>, %arg11: memref<128x128xf32, #tpu.memory_space<vmem>>, %arg12: memref<128x128xf32, #tpu.memory_space<vmem>>, %arg13: memref<10112x128xf32, #tpu.memory_space<vmem_shared>>, %arg14: memref<!tpu.dma_semaphore, #tpu.memory_space<semaphore_mem>>, %arg15: memref<!tpu.dma_semaphore, #tpu.memory_space<semaphore_mem>>, %arg16: memref<!tpu.dma_semaphore, #tpu.memory_space<semaphore_mem>>, %arg17: memref<!tpu.dma_semaphore, #tpu.memory_space<semaphore_mem>>) attributes {dimension_semantics = [#tpu.dimension_semantics<core_parallel>, #tpu.dimension_semantics<subcore_parallel>], iteration_bounds = array<i64: 2, 16>, scalar_prefetch = 0 : i64, scratch_operands = 11 : i64, tpu.core_type = #tpu.core_type<sc_vector_subcore>, window_params = [{transform_indices = #map}, {transform_indices = #map}, {transform_indices = #map}, {transform_indices = #map}, {transform_indices = #map}]} {
    %eq3A = arith.constant 0 : i32
    %eq3A_0 = arith.cmpi eq, %arg0, %eq3A : i32
    %convert_element_type3A = arith.extui %eq3A_0 : i1 to i32
    %cond3A = arith.constant 0 : i32
    %cond3A_1 = arith.cmpi ne, %convert_element_type3A, %cond3A : i32
    scf.if %cond3A_1 {
      %mul3A = arith.constant 158 : i32
      %mul3A_2 = arith.muli %arg1, %mul3A : i32
      %mul3A_3 = arith.constant 632 : i32
      %mul3A_4 = arith.muli %arg1, %mul3A_3 : i32
      %mul3A_5 = arith.constant 632 : i32
      %mul3A_6 = arith.muli %arg1, %mul3A_5 : i32
      "tpu.region"() ({
        %run_scoped3A = tpu.sem_alloc : memref<!tpu.dma_semaphore, #tpu.memory_space<semaphore_mem>>
        %dma_start3A_65 = arith.constant 0 : i32
        %dma_start3A_66 = tpu.memref_slice %arg13[%mul3A_6, %dma_start3A_65] : memref<10112x128xf32, #tpu.memory_space<vmem_shared>> -> memref<632x128xf32, #tpu.memory_space<vmem_shared>>
        %dma_start3A_67 = arith.constant 0 : i32
        %dma_start3A_68 = tpu.memref_slice %arg5[%mul3A_4, %dma_start3A_67] : memref<10112x128xf32, #tpu.memory_space<hbm>> -> memref<632x128xf32, #tpu.memory_space<hbm>>
        tpu.enqueue_dma source(%dma_start3A_68 : memref<632x128xf32, #tpu.memory_space<hbm>>) target(%dma_start3A_66 : memref<632x128xf32, #tpu.memory_space<vmem_shared>>) target_semaphore(%run_scoped3A : memref<!tpu.dma_semaphore, #tpu.memory_space<semaphore_mem>>)
        %dma_wait3A_69 = arith.constant 0 : i32
        %dma_wait3A_70 = tpu.memref_slice %arg13[%mul3A_6, %dma_wait3A_69] : memref<10112x128xf32, #tpu.memory_space<vmem_shared>> -> memref<632x128xf32, #tpu.memory_space<vmem_shared>>
        %dma_wait3A_71 = arith.constant 0 : i32
        %dma_wait3A_72 = tpu.memref_slice %arg5[%mul3A_4, %dma_wait3A_71] : memref<10112x128xf32, #tpu.memory_space<hbm>> -> memref<632x128xf32, #tpu.memory_space<hbm>>
        tpu.wait_dma2 semaphore(%run_scoped3A : memref<!tpu.dma_semaphore, #tpu.memory_space<semaphore_mem>>) src(%dma_wait3A_72 : memref<632x128xf32, #tpu.memory_space<hbm>>) dst(%dma_wait3A_70 : memref<632x128xf32, #tpu.memory_space<vmem_shared>>)
        tpu.yield
      }) : () -> ()
      %barrier3A = arith.constant 0 : index
      tpu.barrier barrier_id(%barrier3A)
      %add3A = arith.constant 0 : i32
      %add3A_7 = arith.addi %mul3A_2, %add3A : i32
      %add3A_8 = arith.constant 0 : i32
      %add3A_9 = arith.addi %mul3A_2, %add3A_8 : i32
      %dma_start3A = arith.constant 0 : i32
      %dma_start3A_10 = tpu.memref_slice %arg3[%add3A_7, %dma_start3A] : memref<2528x128xi32, #tpu.memory_space<hbm>> -> memref<1x128xi32, #tpu.memory_space<hbm>>
      %dma_start3A_11 = tpu.memref_squeeze %dma_start3A_10 : memref<1x128xi32, #tpu.memory_space<hbm>> -> memref<128xi32, #tpu.memory_space<hbm>>
      %dma_start3A_12 = arith.constant 0 : i32
      %dma_start3A_13 = tpu.memref_slice %arg3[%add3A_7, %dma_start3A_12] : memref<2528x128xi32, #tpu.memory_space<hbm>> -> memref<1x128xi32, #tpu.memory_space<hbm>>
      %dma_start3A_14 = tpu.memref_squeeze %dma_start3A_13 : memref<1x128xi32, #tpu.memory_space<hbm>> -> memref<128xi32, #tpu.memory_space<hbm>>
      tpu.enqueue_dma source(%dma_start3A_14 : memref<128xi32, #tpu.memory_space<hbm>>) target(%arg7 : memref<128xi32, #tpu.memory_space<vmem>>) target_semaphore(%arg16 : memref<!tpu.dma_semaphore, #tpu.memory_space<semaphore_mem>>)
      %dma_start3A_15 = arith.constant 0 : i32
      %dma_start3A_16 = tpu.memref_slice %arg4[%add3A_9, %dma_start3A_15] : memref<2528x128xi32, #tpu.memory_space<hbm>> -> memref<1x128xi32, #tpu.memory_space<hbm>>
      %dma_start3A_17 = tpu.memref_squeeze %dma_start3A_16 : memref<1x128xi32, #tpu.memory_space<hbm>> -> memref<128xi32, #tpu.memory_space<hbm>>
      %dma_start3A_18 = arith.constant 0 : i32
      %dma_start3A_19 = tpu.memref_slice %arg4[%add3A_9, %dma_start3A_18] : memref<2528x128xi32, #tpu.memory_space<hbm>> -> memref<1x128xi32, #tpu.memory_space<hbm>>
      %dma_start3A_20 = tpu.memref_squeeze %dma_start3A_19 : memref<1x128xi32, #tpu.memory_space<hbm>> -> memref<128xi32, #tpu.memory_space<hbm>>
      tpu.enqueue_dma source(%dma_start3A_20 : memref<128xi32, #tpu.memory_space<hbm>>) target(%arg9 : memref<128xi32, #tpu.memory_space<vmem>>) target_semaphore(%arg16 : memref<!tpu.dma_semaphore, #tpu.memory_space<semaphore_mem>>)
      %add3A_21 = arith.constant 1 : i32
      %add3A_22 = arith.addi %mul3A_2, %add3A_21 : i32
      %add3A_23 = arith.constant 1 : i32
      %add3A_24 = arith.addi %mul3A_2, %add3A_23 : i32
      %dma_start3A_25 = arith.constant 0 : i32
      %dma_start3A_26 = tpu.memref_slice %arg3[%add3A_22, %dma_start3A_25] : memref<2528x128xi32, #tpu.memory_space<hbm>> -> memref<1x128xi32, #tpu.memory_space<hbm>>
      %dma_start3A_27 = tpu.memref_squeeze %dma_start3A_26 : memref<1x128xi32, #tpu.memory_space<hbm>> -> memref<128xi32, #tpu.memory_space<hbm>>
      %dma_start3A_28 = arith.constant 0 : i32
      %dma_start3A_29 = tpu.memref_slice %arg3[%add3A_22, %dma_start3A_28] : memref<2528x128xi32, #tpu.memory_space<hbm>> -> memref<1x128xi32, #tpu.memory_space<hbm>>
      %dma_start3A_30 = tpu.memref_squeeze %dma_start3A_29 : memref<1x128xi32, #tpu.memory_space<hbm>> -> memref<128xi32, #tpu.memory_space<hbm>>
      tpu.enqueue_dma source(%dma_start3A_30 : memref<128xi32, #tpu.memory_space<hbm>>) target(%arg8 : memref<128xi32, #tpu.memory_space<vmem>>) target_semaphore(%arg17 : memref<!tpu.dma_semaphore, #tpu.memory_space<semaphore_mem>>)
      %dma_start3A_31 = arith.constant 0 : i32
      %dma_start3A_32 = tpu.memref_slice %arg4[%add3A_24, %dma_start3A_31] : memref<2528x128xi32, #tpu.memory_space<hbm>> -> memref<1x128xi32, #tpu.memory_space<hbm>>
      %dma_start3A_33 = tpu.memref_squeeze %dma_start3A_32 : memref<1x128xi32, #tpu.memory_space<hbm>> -> memref<128xi32, #tpu.memory_space<hbm>>
      %dma_start3A_34 = arith.constant 0 : i32
      %dma_start3A_35 = tpu.memref_slice %arg4[%add3A_24, %dma_start3A_34] : memref<2528x128xi32, #tpu.memory_space<hbm>> -> memref<1x128xi32, #tpu.memory_space<hbm>>
      %dma_start3A_36 = tpu.memref_squeeze %dma_start3A_35 : memref<1x128xi32, #tpu.memory_space<hbm>> -> memref<128xi32, #tpu.memory_space<hbm>>
      tpu.enqueue_dma source(%dma_start3A_36 : memref<128xi32, #tpu.memory_space<hbm>>) target(%arg10 : memref<128xi32, #tpu.memory_space<vmem>>) target_semaphore(%arg17 : memref<!tpu.dma_semaphore, #tpu.memory_space<semaphore_mem>>)
      %add3A_37 = arith.constant 0 : i32
      %add3A_38 = arith.addi %mul3A_2, %add3A_37 : i32
      %add3A_39 = arith.constant 0 : i32
      %add3A_40 = arith.addi %mul3A_2, %add3A_39 : i32
      %dma_wait3A = arith.constant 0 : i32
      %dma_wait3A_41 = tpu.memref_slice %arg3[%add3A_38, %dma_wait3A] : memref<2528x128xi32, #tpu.memory_space<hbm>> -> memref<1x128xi32, #tpu.memory_space<hbm>>
      %dma_wait3A_42 = tpu.memref_squeeze %dma_wait3A_41 : memref<1x128xi32, #tpu.memory_space<hbm>> -> memref<128xi32, #tpu.memory_space<hbm>>
      %dma_wait3A_43 = arith.constant 0 : i32
      %dma_wait3A_44 = tpu.memref_slice %arg3[%add3A_38, %dma_wait3A_43] : memref<2528x128xi32, #tpu.memory_space<hbm>> -> memref<1x128xi32, #tpu.memory_space<hbm>>
      %dma_wait3A_45 = tpu.memref_squeeze %dma_wait3A_44 : memref<1x128xi32, #tpu.memory_space<hbm>> -> memref<128xi32, #tpu.memory_space<hbm>>
      tpu.wait_dma2 semaphore(%arg16 : memref<!tpu.dma_semaphore, #tpu.memory_space<semaphore_mem>>) src(%dma_wait3A_45 : memref<128xi32, #tpu.memory_space<hbm>>) dst(%arg7 : memref<128xi32, #tpu.memory_space<vmem>>)
      %dma_wait3A_46 = arith.constant 0 : i32
      %dma_wait3A_47 = tpu.memref_slice %arg4[%add3A_40, %dma_wait3A_46] : memref<2528x128xi32, #tpu.memory_space<hbm>> -> memref<1x128xi32, #tpu.memory_space<hbm>>
      %dma_wait3A_48 = tpu.memref_squeeze %dma_wait3A_47 : memref<1x128xi32, #tpu.memory_space<hbm>> -> memref<128xi32, #tpu.memory_space<hbm>>
      %dma_wait3A_49 = arith.constant 0 : i32
      %dma_wait3A_50 = tpu.memref_slice %arg4[%add3A_40, %dma_wait3A_49] : memref<2528x128xi32, #tpu.memory_space<hbm>> -> memref<1x128xi32, #tpu.memory_space<hbm>>
      %dma_wait3A_51 = tpu.memref_squeeze %dma_wait3A_50 : memref<1x128xi32, #tpu.memory_space<hbm>> -> memref<128xi32, #tpu.memory_space<hbm>>
      tpu.wait_dma2 semaphore(%arg16 : memref<!tpu.dma_semaphore, #tpu.memory_space<semaphore_mem>>) src(%dma_wait3A_51 : memref<128xi32, #tpu.memory_space<hbm>>) dst(%arg9 : memref<128xi32, #tpu.memory_space<vmem>>)
      %dma_start3A_52 = arith.constant 0 : i32
      %dma_start3A_53 = arith.constant 0 : i32
      %dma_start3A_54 = tpu.memref_slice %arg2[%dma_start3A_52, %dma_start3A_53] : memref<10000x128xf32, #tpu.memory_space<hbm>> -> memref<10000x128xf32, #tpu.memory_space<hbm>>
      tpu.enqueue_indirect_dma source(%dma_start3A_54 : memref<10000x128xf32, #tpu.memory_space<hbm>>) target(%arg11 : memref<128x128xf32, #tpu.memory_space<vmem>>) offsets(%arg7 : memref<128xi32, #tpu.memory_space<vmem>>) semaphore(%arg14 : memref<!tpu.dma_semaphore, #tpu.memory_space<semaphore_mem>>)
      %scan3A = arith.constant 0 : i32
      %scan3A_55 = arith.constant 0 : i32
      %scan3A_56 = arith.constant 79 : i32
      %scan3A_57 = arith.addi %scan3A_55, %scan3A_56 : i32
      %scan3A_58 = arith.constant 1 : i32
      scf.for %scan3A_65 = %scan3A_55 to %scan3A_57 step %scan3A_58  : i32 {
        %mul3A_66 = arith.constant 2 : i32
        %mul3A_67 = arith.muli %scan3A_65, %mul3A_66 : i32
        %add3A_68 = arith.constant 1 : i32
        %add3A_69 = arith.addi %mul3A_67, %add3A_68 : i32
        %add3A_70 = arith.addi %mul3A_2, %add3A_69 : i32
        %add3A_71 = arith.addi %mul3A_2, %add3A_69 : i32
        %dma_wait3A_72 = arith.constant 0 : i32
        %dma_wait3A_73 = tpu.memref_slice %arg3[%add3A_70, %dma_wait3A_72] : memref<2528x128xi32, #tpu.memory_space<hbm>> -> memref<1x128xi32, #tpu.memory_space<hbm>>
        %dma_wait3A_74 = tpu.memref_squeeze %dma_wait3A_73 : memref<1x128xi32, #tpu.memory_space<hbm>> -> memref<128xi32, #tpu.memory_space<hbm>>
        %dma_wait3A_75 = arith.constant 0 : i32
        %dma_wait3A_76 = tpu.memref_slice %arg3[%add3A_70, %dma_wait3A_75] : memref<2528x128xi32, #tpu.memory_space<hbm>> -> memref<1x128xi32, #tpu.memory_space<hbm>>
        %dma_wait3A_77 = tpu.memref_squeeze %dma_wait3A_76 : memref<1x128xi32, #tpu.memory_space<hbm>> -> memref<128xi32, #tpu.memory_space<hbm>>
        tpu.wait_dma2 semaphore(%arg17 : memref<!tpu.dma_semaphore, #tpu.memory_space<semaphore_mem>>) src(%dma_wait3A_77 : memref<128xi32, #tpu.memory_space<hbm>>) dst(%arg8 : memref<128xi32, #tpu.memory_space<vmem>>)
        %dma_wait3A_78 = arith.constant 0 : i32
        %dma_wait3A_79 = tpu.memref_slice %arg4[%add3A_71, %dma_wait3A_78] : memref<2528x128xi32, #tpu.memory_space<hbm>> -> memref<1x128xi32, #tpu.memory_space<hbm>>
        %dma_wait3A_80 = tpu.memref_squeeze %dma_wait3A_79 : memref<1x128xi32, #tpu.memory_space<hbm>> -> memref<128xi32, #tpu.memory_space<hbm>>
        %dma_wait3A_81 = arith.constant 0 : i32
        %dma_wait3A_82 = tpu.memref_slice %arg4[%add3A_71, %dma_wait3A_81] : memref<2528x128xi32, #tpu.memory_space<hbm>> -> memref<1x128xi32, #tpu.memory_space<hbm>>
        %dma_wait3A_83 = tpu.memref_squeeze %dma_wait3A_82 : memref<1x128xi32, #tpu.memory_space<hbm>> -> memref<128xi32, #tpu.memory_space<hbm>>
        tpu.wait_dma2 semaphore(%arg17 : memref<!tpu.dma_semaphore, #tpu.memory_space<semaphore_mem>>) src(%dma_wait3A_83 : memref<128xi32, #tpu.memory_space<hbm>>) dst(%arg10 : memref<128xi32, #tpu.memory_space<vmem>>)
        %add3A_84 = arith.constant 1 : i32
        %add3A_85 = arith.addi %mul3A_67, %add3A_84 : i32
        %dma_start3A_86 = arith.constant 0 : i32
        %dma_start3A_87 = arith.constant 0 : i32
        %dma_start3A_88 = tpu.memref_slice %arg2[%dma_start3A_86, %dma_start3A_87] : memref<10000x128xf32, #tpu.memory_space<hbm>> -> memref<10000x128xf32, #tpu.memory_space<hbm>>
        tpu.enqueue_indirect_dma source(%dma_start3A_88 : memref<10000x128xf32, #tpu.memory_space<hbm>>) target(%arg12 : memref<128x128xf32, #tpu.memory_space<vmem>>) offsets(%arg8 : memref<128xi32, #tpu.memory_space<vmem>>) semaphore(%arg15 : memref<!tpu.dma_semaphore, #tpu.memory_space<semaphore_mem>>)
        %dma_wait3A_89 = arith.constant 0 : i32
        %dma_wait3A_90 = arith.constant 0 : i32
        %dma_wait3A_91 = tpu.memref_slice %arg2[%dma_wait3A_89, %dma_wait3A_90] : memref<10000x128xf32, #tpu.memory_space<hbm>> -> memref<10000x128xf32, #tpu.memory_space<hbm>>
        tpu.wait_indirect_dma semaphore(%arg14 : memref<!tpu.dma_semaphore, #tpu.memory_space<semaphore_mem>>) src(%dma_wait3A_91 : memref<10000x128xf32, #tpu.memory_space<hbm>>) dst(%arg11 : memref<128x128xf32, #tpu.memory_space<vmem>>)
        "tpu.region"() ({
          %run_scoped3A = tpu.sem_alloc : memref<!tpu.dma_semaphore, #tpu.memory_space<semaphore_mem>>
          %dma_start3A_106 = arith.constant 0 : i32
          %dma_start3A_107 = arith.constant 0 : i32
          %dma_start3A_108 = tpu.memref_slice %arg13[%dma_start3A_106, %dma_start3A_107] : memref<10112x128xf32, #tpu.memory_space<vmem_shared>> -> memref<10112x128xf32, #tpu.memory_space<vmem_shared>>
          tpu.enqueue_indirect_dma source(%arg11 : memref<128x128xf32, #tpu.memory_space<vmem>>) target(%dma_start3A_108 : memref<10112x128xf32, #tpu.memory_space<vmem_shared>>) offsets(%arg9 : memref<128xi32, #tpu.memory_space<vmem>>) semaphore(%run_scoped3A : memref<!tpu.dma_semaphore, #tpu.memory_space<semaphore_mem>>) {add = true}
          %dma_wait3A_109 = arith.constant 0 : i32
          %dma_wait3A_110 = arith.constant 0 : i32
          %dma_wait3A_111 = tpu.memref_slice %arg13[%dma_wait3A_109, %dma_wait3A_110] : memref<10112x128xf32, #tpu.memory_space<vmem_shared>> -> memref<10112x128xf32, #tpu.memory_space<vmem_shared>>
          tpu.wait_indirect_dma semaphore(%run_scoped3A : memref<!tpu.dma_semaphore, #tpu.memory_space<semaphore_mem>>) src(%arg11 : memref<128x128xf32, #tpu.memory_space<vmem>>) dst(%dma_wait3A_111 : memref<10112x128xf32, #tpu.memory_space<vmem_shared>>)
          tpu.yield
        }) : () -> ()
        %lt3A = arith.constant 78 : i32
        %lt3A_92 = arith.cmpi slt, %scan3A_65, %lt3A : i32
        %convert_element_type3A_93 = arith.extui %lt3A_92 : i1 to i32
        %cond3A_94 = arith.constant 0 : i32
        %cond3A_95 = arith.cmpi ne, %convert_element_type3A_93, %cond3A_94 : i32
        scf.if %cond3A_95 {
          %add3A_106 = arith.constant 2 : i32
          %add3A_107 = arith.addi %mul3A_67, %add3A_106 : i32
          %add3A_108 = arith.addi %mul3A_2, %add3A_107 : i32
          %add3A_109 = arith.addi %mul3A_2, %add3A_107 : i32
          %dma_start3A_110 = arith.constant 0 : i32
          %dma_start3A_111 = tpu.memref_slice %arg3[%add3A_108, %dma_start3A_110] : memref<2528x128xi32, #tpu.memory_space<hbm>> -> memref<1x128xi32, #tpu.memory_space<hbm>>
          %dma_start3A_112 = tpu.memref_squeeze %dma_start3A_111 : memref<1x128xi32, #tpu.memory_space<hbm>> -> memref<128xi32, #tpu.memory_space<hbm>>
          %dma_start3A_113 = arith.constant 0 : i32
          %dma_start3A_114 = tpu.memref_slice %arg3[%add3A_108, %dma_start3A_113] : memref<2528x128xi32, #tpu.memory_space<hbm>> -> memref<1x128xi32, #tpu.memory_space<hbm>>
          %dma_start3A_115 = tpu.memref_squeeze %dma_start3A_114 : memref<1x128xi32, #tpu.memory_space<hbm>> -> memref<128xi32, #tpu.memory_space<hbm>>
          tpu.enqueue_dma source(%dma_start3A_115 : memref<128xi32, #tpu.memory_space<hbm>>) target(%arg7 : memref<128xi32, #tpu.memory_space<vmem>>) target_semaphore(%arg16 : memref<!tpu.dma_semaphore, #tpu.memory_space<semaphore_mem>>)
          %dma_start3A_116 = arith.constant 0 : i32
          %dma_start3A_117 = tpu.memref_slice %arg4[%add3A_109, %dma_start3A_116] : memref<2528x128xi32, #tpu.memory_space<hbm>> -> memref<1x128xi32, #tpu.memory_space<hbm>>
          %dma_start3A_118 = tpu.memref_squeeze %dma_start3A_117 : memref<1x128xi32, #tpu.memory_space<hbm>> -> memref<128xi32, #tpu.memory_space<hbm>>
          %dma_start3A_119 = arith.constant 0 : i32
          %dma_start3A_120 = tpu.memref_slice %arg4[%add3A_109, %dma_start3A_119] : memref<2528x128xi32, #tpu.memory_space<hbm>> -> memref<1x128xi32, #tpu.memory_space<hbm>>
          %dma_start3A_121 = tpu.memref_squeeze %dma_start3A_120 : memref<1x128xi32, #tpu.memory_space<hbm>> -> memref<128xi32, #tpu.memory_space<hbm>>
          tpu.enqueue_dma source(%dma_start3A_121 : memref<128xi32, #tpu.memory_space<hbm>>) target(%arg9 : memref<128xi32, #tpu.memory_space<vmem>>) target_semaphore(%arg16 : memref<!tpu.dma_semaphore, #tpu.memory_space<semaphore_mem>>)
        } else {
        }
        %add3A_96 = arith.constant 1 : i32
        %add3A_97 = arith.addi %mul3A_67, %add3A_96 : i32
        %dma_wait3A_98 = arith.constant 0 : i32
        %dma_wait3A_99 = arith.constant 0 : i32
        %dma_wait3A_100 = tpu.memref_slice %arg2[%dma_wait3A_98, %dma_wait3A_99] : memref<10000x128xf32, #tpu.memory_space<hbm>> -> memref<10000x128xf32, #tpu.memory_space<hbm>>
        tpu.wait_indirect_dma semaphore(%arg15 : memref<!tpu.dma_semaphore, #tpu.memory_space<semaphore_mem>>) src(%dma_wait3A_100 : memref<10000x128xf32, #tpu.memory_space<hbm>>) dst(%arg12 : memref<128x128xf32, #tpu.memory_space<vmem>>)
        "tpu.region"() ({
          %run_scoped3A = tpu.sem_alloc : memref<!tpu.dma_semaphore, #tpu.memory_space<semaphore_mem>>
          %dma_start3A_106 = arith.constant 0 : i32
          %dma_start3A_107 = arith.constant 0 : i32
          %dma_start3A_108 = tpu.memref_slice %arg13[%dma_start3A_106, %dma_start3A_107] : memref<10112x128xf32, #tpu.memory_space<vmem_shared>> -> memref<10112x128xf32, #tpu.memory_space<vmem_shared>>
          tpu.enqueue_indirect_dma source(%arg12 : memref<128x128xf32, #tpu.memory_space<vmem>>) target(%dma_start3A_108 : memref<10112x128xf32, #tpu.memory_space<vmem_shared>>) offsets(%arg10 : memref<128xi32, #tpu.memory_space<vmem>>) semaphore(%run_scoped3A : memref<!tpu.dma_semaphore, #tpu.memory_space<semaphore_mem>>) {add = true}
          %dma_wait3A_109 = arith.constant 0 : i32
          %dma_wait3A_110 = arith.constant 0 : i32
          %dma_wait3A_111 = tpu.memref_slice %arg13[%dma_wait3A_109, %dma_wait3A_110] : memref<10112x128xf32, #tpu.memory_space<vmem_shared>> -> memref<10112x128xf32, #tpu.memory_space<vmem_shared>>
          tpu.wait_indirect_dma semaphore(%run_scoped3A : memref<!tpu.dma_semaphore, #tpu.memory_space<semaphore_mem>>) src(%arg12 : memref<128x128xf32, #tpu.memory_space<vmem>>) dst(%dma_wait3A_111 : memref<10112x128xf32, #tpu.memory_space<vmem_shared>>)
          tpu.yield
        }) : () -> ()
        %lt3A_101 = arith.constant 78 : i32
        %lt3A_102 = arith.cmpi slt, %scan3A_65, %lt3A_101 : i32
        %convert_element_type3A_103 = arith.extui %lt3A_102 : i1 to i32
        %cond3A_104 = arith.constant 0 : i32
        %cond3A_105 = arith.cmpi ne, %convert_element_type3A_103, %cond3A_104 : i32
        scf.if %cond3A_105 {
          %add3A_106 = arith.constant 3 : i32
          %add3A_107 = arith.addi %mul3A_67, %add3A_106 : i32
          %add3A_108 = arith.addi %mul3A_2, %add3A_107 : i32
          %add3A_109 = arith.addi %mul3A_2, %add3A_107 : i32
          %dma_start3A_110 = arith.constant 0 : i32
          %dma_start3A_111 = tpu.memref_slice %arg3[%add3A_108, %dma_start3A_110] : memref<2528x128xi32, #tpu.memory_space<hbm>> -> memref<1x128xi32, #tpu.memory_space<hbm>>
          %dma_start3A_112 = tpu.memref_squeeze %dma_start3A_111 : memref<1x128xi32, #tpu.memory_space<hbm>> -> memref<128xi32, #tpu.memory_space<hbm>>
          %dma_start3A_113 = arith.constant 0 : i32
          %dma_start3A_114 = tpu.memref_slice %arg3[%add3A_108, %dma_start3A_113] : memref<2528x128xi32, #tpu.memory_space<hbm>> -> memref<1x128xi32, #tpu.memory_space<hbm>>
          %dma_start3A_115 = tpu.memref_squeeze %dma_start3A_114 : memref<1x128xi32, #tpu.memory_space<hbm>> -> memref<128xi32, #tpu.memory_space<hbm>>
          tpu.enqueue_dma source(%dma_start3A_115 : memref<128xi32, #tpu.memory_space<hbm>>) target(%arg8 : memref<128xi32, #tpu.memory_space<vmem>>) target_semaphore(%arg17 : memref<!tpu.dma_semaphore, #tpu.memory_space<semaphore_mem>>)
          %dma_start3A_116 = arith.constant 0 : i32
          %dma_start3A_117 = tpu.memref_slice %arg4[%add3A_109, %dma_start3A_116] : memref<2528x128xi32, #tpu.memory_space<hbm>> -> memref<1x128xi32, #tpu.memory_space<hbm>>
          %dma_start3A_118 = tpu.memref_squeeze %dma_start3A_117 : memref<1x128xi32, #tpu.memory_space<hbm>> -> memref<128xi32, #tpu.memory_space<hbm>>
          %dma_start3A_119 = arith.constant 0 : i32
          %dma_start3A_120 = tpu.memref_slice %arg4[%add3A_109, %dma_start3A_119] : memref<2528x128xi32, #tpu.memory_space<hbm>> -> memref<1x128xi32, #tpu.memory_space<hbm>>
          %dma_start3A_121 = tpu.memref_squeeze %dma_start3A_120 : memref<1x128xi32, #tpu.memory_space<hbm>> -> memref<128xi32, #tpu.memory_space<hbm>>
          tpu.enqueue_dma source(%dma_start3A_121 : memref<128xi32, #tpu.memory_space<hbm>>) target(%arg10 : memref<128xi32, #tpu.memory_space<vmem>>) target_semaphore(%arg17 : memref<!tpu.dma_semaphore, #tpu.memory_space<semaphore_mem>>)
          %add3A_122 = arith.constant 2 : i32
          %add3A_123 = arith.addi %mul3A_67, %add3A_122 : i32
          %add3A_124 = arith.addi %mul3A_2, %add3A_123 : i32
          %add3A_125 = arith.addi %mul3A_2, %add3A_123 : i32
          %dma_wait3A_126 = arith.constant 0 : i32
          %dma_wait3A_127 = tpu.memref_slice %arg3[%add3A_124, %dma_wait3A_126] : memref<2528x128xi32, #tpu.memory_space<hbm>> -> memref<1x128xi32, #tpu.memory_space<hbm>>
          %dma_wait3A_128 = tpu.memref_squeeze %dma_wait3A_127 : memref<1x128xi32, #tpu.memory_space<hbm>> -> memref<128xi32, #tpu.memory_space<hbm>>
          %dma_wait3A_129 = arith.constant 0 : i32
          %dma_wait3A_130 = tpu.memref_slice %arg3[%add3A_124, %dma_wait3A_129] : memref<2528x128xi32, #tpu.memory_space<hbm>> -> memref<1x128xi32, #tpu.memory_space<hbm>>
          %dma_wait3A_131 = tpu.memref_squeeze %dma_wait3A_130 : memref<1x128xi32, #tpu.memory_space<hbm>> -> memref<128xi32, #tpu.memory_space<hbm>>
          tpu.wait_dma2 semaphore(%arg16 : memref<!tpu.dma_semaphore, #tpu.memory_space<semaphore_mem>>) src(%dma_wait3A_131 : memref<128xi32, #tpu.memory_space<hbm>>) dst(%arg7 : memref<128xi32, #tpu.memory_space<vmem>>)
          %dma_wait3A_132 = arith.constant 0 : i32
          %dma_wait3A_133 = tpu.memref_slice %arg4[%add3A_125, %dma_wait3A_132] : memref<2528x128xi32, #tpu.memory_space<hbm>> -> memref<1x128xi32, #tpu.memory_space<hbm>>
          %dma_wait3A_134 = tpu.memref_squeeze %dma_wait3A_133 : memref<1x128xi32, #tpu.memory_space<hbm>> -> memref<128xi32, #tpu.memory_space<hbm>>
          %dma_wait3A_135 = arith.constant 0 : i32
          %dma_wait3A_136 = tpu.memref_slice %arg4[%add3A_125, %dma_wait3A_135] : memref<2528x128xi32, #tpu.memory_space<hbm>> -> memref<1x128xi32, #tpu.memory_space<hbm>>
          %dma_wait3A_137 = tpu.memref_squeeze %dma_wait3A_136 : memref<1x128xi32, #tpu.memory_space<hbm>> -> memref<128xi32, #tpu.memory_space<hbm>>
          tpu.wait_dma2 semaphore(%arg16 : memref<!tpu.dma_semaphore, #tpu.memory_space<semaphore_mem>>) src(%dma_wait3A_137 : memref<128xi32, #tpu.memory_space<hbm>>) dst(%arg9 : memref<128xi32, #tpu.memory_space<vmem>>)
          %add3A_138 = arith.constant 2 : i32
          %add3A_139 = arith.addi %mul3A_67, %add3A_138 : i32
          %dma_start3A_140 = arith.constant 0 : i32
          %dma_start3A_141 = arith.constant 0 : i32
          %dma_start3A_142 = tpu.memref_slice %arg2[%dma_start3A_140, %dma_start3A_141] : memref<10000x128xf32, #tpu.memory_space<hbm>> -> memref<10000x128xf32, #tpu.memory_space<hbm>>
          tpu.enqueue_indirect_dma source(%dma_start3A_142 : memref<10000x128xf32, #tpu.memory_space<hbm>>) target(%arg11 : memref<128x128xf32, #tpu.memory_space<vmem>>) offsets(%arg7 : memref<128xi32, #tpu.memory_space<vmem>>) semaphore(%arg14 : memref<!tpu.dma_semaphore, #tpu.memory_space<semaphore_mem>>)
        } else {
        }
      }
      %scan3A_59 = arith.constant 79 : i32
      %barrier3A_60 = arith.constant 0 : index
      tpu.barrier barrier_id(%barrier3A_60)
      %mul3A_61 = arith.constant 632 : i32
      %mul3A_62 = arith.muli %arg1, %mul3A_61 : i32
      %mul3A_63 = arith.constant 632 : i32
      %mul3A_64 = arith.muli %arg1, %mul3A_63 : i32
      "tpu.region"() ({
        %run_scoped3A = tpu.sem_alloc : memref<!tpu.dma_semaphore, #tpu.memory_space<semaphore_mem>>
        %dma_start3A_65 = arith.constant 0 : i32
        %dma_start3A_66 = tpu.memref_slice %arg6[%mul3A_64, %dma_start3A_65] : memref<10112x128xf32, #tpu.memory_space<hbm>> -> memref<632x128xf32, #tpu.memory_space<hbm>>
        %dma_start3A_67 = arith.constant 0 : i32
        %dma_start3A_68 = tpu.memref_slice %arg13[%mul3A_62, %dma_start3A_67] : memref<10112x128xf32, #tpu.memory_space<vmem_shared>> -> memref<632x128xf32, #tpu.memory_space<vmem_shared>>
        tpu.enqueue_dma source(%dma_start3A_68 : memref<632x128xf32, #tpu.memory_space<vmem_shared>>) target(%dma_start3A_66 : memref<632x128xf32, #tpu.memory_space<hbm>>) target_semaphore(%run_scoped3A : memref<!tpu.dma_semaphore, #tpu.memory_space<semaphore_mem>>)
        %dma_wait3A_69 = arith.constant 0 : i32
        %dma_wait3A_70 = tpu.memref_slice %arg6[%mul3A_64, %dma_wait3A_69] : memref<10112x128xf32, #tpu.memory_space<hbm>> -> memref<632x128xf32, #tpu.memory_space<hbm>>
        %dma_wait3A_71 = arith.constant 0 : i32
        %dma_wait3A_72 = tpu.memref_slice %arg13[%mul3A_62, %dma_wait3A_71] : memref<10112x128xf32, #tpu.memory_space<vmem_shared>> -> memref<632x128xf32, #tpu.memory_space<vmem_shared>>
        tpu.wait_dma2 semaphore(%run_scoped3A : memref<!tpu.dma_semaphore, #tpu.memory_space<semaphore_mem>>) src(%dma_wait3A_72 : memref<632x128xf32, #tpu.memory_space<vmem_shared>>) dst(%dma_wait3A_70 : memref<632x128xf32, #tpu.memory_space<hbm>>)
        tpu.yield
      }) : () -> ()
    } else {
    }
    return
  }
}

#map = affine_map<(d0, d1) -> (0, 0)>
module attributes {stable_mosaic.version = 14 : i64} {
  func.func @segsum(%arg0: i32, %arg1: i32, %arg2: memref<10000x128xf32, #tpu.memory_space<hbm>>, %arg3: memref<2528x128xi32, #tpu.memory_space<hbm>>, %arg4: memref<2528x128xi32, #tpu.memory_space<hbm>>, %arg5: memref<10112x128xf32, #tpu.memory_space<hbm>>, %arg6: memref<10112x128xf32, #tpu.memory_space<hbm>>, %arg7: memref<128xi32, #tpu.memory_space<vmem>>, %arg8: memref<128xi32, #tpu.memory_space<vmem>>, %arg9: memref<128xi32, #tpu.memory_space<vmem>>, %arg10: memref<128xi32, #tpu.memory_space<vmem>>, %arg11: memref<128x128xf32, #tpu.memory_space<vmem>>, %arg12: memref<128x128xf32, #tpu.memory_space<vmem>>, %arg13: memref<10112x128xf32, #tpu.memory_space<vmem_shared>>, %arg14: memref<!tpu.dma_semaphore, #tpu.memory_space<semaphore_mem>>, %arg15: memref<!tpu.dma_semaphore, #tpu.memory_space<semaphore_mem>>, %arg16: memref<!tpu.dma_semaphore, #tpu.memory_space<semaphore_mem>>, %arg17: memref<!tpu.dma_semaphore, #tpu.memory_space<semaphore_mem>>) attributes {dimension_semantics = [#tpu.dimension_semantics<core_parallel>, #tpu.dimension_semantics<subcore_parallel>], iteration_bounds = array<i64: 2, 16>, scalar_prefetch = 0 : i64, scratch_operands = 11 : i64, tpu.core_type = #tpu.core_type<sc_vector_subcore>, window_params = [{transform_indices = #map}, {transform_indices = #map}, {transform_indices = #map}, {transform_indices = #map}, {transform_indices = #map}]} {
    %eq3A = arith.constant 0 : i32
    %eq3A_0 = arith.cmpi eq, %arg0, %eq3A : i32
    %convert_element_type3A = arith.extui %eq3A_0 : i1 to i32
    %cond3A = arith.constant 0 : i32
    %cond3A_1 = arith.cmpi ne, %convert_element_type3A, %cond3A : i32
    scf.if %cond3A_1 {
      %mul3A = arith.constant 158 : i32
      %mul3A_2 = arith.muli %arg1, %mul3A : i32
      %mul3A_3 = arith.constant 632 : i32
      %mul3A_4 = arith.muli %arg1, %mul3A_3 : i32
      %mul3A_5 = arith.constant 632 : i32
      %mul3A_6 = arith.muli %arg1, %mul3A_5 : i32
      "tpu.region"() ({
        %run_scoped3A = tpu.sem_alloc : memref<!tpu.dma_semaphore, #tpu.memory_space<semaphore_mem>>
        %dma_start3A_65 = arith.constant 0 : i32
        %dma_start3A_66 = tpu.memref_slice %arg13[%mul3A_6, %dma_start3A_65] : memref<10112x128xf32, #tpu.memory_space<vmem_shared>> -> memref<632x128xf32, #tpu.memory_space<vmem_shared>>
        %dma_start3A_67 = arith.constant 0 : i32
        %dma_start3A_68 = tpu.memref_slice %arg5[%mul3A_4, %dma_start3A_67] : memref<10112x128xf32, #tpu.memory_space<hbm>> -> memref<632x128xf32, #tpu.memory_space<hbm>>
        tpu.enqueue_dma source(%dma_start3A_68 : memref<632x128xf32, #tpu.memory_space<hbm>>) target(%dma_start3A_66 : memref<632x128xf32, #tpu.memory_space<vmem_shared>>) target_semaphore(%run_scoped3A : memref<!tpu.dma_semaphore, #tpu.memory_space<semaphore_mem>>)
        %dma_wait3A_69 = arith.constant 0 : i32
        %dma_wait3A_70 = tpu.memref_slice %arg13[%mul3A_6, %dma_wait3A_69] : memref<10112x128xf32, #tpu.memory_space<vmem_shared>> -> memref<632x128xf32, #tpu.memory_space<vmem_shared>>
        %dma_wait3A_71 = arith.constant 0 : i32
        %dma_wait3A_72 = tpu.memref_slice %arg5[%mul3A_4, %dma_wait3A_71] : memref<10112x128xf32, #tpu.memory_space<hbm>> -> memref<632x128xf32, #tpu.memory_space<hbm>>
        tpu.wait_dma2 semaphore(%run_scoped3A : memref<!tpu.dma_semaphore, #tpu.memory_space<semaphore_mem>>) src(%dma_wait3A_72 : memref<632x128xf32, #tpu.memory_space<hbm>>) dst(%dma_wait3A_70 : memref<632x128xf32, #tpu.memory_space<vmem_shared>>)
        tpu.yield
      }) : () -> ()
      %barrier3A = arith.constant 0 : index
      tpu.barrier barrier_id(%barrier3A)
      %add3A = arith.constant 0 : i32
      %add3A_7 = arith.addi %mul3A_2, %add3A : i32
      %add3A_8 = arith.constant 0 : i32
      %add3A_9 = arith.addi %mul3A_2, %add3A_8 : i32
      %dma_start3A = arith.constant 0 : i32
      %dma_start3A_10 = tpu.memref_slice %arg3[%add3A_7, %dma_start3A] : memref<2528x128xi32, #tpu.memory_space<hbm>> -> memref<1x128xi32, #tpu.memory_space<hbm>>
      %dma_start3A_11 = tpu.memref_squeeze %dma_start3A_10 : memref<1x128xi32, #tpu.memory_space<hbm>> -> memref<128xi32, #tpu.memory_space<hbm>>
      %dma_start3A_12 = arith.constant 0 : i32
      %dma_start3A_13 = tpu.memref_slice %arg3[%add3A_7, %dma_start3A_12] : memref<2528x128xi32, #tpu.memory_space<hbm>> -> memref<1x128xi32, #tpu.memory_space<hbm>>
      %dma_start3A_14 = tpu.memref_squeeze %dma_start3A_13 : memref<1x128xi32, #tpu.memory_space<hbm>> -> memref<128xi32, #tpu.memory_space<hbm>>
      tpu.enqueue_dma source(%dma_start3A_14 : memref<128xi32, #tpu.memory_space<hbm>>) target(%arg7 : memref<128xi32, #tpu.memory_space<vmem>>) target_semaphore(%arg16 : memref<!tpu.dma_semaphore, #tpu.memory_space<semaphore_mem>>)
      %dma_start3A_15 = arith.constant 0 : i32
      %dma_start3A_16 = tpu.memref_slice %arg4[%add3A_9, %dma_start3A_15] : memref<2528x128xi32, #tpu.memory_space<hbm>> -> memref<1x128xi32, #tpu.memory_space<hbm>>
      %dma_start3A_17 = tpu.memref_squeeze %dma_start3A_16 : memref<1x128xi32, #tpu.memory_space<hbm>> -> memref<128xi32, #tpu.memory_space<hbm>>
      %dma_start3A_18 = arith.constant 0 : i32
      %dma_start3A_19 = tpu.memref_slice %arg4[%add3A_9, %dma_start3A_18] : memref<2528x128xi32, #tpu.memory_space<hbm>> -> memref<1x128xi32, #tpu.memory_space<hbm>>
      %dma_start3A_20 = tpu.memref_squeeze %dma_start3A_19 : memref<1x128xi32, #tpu.memory_space<hbm>> -> memref<128xi32, #tpu.memory_space<hbm>>
      tpu.enqueue_dma source(%dma_start3A_20 : memref<128xi32, #tpu.memory_space<hbm>>) target(%arg9 : memref<128xi32, #tpu.memory_space<vmem>>) target_semaphore(%arg16 : memref<!tpu.dma_semaphore, #tpu.memory_space<semaphore_mem>>)
      %add3A_21 = arith.constant 1 : i32
      %add3A_22 = arith.addi %mul3A_2, %add3A_21 : i32
      %add3A_23 = arith.constant 1 : i32
      %add3A_24 = arith.addi %mul3A_2, %add3A_23 : i32
      %dma_start3A_25 = arith.constant 0 : i32
      %dma_start3A_26 = tpu.memref_slice %arg3[%add3A_22, %dma_start3A_25] : memref<2528x128xi32, #tpu.memory_space<hbm>> -> memref<1x128xi32, #tpu.memory_space<hbm>>
      %dma_start3A_27 = tpu.memref_squeeze %dma_start3A_26 : memref<1x128xi32, #tpu.memory_space<hbm>> -> memref<128xi32, #tpu.memory_space<hbm>>
      %dma_start3A_28 = arith.constant 0 : i32
      %dma_start3A_29 = tpu.memref_slice %arg3[%add3A_22, %dma_start3A_28] : memref<2528x128xi32, #tpu.memory_space<hbm>> -> memref<1x128xi32, #tpu.memory_space<hbm>>
      %dma_start3A_30 = tpu.memref_squeeze %dma_start3A_29 : memref<1x128xi32, #tpu.memory_space<hbm>> -> memref<128xi32, #tpu.memory_space<hbm>>
      tpu.enqueue_dma source(%dma_start3A_30 : memref<128xi32, #tpu.memory_space<hbm>>) target(%arg8 : memref<128xi32, #tpu.memory_space<vmem>>) target_semaphore(%arg17 : memref<!tpu.dma_semaphore, #tpu.memory_space<semaphore_mem>>)
      %dma_start3A_31 = arith.constant 0 : i32
      %dma_start3A_32 = tpu.memref_slice %arg4[%add3A_24, %dma_start3A_31] : memref<2528x128xi32, #tpu.memory_space<hbm>> -> memref<1x128xi32, #tpu.memory_space<hbm>>
      %dma_start3A_33 = tpu.memref_squeeze %dma_start3A_32 : memref<1x128xi32, #tpu.memory_space<hbm>> -> memref<128xi32, #tpu.memory_space<hbm>>
      %dma_start3A_34 = arith.constant 0 : i32
      %dma_start3A_35 = tpu.memref_slice %arg4[%add3A_24, %dma_start3A_34] : memref<2528x128xi32, #tpu.memory_space<hbm>> -> memref<1x128xi32, #tpu.memory_space<hbm>>
      %dma_start3A_36 = tpu.memref_squeeze %dma_start3A_35 : memref<1x128xi32, #tpu.memory_space<hbm>> -> memref<128xi32, #tpu.memory_space<hbm>>
      tpu.enqueue_dma source(%dma_start3A_36 : memref<128xi32, #tpu.memory_space<hbm>>) target(%arg10 : memref<128xi32, #tpu.memory_space<vmem>>) target_semaphore(%arg17 : memref<!tpu.dma_semaphore, #tpu.memory_space<semaphore_mem>>)
      %add3A_37 = arith.constant 0 : i32
      %add3A_38 = arith.addi %mul3A_2, %add3A_37 : i32
      %add3A_39 = arith.constant 0 : i32
      %add3A_40 = arith.addi %mul3A_2, %add3A_39 : i32
      %dma_wait3A = arith.constant 0 : i32
      %dma_wait3A_41 = tpu.memref_slice %arg3[%add3A_38, %dma_wait3A] : memref<2528x128xi32, #tpu.memory_space<hbm>> -> memref<1x128xi32, #tpu.memory_space<hbm>>
      %dma_wait3A_42 = tpu.memref_squeeze %dma_wait3A_41 : memref<1x128xi32, #tpu.memory_space<hbm>> -> memref<128xi32, #tpu.memory_space<hbm>>
      %dma_wait3A_43 = arith.constant 0 : i32
      %dma_wait3A_44 = tpu.memref_slice %arg3[%add3A_38, %dma_wait3A_43] : memref<2528x128xi32, #tpu.memory_space<hbm>> -> memref<1x128xi32, #tpu.memory_space<hbm>>
      %dma_wait3A_45 = tpu.memref_squeeze %dma_wait3A_44 : memref<1x128xi32, #tpu.memory_space<hbm>> -> memref<128xi32, #tpu.memory_space<hbm>>
      tpu.wait_dma2 semaphore(%arg16 : memref<!tpu.dma_semaphore, #tpu.memory_space<semaphore_mem>>) src(%dma_wait3A_45 : memref<128xi32, #tpu.memory_space<hbm>>) dst(%arg7 : memref<128xi32, #tpu.memory_space<vmem>>)
      %dma_wait3A_46 = arith.constant 0 : i32
      %dma_wait3A_47 = tpu.memref_slice %arg4[%add3A_40, %dma_wait3A_46] : memref<2528x128xi32, #tpu.memory_space<hbm>> -> memref<1x128xi32, #tpu.memory_space<hbm>>
      %dma_wait3A_48 = tpu.memref_squeeze %dma_wait3A_47 : memref<1x128xi32, #tpu.memory_space<hbm>> -> memref<128xi32, #tpu.memory_space<hbm>>
      %dma_wait3A_49 = arith.constant 0 : i32
      %dma_wait3A_50 = tpu.memref_slice %arg4[%add3A_40, %dma_wait3A_49] : memref<2528x128xi32, #tpu.memory_space<hbm>> -> memref<1x128xi32, #tpu.memory_space<hbm>>
      %dma_wait3A_51 = tpu.memref_squeeze %dma_wait3A_50 : memref<1x128xi32, #tpu.memory_space<hbm>> -> memref<128xi32, #tpu.memory_space<hbm>>
      tpu.wait_dma2 semaphore(%arg16 : memref<!tpu.dma_semaphore, #tpu.memory_space<semaphore_mem>>) src(%dma_wait3A_51 : memref<128xi32, #tpu.memory_space<hbm>>) dst(%arg9 : memref<128xi32, #tpu.memory_space<vmem>>)
      %dma_start3A_52 = arith.constant 0 : i32
      %dma_start3A_53 = arith.constant 0 : i32
      %dma_start3A_54 = tpu.memref_slice %arg2[%dma_start3A_52, %dma_start3A_53] : memref<10000x128xf32, #tpu.memory_space<hbm>> -> memref<10000x128xf32, #tpu.memory_space<hbm>>
      tpu.enqueue_indirect_dma source(%dma_start3A_54 : memref<10000x128xf32, #tpu.memory_space<hbm>>) target(%arg11 : memref<128x128xf32, #tpu.memory_space<vmem>>) offsets(%arg7 : memref<128xi32, #tpu.memory_space<vmem>>) semaphore(%arg14 : memref<!tpu.dma_semaphore, #tpu.memory_space<semaphore_mem>>)
      %scan3A = arith.constant 0 : i32
      %scan3A_55 = arith.constant 0 : i32
      %scan3A_56 = arith.constant 79 : i32
      %scan3A_57 = arith.addi %scan3A_55, %scan3A_56 : i32
      %scan3A_58 = arith.constant 1 : i32
      scf.for %scan3A_65 = %scan3A_55 to %scan3A_57 step %scan3A_58  : i32 {
        %mul3A_66 = arith.constant 2 : i32
        %mul3A_67 = arith.muli %scan3A_65, %mul3A_66 : i32
        %add3A_68 = arith.constant 1 : i32
        %add3A_69 = arith.addi %mul3A_67, %add3A_68 : i32
        %add3A_70 = arith.addi %mul3A_2, %add3A_69 : i32
        %add3A_71 = arith.addi %mul3A_2, %add3A_69 : i32
        %dma_wait3A_72 = arith.constant 0 : i32
        %dma_wait3A_73 = tpu.memref_slice %arg3[%add3A_70, %dma_wait3A_72] : memref<2528x128xi32, #tpu.memory_space<hbm>> -> memref<1x128xi32, #tpu.memory_space<hbm>>
        %dma_wait3A_74 = tpu.memref_squeeze %dma_wait3A_73 : memref<1x128xi32, #tpu.memory_space<hbm>> -> memref<128xi32, #tpu.memory_space<hbm>>
        %dma_wait3A_75 = arith.constant 0 : i32
        %dma_wait3A_76 = tpu.memref_slice %arg3[%add3A_70, %dma_wait3A_75] : memref<2528x128xi32, #tpu.memory_space<hbm>> -> memref<1x128xi32, #tpu.memory_space<hbm>>
        %dma_wait3A_77 = tpu.memref_squeeze %dma_wait3A_76 : memref<1x128xi32, #tpu.memory_space<hbm>> -> memref<128xi32, #tpu.memory_space<hbm>>
        tpu.wait_dma2 semaphore(%arg17 : memref<!tpu.dma_semaphore, #tpu.memory_space<semaphore_mem>>) src(%dma_wait3A_77 : memref<128xi32, #tpu.memory_space<hbm>>) dst(%arg8 : memref<128xi32, #tpu.memory_space<vmem>>)
        %dma_wait3A_78 = arith.constant 0 : i32
        %dma_wait3A_79 = tpu.memref_slice %arg4[%add3A_71, %dma_wait3A_78] : memref<2528x128xi32, #tpu.memory_space<hbm>> -> memref<1x128xi32, #tpu.memory_space<hbm>>
        %dma_wait3A_80 = tpu.memref_squeeze %dma_wait3A_79 : memref<1x128xi32, #tpu.memory_space<hbm>> -> memref<128xi32, #tpu.memory_space<hbm>>
        %dma_wait3A_81 = arith.constant 0 : i32
        %dma_wait3A_82 = tpu.memref_slice %arg4[%add3A_71, %dma_wait3A_81] : memref<2528x128xi32, #tpu.memory_space<hbm>> -> memref<1x128xi32, #tpu.memory_space<hbm>>
        %dma_wait3A_83 = tpu.memref_squeeze %dma_wait3A_82 : memref<1x128xi32, #tpu.memory_space<hbm>> -> memref<128xi32, #tpu.memory_space<hbm>>
        tpu.wait_dma2 semaphore(%arg17 : memref<!tpu.dma_semaphore, #tpu.memory_space<semaphore_mem>>) src(%dma_wait3A_83 : memref<128xi32, #tpu.memory_space<hbm>>) dst(%arg10 : memref<128xi32, #tpu.memory_space<vmem>>)
        %add3A_84 = arith.constant 1 : i32
        %add3A_85 = arith.addi %mul3A_67, %add3A_84 : i32
        %dma_start3A_86 = arith.constant 0 : i32
        %dma_start3A_87 = arith.constant 0 : i32
        %dma_start3A_88 = tpu.memref_slice %arg2[%dma_start3A_86, %dma_start3A_87] : memref<10000x128xf32, #tpu.memory_space<hbm>> -> memref<10000x128xf32, #tpu.memory_space<hbm>>
        tpu.enqueue_indirect_dma source(%dma_start3A_88 : memref<10000x128xf32, #tpu.memory_space<hbm>>) target(%arg12 : memref<128x128xf32, #tpu.memory_space<vmem>>) offsets(%arg8 : memref<128xi32, #tpu.memory_space<vmem>>) semaphore(%arg15 : memref<!tpu.dma_semaphore, #tpu.memory_space<semaphore_mem>>)
        %dma_wait3A_89 = arith.constant 0 : i32
        %dma_wait3A_90 = arith.constant 0 : i32
        %dma_wait3A_91 = tpu.memref_slice %arg2[%dma_wait3A_89, %dma_wait3A_90] : memref<10000x128xf32, #tpu.memory_space<hbm>> -> memref<10000x128xf32, #tpu.memory_space<hbm>>
        tpu.wait_indirect_dma semaphore(%arg14 : memref<!tpu.dma_semaphore, #tpu.memory_space<semaphore_mem>>) src(%dma_wait3A_91 : memref<10000x128xf32, #tpu.memory_space<hbm>>) dst(%arg11 : memref<128x128xf32, #tpu.memory_space<vmem>>)
        "tpu.region"() ({
          %run_scoped3A = tpu.sem_alloc : memref<!tpu.dma_semaphore, #tpu.memory_space<semaphore_mem>>
          %dma_start3A_106 = arith.constant 0 : i32
          %dma_start3A_107 = arith.constant 0 : i32
          %dma_start3A_108 = tpu.memref_slice %arg13[%dma_start3A_106, %dma_start3A_107] : memref<10112x128xf32, #tpu.memory_space<vmem_shared>> -> memref<10112x128xf32, #tpu.memory_space<vmem_shared>>
          tpu.enqueue_indirect_dma source(%arg11 : memref<128x128xf32, #tpu.memory_space<vmem>>) target(%dma_start3A_108 : memref<10112x128xf32, #tpu.memory_space<vmem_shared>>) offsets(%arg9 : memref<128xi32, #tpu.memory_space<vmem>>) semaphore(%run_scoped3A : memref<!tpu.dma_semaphore, #tpu.memory_space<semaphore_mem>>) {add = true}
          %dma_wait3A_109 = arith.constant 0 : i32
          %dma_wait3A_110 = arith.constant 0 : i32
          %dma_wait3A_111 = tpu.memref_slice %arg13[%dma_wait3A_109, %dma_wait3A_110] : memref<10112x128xf32, #tpu.memory_space<vmem_shared>> -> memref<10112x128xf32, #tpu.memory_space<vmem_shared>>
          tpu.wait_indirect_dma semaphore(%run_scoped3A : memref<!tpu.dma_semaphore, #tpu.memory_space<semaphore_mem>>) src(%arg11 : memref<128x128xf32, #tpu.memory_space<vmem>>) dst(%dma_wait3A_111 : memref<10112x128xf32, #tpu.memory_space<vmem_shared>>)
          tpu.yield
        }) : () -> ()
        %lt3A = arith.constant 78 : i32
        %lt3A_92 = arith.cmpi slt, %scan3A_65, %lt3A : i32
        %convert_element_type3A_93 = arith.extui %lt3A_92 : i1 to i32
        %cond3A_94 = arith.constant 0 : i32
        %cond3A_95 = arith.cmpi ne, %convert_element_type3A_93, %cond3A_94 : i32
        scf.if %cond3A_95 {
          %add3A_106 = arith.constant 2 : i32
          %add3A_107 = arith.addi %mul3A_67, %add3A_106 : i32
          %add3A_108 = arith.addi %mul3A_2, %add3A_107 : i32
          %add3A_109 = arith.addi %mul3A_2, %add3A_107 : i32
          %dma_start3A_110 = arith.constant 0 : i32
          %dma_start3A_111 = tpu.memref_slice %arg3[%add3A_108, %dma_start3A_110] : memref<2528x128xi32, #tpu.memory_space<hbm>> -> memref<1x128xi32, #tpu.memory_space<hbm>>
          %dma_start3A_112 = tpu.memref_squeeze %dma_start3A_111 : memref<1x128xi32, #tpu.memory_space<hbm>> -> memref<128xi32, #tpu.memory_space<hbm>>
          %dma_start3A_113 = arith.constant 0 : i32
          %dma_start3A_114 = tpu.memref_slice %arg3[%add3A_108, %dma_start3A_113] : memref<2528x128xi32, #tpu.memory_space<hbm>> -> memref<1x128xi32, #tpu.memory_space<hbm>>
          %dma_start3A_115 = tpu.memref_squeeze %dma_start3A_114 : memref<1x128xi32, #tpu.memory_space<hbm>> -> memref<128xi32, #tpu.memory_space<hbm>>
          tpu.enqueue_dma source(%dma_start3A_115 : memref<128xi32, #tpu.memory_space<hbm>>) target(%arg7 : memref<128xi32, #tpu.memory_space<vmem>>) target_semaphore(%arg16 : memref<!tpu.dma_semaphore, #tpu.memory_space<semaphore_mem>>)
          %dma_start3A_116 = arith.constant 0 : i32
          %dma_start3A_117 = tpu.memref_slice %arg4[%add3A_109, %dma_start3A_116] : memref<2528x128xi32, #tpu.memory_space<hbm>> -> memref<1x128xi32, #tpu.memory_space<hbm>>
          %dma_start3A_118 = tpu.memref_squeeze %dma_start3A_117 : memref<1x128xi32, #tpu.memory_space<hbm>> -> memref<128xi32, #tpu.memory_space<hbm>>
          %dma_start3A_119 = arith.constant 0 : i32
          %dma_start3A_120 = tpu.memref_slice %arg4[%add3A_109, %dma_start3A_119] : memref<2528x128xi32, #tpu.memory_space<hbm>> -> memref<1x128xi32, #tpu.memory_space<hbm>>
          %dma_start3A_121 = tpu.memref_squeeze %dma_start3A_120 : memref<1x128xi32, #tpu.memory_space<hbm>> -> memref<128xi32, #tpu.memory_space<hbm>>
          tpu.enqueue_dma source(%dma_start3A_121 : memref<128xi32, #tpu.memory_space<hbm>>) target(%arg9 : memref<128xi32, #tpu.memory_space<vmem>>) target_semaphore(%arg16 : memref<!tpu.dma_semaphore, #tpu.memory_space<semaphore_mem>>)
        } else {
        }
        %add3A_96 = arith.constant 1 : i32
        %add3A_97 = arith.addi %mul3A_67, %add3A_96 : i32
        %dma_wait3A_98 = arith.constant 0 : i32
        %dma_wait3A_99 = arith.constant 0 : i32
        %dma_wait3A_100 = tpu.memref_slice %arg2[%dma_wait3A_98, %dma_wait3A_99] : memref<10000x128xf32, #tpu.memory_space<hbm>> -> memref<10000x128xf32, #tpu.memory_space<hbm>>
        tpu.wait_indirect_dma semaphore(%arg15 : memref<!tpu.dma_semaphore, #tpu.memory_space<semaphore_mem>>) src(%dma_wait3A_100 : memref<10000x128xf32, #tpu.memory_space<hbm>>) dst(%arg12 : memref<128x128xf32, #tpu.memory_space<vmem>>)
        "tpu.region"() ({
          %run_scoped3A = tpu.sem_alloc : memref<!tpu.dma_semaphore, #tpu.memory_space<semaphore_mem>>
          %dma_start3A_106 = arith.constant 0 : i32
          %dma_start3A_107 = arith.constant 0 : i32
          %dma_start3A_108 = tpu.memref_slice %arg13[%dma_start3A_106, %dma_start3A_107] : memref<10112x128xf32, #tpu.memory_space<vmem_shared>> -> memref<10112x128xf32, #tpu.memory_space<vmem_shared>>
          tpu.enqueue_indirect_dma source(%arg12 : memref<128x128xf32, #tpu.memory_space<vmem>>) target(%dma_start3A_108 : memref<10112x128xf32, #tpu.memory_space<vmem_shared>>) offsets(%arg10 : memref<128xi32, #tpu.memory_space<vmem>>) semaphore(%run_scoped3A : memref<!tpu.dma_semaphore, #tpu.memory_space<semaphore_mem>>) {add = true}
          %dma_wait3A_109 = arith.constant 0 : i32
          %dma_wait3A_110 = arith.constant 0 : i32
          %dma_wait3A_111 = tpu.memref_slice %arg13[%dma_wait3A_109, %dma_wait3A_110] : memref<10112x128xf32, #tpu.memory_space<vmem_shared>> -> memref<10112x128xf32, #tpu.memory_space<vmem_shared>>
          tpu.wait_indirect_dma semaphore(%run_scoped3A : memref<!tpu.dma_semaphore, #tpu.memory_space<semaphore_mem>>) src(%arg12 : memref<128x128xf32, #tpu.memory_space<vmem>>) dst(%dma_wait3A_111 : memref<10112x128xf32, #tpu.memory_space<vmem_shared>>)
          tpu.yield
        }) : () -> ()
        %lt3A_101 = arith.constant 78 : i32
        %lt3A_102 = arith.cmpi slt, %scan3A_65, %lt3A_101 : i32
        %convert_element_type3A_103 = arith.extui %lt3A_102 : i1 to i32
        %cond3A_104 = arith.constant 0 : i32
        %cond3A_105 = arith.cmpi ne, %convert_element_type3A_103, %cond3A_104 : i32
        scf.if %cond3A_105 {
          %add3A_106 = arith.constant 3 : i32
          %add3A_107 = arith.addi %mul3A_67, %add3A_106 : i32
          %add3A_108 = arith.addi %mul3A_2, %add3A_107 : i32
          %add3A_109 = arith.addi %mul3A_2, %add3A_107 : i32
          %dma_start3A_110 = arith.constant 0 : i32
          %dma_start3A_111 = tpu.memref_slice %arg3[%add3A_108, %dma_start3A_110] : memref<2528x128xi32, #tpu.memory_space<hbm>> -> memref<1x128xi32, #tpu.memory_space<hbm>>
          %dma_start3A_112 = tpu.memref_squeeze %dma_start3A_111 : memref<1x128xi32, #tpu.memory_space<hbm>> -> memref<128xi32, #tpu.memory_space<hbm>>
          %dma_start3A_113 = arith.constant 0 : i32
          %dma_start3A_114 = tpu.memref_slice %arg3[%add3A_108, %dma_start3A_113] : memref<2528x128xi32, #tpu.memory_space<hbm>> -> memref<1x128xi32, #tpu.memory_space<hbm>>
          %dma_start3A_115 = tpu.memref_squeeze %dma_start3A_114 : memref<1x128xi32, #tpu.memory_space<hbm>> -> memref<128xi32, #tpu.memory_space<hbm>>
          tpu.enqueue_dma source(%dma_start3A_115 : memref<128xi32, #tpu.memory_space<hbm>>) target(%arg8 : memref<128xi32, #tpu.memory_space<vmem>>) target_semaphore(%arg17 : memref<!tpu.dma_semaphore, #tpu.memory_space<semaphore_mem>>)
          %dma_start3A_116 = arith.constant 0 : i32
          %dma_start3A_117 = tpu.memref_slice %arg4[%add3A_109, %dma_start3A_116] : memref<2528x128xi32, #tpu.memory_space<hbm>> -> memref<1x128xi32, #tpu.memory_space<hbm>>
          %dma_start3A_118 = tpu.memref_squeeze %dma_start3A_117 : memref<1x128xi32, #tpu.memory_space<hbm>> -> memref<128xi32, #tpu.memory_space<hbm>>
          %dma_start3A_119 = arith.constant 0 : i32
          %dma_start3A_120 = tpu.memref_slice %arg4[%add3A_109, %dma_start3A_119] : memref<2528x128xi32, #tpu.memory_space<hbm>> -> memref<1x128xi32, #tpu.memory_space<hbm>>
          %dma_start3A_121 = tpu.memref_squeeze %dma_start3A_120 : memref<1x128xi32, #tpu.memory_space<hbm>> -> memref<128xi32, #tpu.memory_space<hbm>>
          tpu.enqueue_dma source(%dma_start3A_121 : memref<128xi32, #tpu.memory_space<hbm>>) target(%arg10 : memref<128xi32, #tpu.memory_space<vmem>>) target_semaphore(%arg17 : memref<!tpu.dma_semaphore, #tpu.memory_space<semaphore_mem>>)
          %add3A_122 = arith.constant 2 : i32
          %add3A_123 = arith.addi %mul3A_67, %add3A_122 : i32
          %add3A_124 = arith.addi %mul3A_2, %add3A_123 : i32
          %add3A_125 = arith.addi %mul3A_2, %add3A_123 : i32
          %dma_wait3A_126 = arith.constant 0 : i32
          %dma_wait3A_127 = tpu.memref_slice %arg3[%add3A_124, %dma_wait3A_126] : memref<2528x128xi32, #tpu.memory_space<hbm>> -> memref<1x128xi32, #tpu.memory_space<hbm>>
          %dma_wait3A_128 = tpu.memref_squeeze %dma_wait3A_127 : memref<1x128xi32, #tpu.memory_space<hbm>> -> memref<128xi32, #tpu.memory_space<hbm>>
          %dma_wait3A_129 = arith.constant 0 : i32
          %dma_wait3A_130 = tpu.memref_slice %arg3[%add3A_124, %dma_wait3A_129] : memref<2528x128xi32, #tpu.memory_space<hbm>> -> memref<1x128xi32, #tpu.memory_space<hbm>>
          %dma_wait3A_131 = tpu.memref_squeeze %dma_wait3A_130 : memref<1x128xi32, #tpu.memory_space<hbm>> -> memref<128xi32, #tpu.memory_space<hbm>>
          tpu.wait_dma2 semaphore(%arg16 : memref<!tpu.dma_semaphore, #tpu.memory_space<semaphore_mem>>) src(%dma_wait3A_131 : memref<128xi32, #tpu.memory_space<hbm>>) dst(%arg7 : memref<128xi32, #tpu.memory_space<vmem>>)
          %dma_wait3A_132 = arith.constant 0 : i32
          %dma_wait3A_133 = tpu.memref_slice %arg4[%add3A_125, %dma_wait3A_132] : memref<2528x128xi32, #tpu.memory_space<hbm>> -> memref<1x128xi32, #tpu.memory_space<hbm>>
          %dma_wait3A_134 = tpu.memref_squeeze %dma_wait3A_133 : memref<1x128xi32, #tpu.memory_space<hbm>> -> memref<128xi32, #tpu.memory_space<hbm>>
          %dma_wait3A_135 = arith.constant 0 : i32
          %dma_wait3A_136 = tpu.memref_slice %arg4[%add3A_125, %dma_wait3A_135] : memref<2528x128xi32, #tpu.memory_space<hbm>> -> memref<1x128xi32, #tpu.memory_space<hbm>>
          %dma_wait3A_137 = tpu.memref_squeeze %dma_wait3A_136 : memref<1x128xi32, #tpu.memory_space<hbm>> -> memref<128xi32, #tpu.memory_space<hbm>>
          tpu.wait_dma2 semaphore(%arg16 : memref<!tpu.dma_semaphore, #tpu.memory_space<semaphore_mem>>) src(%dma_wait3A_137 : memref<128xi32, #tpu.memory_space<hbm>>) dst(%arg9 : memref<128xi32, #tpu.memory_space<vmem>>)
          %add3A_138 = arith.constant 2 : i32
          %add3A_139 = arith.addi %mul3A_67, %add3A_138 : i32
          %dma_start3A_140 = arith.constant 0 : i32
          %dma_start3A_141 = arith.constant 0 : i32
          %dma_start3A_142 = tpu.memref_slice %arg2[%dma_start3A_140, %dma_start3A_141] : memref<10000x128xf32, #tpu.memory_space<hbm>> -> memref<10000x128xf32, #tpu.memory_space<hbm>>
          tpu.enqueue_indirect_dma source(%dma_start3A_142 : memref<10000x128xf32, #tpu.memory_space<hbm>>) target(%arg11 : memref<128x128xf32, #tpu.memory_space<vmem>>) offsets(%arg7 : memref<128xi32, #tpu.memory_space<vmem>>) semaphore(%arg14 : memref<!tpu.dma_semaphore, #tpu.memory_space<semaphore_mem>>)
        } else {
        }
      }
      %scan3A_59 = arith.constant 79 : i32
      %barrier3A_60 = arith.constant 0 : index
      tpu.barrier barrier_id(%barrier3A_60)
      %mul3A_61 = arith.constant 632 : i32
      %mul3A_62 = arith.muli %arg1, %mul3A_61 : i32
      %mul3A_63 = arith.constant 632 : i32
      %mul3A_64 = arith.muli %arg1, %mul3A_63 : i32
      "tpu.region"() ({
        %run_scoped3A = tpu.sem_alloc : memref<!tpu.dma_semaphore, #tpu.memory_space<semaphore_mem>>
        %dma_start3A_65 = arith.constant 0 : i32
        %dma_start3A_66 = tpu.memref_slice %arg6[%mul3A_64, %dma_start3A_65] : memref<10112x128xf32, #tpu.memory_space<hbm>> -> memref<632x128xf32, #tpu.memory_space<hbm>>
        %dma_start3A_67 = arith.constant 0 : i32
        %dma_start3A_68 = tpu.memref_slice %arg13[%mul3A_62, %dma_start3A_67] : memref<10112x128xf32, #tpu.memory_space<vmem_shared>> -> memref<632x128xf32, #tpu.memory_space<vmem_shared>>
        tpu.enqueue_dma source(%dma_start3A_68 : memref<632x128xf32, #tpu.memory_space<vmem_shared>>) target(%dma_start3A_66 : memref<632x128xf32, #tpu.memory_space<hbm>>) target_semaphore(%run_scoped3A : memref<!tpu.dma_semaphore, #tpu.memory_space<semaphore_mem>>)
        %dma_wait3A_69 = arith.constant 0 : i32
        %dma_wait3A_70 = tpu.memref_slice %arg6[%mul3A_64, %dma_wait3A_69] : memref<10112x128xf32, #tpu.memory_space<hbm>> -> memref<632x128xf32, #tpu.memory_space<hbm>>
        %dma_wait3A_71 = arith.constant 0 : i32
        %dma_wait3A_72 = tpu.memref_slice %arg13[%mul3A_62, %dma_wait3A_71] : memref<10112x128xf32, #tpu.memory_space<vmem_shared>> -> memref<632x128xf32, #tpu.memory_space<vmem_shared>>
        tpu.wait_dma2 semaphore(%run_scoped3A : memref<!tpu.dma_semaphore, #tpu.memory_space<semaphore_mem>>) src(%dma_wait3A_72 : memref<632x128xf32, #tpu.memory_space<vmem_shared>>) dst(%dma_wait3A_70 : memref<632x128xf32, #tpu.memory_space<hbm>>)
        tpu.yield
      }) : () -> ()
    } else {
    }
    return
  }
}

#map = affine_map<(d0, d1) -> (0, 0)>
module attributes {stable_mosaic.version = 14 : i64} {
  func.func @segsum(%arg0: i32, %arg1: i32, %arg2: memref<10000x128xf32, #tpu.memory_space<hbm>>, %arg3: memref<2528x128xi32, #tpu.memory_space<hbm>>, %arg4: memref<2528x128xi32, #tpu.memory_space<hbm>>, %arg5: memref<10112x128xf32, #tpu.memory_space<hbm>>, %arg6: memref<10112x128xf32, #tpu.memory_space<hbm>>, %arg7: memref<128xi32, #tpu.memory_space<vmem>>, %arg8: memref<128xi32, #tpu.memory_space<vmem>>, %arg9: memref<128xi32, #tpu.memory_space<vmem>>, %arg10: memref<128xi32, #tpu.memory_space<vmem>>, %arg11: memref<128x128xf32, #tpu.memory_space<vmem>>, %arg12: memref<128x128xf32, #tpu.memory_space<vmem>>, %arg13: memref<10112x128xf32, #tpu.memory_space<vmem_shared>>, %arg14: memref<!tpu.dma_semaphore, #tpu.memory_space<semaphore_mem>>, %arg15: memref<!tpu.dma_semaphore, #tpu.memory_space<semaphore_mem>>, %arg16: memref<!tpu.dma_semaphore, #tpu.memory_space<semaphore_mem>>, %arg17: memref<!tpu.dma_semaphore, #tpu.memory_space<semaphore_mem>>) attributes {dimension_semantics = [#tpu.dimension_semantics<core_parallel>, #tpu.dimension_semantics<subcore_parallel>], iteration_bounds = array<i64: 2, 16>, scalar_prefetch = 0 : i64, scratch_operands = 11 : i64, tpu.core_type = #tpu.core_type<sc_vector_subcore>, window_params = [{transform_indices = #map}, {transform_indices = #map}, {transform_indices = #map}, {transform_indices = #map}, {transform_indices = #map}]} {
    %eq3A = arith.constant 0 : i32
    %eq3A_0 = arith.cmpi eq, %arg0, %eq3A : i32
    %convert_element_type3A = arith.extui %eq3A_0 : i1 to i32
    %cond3A = arith.constant 0 : i32
    %cond3A_1 = arith.cmpi ne, %convert_element_type3A, %cond3A : i32
    scf.if %cond3A_1 {
      %mul3A = arith.constant 158 : i32
      %mul3A_2 = arith.muli %arg1, %mul3A : i32
      %mul3A_3 = arith.constant 632 : i32
      %mul3A_4 = arith.muli %arg1, %mul3A_3 : i32
      %mul3A_5 = arith.constant 632 : i32
      %mul3A_6 = arith.muli %arg1, %mul3A_5 : i32
      "tpu.region"() ({
        %run_scoped3A = tpu.sem_alloc : memref<!tpu.dma_semaphore, #tpu.memory_space<semaphore_mem>>
        %dma_start3A_65 = arith.constant 0 : i32
        %dma_start3A_66 = tpu.memref_slice %arg13[%mul3A_6, %dma_start3A_65] : memref<10112x128xf32, #tpu.memory_space<vmem_shared>> -> memref<632x128xf32, #tpu.memory_space<vmem_shared>>
        %dma_start3A_67 = arith.constant 0 : i32
        %dma_start3A_68 = tpu.memref_slice %arg5[%mul3A_4, %dma_start3A_67] : memref<10112x128xf32, #tpu.memory_space<hbm>> -> memref<632x128xf32, #tpu.memory_space<hbm>>
        tpu.enqueue_dma source(%dma_start3A_68 : memref<632x128xf32, #tpu.memory_space<hbm>>) target(%dma_start3A_66 : memref<632x128xf32, #tpu.memory_space<vmem_shared>>) target_semaphore(%run_scoped3A : memref<!tpu.dma_semaphore, #tpu.memory_space<semaphore_mem>>)
        %dma_wait3A_69 = arith.constant 0 : i32
        %dma_wait3A_70 = tpu.memref_slice %arg13[%mul3A_6, %dma_wait3A_69] : memref<10112x128xf32, #tpu.memory_space<vmem_shared>> -> memref<632x128xf32, #tpu.memory_space<vmem_shared>>
        %dma_wait3A_71 = arith.constant 0 : i32
        %dma_wait3A_72 = tpu.memref_slice %arg5[%mul3A_4, %dma_wait3A_71] : memref<10112x128xf32, #tpu.memory_space<hbm>> -> memref<632x128xf32, #tpu.memory_space<hbm>>
        tpu.wait_dma2 semaphore(%run_scoped3A : memref<!tpu.dma_semaphore, #tpu.memory_space<semaphore_mem>>) src(%dma_wait3A_72 : memref<632x128xf32, #tpu.memory_space<hbm>>) dst(%dma_wait3A_70 : memref<632x128xf32, #tpu.memory_space<vmem_shared>>)
        tpu.yield
      }) : () -> ()
      %barrier3A = arith.constant 0 : index
      tpu.barrier barrier_id(%barrier3A)
      %add3A = arith.constant 0 : i32
      %add3A_7 = arith.addi %mul3A_2, %add3A : i32
      %add3A_8 = arith.constant 0 : i32
      %add3A_9 = arith.addi %mul3A_2, %add3A_8 : i32
      %dma_start3A = arith.constant 0 : i32
      %dma_start3A_10 = tpu.memref_slice %arg3[%add3A_7, %dma_start3A] : memref<2528x128xi32, #tpu.memory_space<hbm>> -> memref<1x128xi32, #tpu.memory_space<hbm>>
      %dma_start3A_11 = tpu.memref_squeeze %dma_start3A_10 : memref<1x128xi32, #tpu.memory_space<hbm>> -> memref<128xi32, #tpu.memory_space<hbm>>
      %dma_start3A_12 = arith.constant 0 : i32
      %dma_start3A_13 = tpu.memref_slice %arg3[%add3A_7, %dma_start3A_12] : memref<2528x128xi32, #tpu.memory_space<hbm>> -> memref<1x128xi32, #tpu.memory_space<hbm>>
      %dma_start3A_14 = tpu.memref_squeeze %dma_start3A_13 : memref<1x128xi32, #tpu.memory_space<hbm>> -> memref<128xi32, #tpu.memory_space<hbm>>
      tpu.enqueue_dma source(%dma_start3A_14 : memref<128xi32, #tpu.memory_space<hbm>>) target(%arg7 : memref<128xi32, #tpu.memory_space<vmem>>) target_semaphore(%arg16 : memref<!tpu.dma_semaphore, #tpu.memory_space<semaphore_mem>>)
      %dma_start3A_15 = arith.constant 0 : i32
      %dma_start3A_16 = tpu.memref_slice %arg4[%add3A_9, %dma_start3A_15] : memref<2528x128xi32, #tpu.memory_space<hbm>> -> memref<1x128xi32, #tpu.memory_space<hbm>>
      %dma_start3A_17 = tpu.memref_squeeze %dma_start3A_16 : memref<1x128xi32, #tpu.memory_space<hbm>> -> memref<128xi32, #tpu.memory_space<hbm>>
      %dma_start3A_18 = arith.constant 0 : i32
      %dma_start3A_19 = tpu.memref_slice %arg4[%add3A_9, %dma_start3A_18] : memref<2528x128xi32, #tpu.memory_space<hbm>> -> memref<1x128xi32, #tpu.memory_space<hbm>>
      %dma_start3A_20 = tpu.memref_squeeze %dma_start3A_19 : memref<1x128xi32, #tpu.memory_space<hbm>> -> memref<128xi32, #tpu.memory_space<hbm>>
      tpu.enqueue_dma source(%dma_start3A_20 : memref<128xi32, #tpu.memory_space<hbm>>) target(%arg9 : memref<128xi32, #tpu.memory_space<vmem>>) target_semaphore(%arg16 : memref<!tpu.dma_semaphore, #tpu.memory_space<semaphore_mem>>)
      %add3A_21 = arith.constant 1 : i32
      %add3A_22 = arith.addi %mul3A_2, %add3A_21 : i32
      %add3A_23 = arith.constant 1 : i32
      %add3A_24 = arith.addi %mul3A_2, %add3A_23 : i32
      %dma_start3A_25 = arith.constant 0 : i32
      %dma_start3A_26 = tpu.memref_slice %arg3[%add3A_22, %dma_start3A_25] : memref<2528x128xi32, #tpu.memory_space<hbm>> -> memref<1x128xi32, #tpu.memory_space<hbm>>
      %dma_start3A_27 = tpu.memref_squeeze %dma_start3A_26 : memref<1x128xi32, #tpu.memory_space<hbm>> -> memref<128xi32, #tpu.memory_space<hbm>>
      %dma_start3A_28 = arith.constant 0 : i32
      %dma_start3A_29 = tpu.memref_slice %arg3[%add3A_22, %dma_start3A_28] : memref<2528x128xi32, #tpu.memory_space<hbm>> -> memref<1x128xi32, #tpu.memory_space<hbm>>
      %dma_start3A_30 = tpu.memref_squeeze %dma_start3A_29 : memref<1x128xi32, #tpu.memory_space<hbm>> -> memref<128xi32, #tpu.memory_space<hbm>>
      tpu.enqueue_dma source(%dma_start3A_30 : memref<128xi32, #tpu.memory_space<hbm>>) target(%arg8 : memref<128xi32, #tpu.memory_space<vmem>>) target_semaphore(%arg17 : memref<!tpu.dma_semaphore, #tpu.memory_space<semaphore_mem>>)
      %dma_start3A_31 = arith.constant 0 : i32
      %dma_start3A_32 = tpu.memref_slice %arg4[%add3A_24, %dma_start3A_31] : memref<2528x128xi32, #tpu.memory_space<hbm>> -> memref<1x128xi32, #tpu.memory_space<hbm>>
      %dma_start3A_33 = tpu.memref_squeeze %dma_start3A_32 : memref<1x128xi32, #tpu.memory_space<hbm>> -> memref<128xi32, #tpu.memory_space<hbm>>
      %dma_start3A_34 = arith.constant 0 : i32
      %dma_start3A_35 = tpu.memref_slice %arg4[%add3A_24, %dma_start3A_34] : memref<2528x128xi32, #tpu.memory_space<hbm>> -> memref<1x128xi32, #tpu.memory_space<hbm>>
      %dma_start3A_36 = tpu.memref_squeeze %dma_start3A_35 : memref<1x128xi32, #tpu.memory_space<hbm>> -> memref<128xi32, #tpu.memory_space<hbm>>
      tpu.enqueue_dma source(%dma_start3A_36 : memref<128xi32, #tpu.memory_space<hbm>>) target(%arg10 : memref<128xi32, #tpu.memory_space<vmem>>) target_semaphore(%arg17 : memref<!tpu.dma_semaphore, #tpu.memory_space<semaphore_mem>>)
      %add3A_37 = arith.constant 0 : i32
      %add3A_38 = arith.addi %mul3A_2, %add3A_37 : i32
      %add3A_39 = arith.constant 0 : i32
      %add3A_40 = arith.addi %mul3A_2, %add3A_39 : i32
      %dma_wait3A = arith.constant 0 : i32
      %dma_wait3A_41 = tpu.memref_slice %arg3[%add3A_38, %dma_wait3A] : memref<2528x128xi32, #tpu.memory_space<hbm>> -> memref<1x128xi32, #tpu.memory_space<hbm>>
      %dma_wait3A_42 = tpu.memref_squeeze %dma_wait3A_41 : memref<1x128xi32, #tpu.memory_space<hbm>> -> memref<128xi32, #tpu.memory_space<hbm>>
      %dma_wait3A_43 = arith.constant 0 : i32
      %dma_wait3A_44 = tpu.memref_slice %arg3[%add3A_38, %dma_wait3A_43] : memref<2528x128xi32, #tpu.memory_space<hbm>> -> memref<1x128xi32, #tpu.memory_space<hbm>>
      %dma_wait3A_45 = tpu.memref_squeeze %dma_wait3A_44 : memref<1x128xi32, #tpu.memory_space<hbm>> -> memref<128xi32, #tpu.memory_space<hbm>>
      tpu.wait_dma2 semaphore(%arg16 : memref<!tpu.dma_semaphore, #tpu.memory_space<semaphore_mem>>) src(%dma_wait3A_45 : memref<128xi32, #tpu.memory_space<hbm>>) dst(%arg7 : memref<128xi32, #tpu.memory_space<vmem>>)
      %dma_wait3A_46 = arith.constant 0 : i32
      %dma_wait3A_47 = tpu.memref_slice %arg4[%add3A_40, %dma_wait3A_46] : memref<2528x128xi32, #tpu.memory_space<hbm>> -> memref<1x128xi32, #tpu.memory_space<hbm>>
      %dma_wait3A_48 = tpu.memref_squeeze %dma_wait3A_47 : memref<1x128xi32, #tpu.memory_space<hbm>> -> memref<128xi32, #tpu.memory_space<hbm>>
      %dma_wait3A_49 = arith.constant 0 : i32
      %dma_wait3A_50 = tpu.memref_slice %arg4[%add3A_40, %dma_wait3A_49] : memref<2528x128xi32, #tpu.memory_space<hbm>> -> memref<1x128xi32, #tpu.memory_space<hbm>>
      %dma_wait3A_51 = tpu.memref_squeeze %dma_wait3A_50 : memref<1x128xi32, #tpu.memory_space<hbm>> -> memref<128xi32, #tpu.memory_space<hbm>>
      tpu.wait_dma2 semaphore(%arg16 : memref<!tpu.dma_semaphore, #tpu.memory_space<semaphore_mem>>) src(%dma_wait3A_51 : memref<128xi32, #tpu.memory_space<hbm>>) dst(%arg9 : memref<128xi32, #tpu.memory_space<vmem>>)
      %dma_start3A_52 = arith.constant 0 : i32
      %dma_start3A_53 = arith.constant 0 : i32
      %dma_start3A_54 = tpu.memref_slice %arg2[%dma_start3A_52, %dma_start3A_53] : memref<10000x128xf32, #tpu.memory_space<hbm>> -> memref<10000x128xf32, #tpu.memory_space<hbm>>
      tpu.enqueue_indirect_dma source(%dma_start3A_54 : memref<10000x128xf32, #tpu.memory_space<hbm>>) target(%arg11 : memref<128x128xf32, #tpu.memory_space<vmem>>) offsets(%arg7 : memref<128xi32, #tpu.memory_space<vmem>>) semaphore(%arg14 : memref<!tpu.dma_semaphore, #tpu.memory_space<semaphore_mem>>)
      %scan3A = arith.constant 0 : i32
      %scan3A_55 = arith.constant 0 : i32
      %scan3A_56 = arith.constant 79 : i32
      %scan3A_57 = arith.addi %scan3A_55, %scan3A_56 : i32
      %scan3A_58 = arith.constant 1 : i32
      scf.for %scan3A_65 = %scan3A_55 to %scan3A_57 step %scan3A_58  : i32 {
        %mul3A_66 = arith.constant 2 : i32
        %mul3A_67 = arith.muli %scan3A_65, %mul3A_66 : i32
        %add3A_68 = arith.constant 1 : i32
        %add3A_69 = arith.addi %mul3A_67, %add3A_68 : i32
        %add3A_70 = arith.addi %mul3A_2, %add3A_69 : i32
        %add3A_71 = arith.addi %mul3A_2, %add3A_69 : i32
        %dma_wait3A_72 = arith.constant 0 : i32
        %dma_wait3A_73 = tpu.memref_slice %arg3[%add3A_70, %dma_wait3A_72] : memref<2528x128xi32, #tpu.memory_space<hbm>> -> memref<1x128xi32, #tpu.memory_space<hbm>>
        %dma_wait3A_74 = tpu.memref_squeeze %dma_wait3A_73 : memref<1x128xi32, #tpu.memory_space<hbm>> -> memref<128xi32, #tpu.memory_space<hbm>>
        %dma_wait3A_75 = arith.constant 0 : i32
        %dma_wait3A_76 = tpu.memref_slice %arg3[%add3A_70, %dma_wait3A_75] : memref<2528x128xi32, #tpu.memory_space<hbm>> -> memref<1x128xi32, #tpu.memory_space<hbm>>
        %dma_wait3A_77 = tpu.memref_squeeze %dma_wait3A_76 : memref<1x128xi32, #tpu.memory_space<hbm>> -> memref<128xi32, #tpu.memory_space<hbm>>
        tpu.wait_dma2 semaphore(%arg17 : memref<!tpu.dma_semaphore, #tpu.memory_space<semaphore_mem>>) src(%dma_wait3A_77 : memref<128xi32, #tpu.memory_space<hbm>>) dst(%arg8 : memref<128xi32, #tpu.memory_space<vmem>>)
        %dma_wait3A_78 = arith.constant 0 : i32
        %dma_wait3A_79 = tpu.memref_slice %arg4[%add3A_71, %dma_wait3A_78] : memref<2528x128xi32, #tpu.memory_space<hbm>> -> memref<1x128xi32, #tpu.memory_space<hbm>>
        %dma_wait3A_80 = tpu.memref_squeeze %dma_wait3A_79 : memref<1x128xi32, #tpu.memory_space<hbm>> -> memref<128xi32, #tpu.memory_space<hbm>>
        %dma_wait3A_81 = arith.constant 0 : i32
        %dma_wait3A_82 = tpu.memref_slice %arg4[%add3A_71, %dma_wait3A_81] : memref<2528x128xi32, #tpu.memory_space<hbm>> -> memref<1x128xi32, #tpu.memory_space<hbm>>
        %dma_wait3A_83 = tpu.memref_squeeze %dma_wait3A_82 : memref<1x128xi32, #tpu.memory_space<hbm>> -> memref<128xi32, #tpu.memory_space<hbm>>
        tpu.wait_dma2 semaphore(%arg17 : memref<!tpu.dma_semaphore, #tpu.memory_space<semaphore_mem>>) src(%dma_wait3A_83 : memref<128xi32, #tpu.memory_space<hbm>>) dst(%arg10 : memref<128xi32, #tpu.memory_space<vmem>>)
        %add3A_84 = arith.constant 1 : i32
        %add3A_85 = arith.addi %mul3A_67, %add3A_84 : i32
        %dma_start3A_86 = arith.constant 0 : i32
        %dma_start3A_87 = arith.constant 0 : i32
        %dma_start3A_88 = tpu.memref_slice %arg2[%dma_start3A_86, %dma_start3A_87] : memref<10000x128xf32, #tpu.memory_space<hbm>> -> memref<10000x128xf32, #tpu.memory_space<hbm>>
        tpu.enqueue_indirect_dma source(%dma_start3A_88 : memref<10000x128xf32, #tpu.memory_space<hbm>>) target(%arg12 : memref<128x128xf32, #tpu.memory_space<vmem>>) offsets(%arg8 : memref<128xi32, #tpu.memory_space<vmem>>) semaphore(%arg15 : memref<!tpu.dma_semaphore, #tpu.memory_space<semaphore_mem>>)
        %dma_wait3A_89 = arith.constant 0 : i32
        %dma_wait3A_90 = arith.constant 0 : i32
        %dma_wait3A_91 = tpu.memref_slice %arg2[%dma_wait3A_89, %dma_wait3A_90] : memref<10000x128xf32, #tpu.memory_space<hbm>> -> memref<10000x128xf32, #tpu.memory_space<hbm>>
        tpu.wait_indirect_dma semaphore(%arg14 : memref<!tpu.dma_semaphore, #tpu.memory_space<semaphore_mem>>) src(%dma_wait3A_91 : memref<10000x128xf32, #tpu.memory_space<hbm>>) dst(%arg11 : memref<128x128xf32, #tpu.memory_space<vmem>>)
        "tpu.region"() ({
          %run_scoped3A = tpu.sem_alloc : memref<!tpu.dma_semaphore, #tpu.memory_space<semaphore_mem>>
          %dma_start3A_106 = arith.constant 0 : i32
          %dma_start3A_107 = arith.constant 0 : i32
          %dma_start3A_108 = tpu.memref_slice %arg13[%dma_start3A_106, %dma_start3A_107] : memref<10112x128xf32, #tpu.memory_space<vmem_shared>> -> memref<10112x128xf32, #tpu.memory_space<vmem_shared>>
          tpu.enqueue_indirect_dma source(%arg11 : memref<128x128xf32, #tpu.memory_space<vmem>>) target(%dma_start3A_108 : memref<10112x128xf32, #tpu.memory_space<vmem_shared>>) offsets(%arg9 : memref<128xi32, #tpu.memory_space<vmem>>) semaphore(%run_scoped3A : memref<!tpu.dma_semaphore, #tpu.memory_space<semaphore_mem>>) {add = true}
          %dma_wait3A_109 = arith.constant 0 : i32
          %dma_wait3A_110 = arith.constant 0 : i32
          %dma_wait3A_111 = tpu.memref_slice %arg13[%dma_wait3A_109, %dma_wait3A_110] : memref<10112x128xf32, #tpu.memory_space<vmem_shared>> -> memref<10112x128xf32, #tpu.memory_space<vmem_shared>>
          tpu.wait_indirect_dma semaphore(%run_scoped3A : memref<!tpu.dma_semaphore, #tpu.memory_space<semaphore_mem>>) src(%arg11 : memref<128x128xf32, #tpu.memory_space<vmem>>) dst(%dma_wait3A_111 : memref<10112x128xf32, #tpu.memory_space<vmem_shared>>)
          tpu.yield
        }) : () -> ()
        %lt3A = arith.constant 78 : i32
        %lt3A_92 = arith.cmpi slt, %scan3A_65, %lt3A : i32
        %convert_element_type3A_93 = arith.extui %lt3A_92 : i1 to i32
        %cond3A_94 = arith.constant 0 : i32
        %cond3A_95 = arith.cmpi ne, %convert_element_type3A_93, %cond3A_94 : i32
        scf.if %cond3A_95 {
          %add3A_106 = arith.constant 2 : i32
          %add3A_107 = arith.addi %mul3A_67, %add3A_106 : i32
          %add3A_108 = arith.addi %mul3A_2, %add3A_107 : i32
          %add3A_109 = arith.addi %mul3A_2, %add3A_107 : i32
          %dma_start3A_110 = arith.constant 0 : i32
          %dma_start3A_111 = tpu.memref_slice %arg3[%add3A_108, %dma_start3A_110] : memref<2528x128xi32, #tpu.memory_space<hbm>> -> memref<1x128xi32, #tpu.memory_space<hbm>>
          %dma_start3A_112 = tpu.memref_squeeze %dma_start3A_111 : memref<1x128xi32, #tpu.memory_space<hbm>> -> memref<128xi32, #tpu.memory_space<hbm>>
          %dma_start3A_113 = arith.constant 0 : i32
          %dma_start3A_114 = tpu.memref_slice %arg3[%add3A_108, %dma_start3A_113] : memref<2528x128xi32, #tpu.memory_space<hbm>> -> memref<1x128xi32, #tpu.memory_space<hbm>>
          %dma_start3A_115 = tpu.memref_squeeze %dma_start3A_114 : memref<1x128xi32, #tpu.memory_space<hbm>> -> memref<128xi32, #tpu.memory_space<hbm>>
          tpu.enqueue_dma source(%dma_start3A_115 : memref<128xi32, #tpu.memory_space<hbm>>) target(%arg7 : memref<128xi32, #tpu.memory_space<vmem>>) target_semaphore(%arg16 : memref<!tpu.dma_semaphore, #tpu.memory_space<semaphore_mem>>)
          %dma_start3A_116 = arith.constant 0 : i32
          %dma_start3A_117 = tpu.memref_slice %arg4[%add3A_109, %dma_start3A_116] : memref<2528x128xi32, #tpu.memory_space<hbm>> -> memref<1x128xi32, #tpu.memory_space<hbm>>
          %dma_start3A_118 = tpu.memref_squeeze %dma_start3A_117 : memref<1x128xi32, #tpu.memory_space<hbm>> -> memref<128xi32, #tpu.memory_space<hbm>>
          %dma_start3A_119 = arith.constant 0 : i32
          %dma_start3A_120 = tpu.memref_slice %arg4[%add3A_109, %dma_start3A_119] : memref<2528x128xi32, #tpu.memory_space<hbm>> -> memref<1x128xi32, #tpu.memory_space<hbm>>
          %dma_start3A_121 = tpu.memref_squeeze %dma_start3A_120 : memref<1x128xi32, #tpu.memory_space<hbm>> -> memref<128xi32, #tpu.memory_space<hbm>>
          tpu.enqueue_dma source(%dma_start3A_121 : memref<128xi32, #tpu.memory_space<hbm>>) target(%arg9 : memref<128xi32, #tpu.memory_space<vmem>>) target_semaphore(%arg16 : memref<!tpu.dma_semaphore, #tpu.memory_space<semaphore_mem>>)
        } else {
        }
        %add3A_96 = arith.constant 1 : i32
        %add3A_97 = arith.addi %mul3A_67, %add3A_96 : i32
        %dma_wait3A_98 = arith.constant 0 : i32
        %dma_wait3A_99 = arith.constant 0 : i32
        %dma_wait3A_100 = tpu.memref_slice %arg2[%dma_wait3A_98, %dma_wait3A_99] : memref<10000x128xf32, #tpu.memory_space<hbm>> -> memref<10000x128xf32, #tpu.memory_space<hbm>>
        tpu.wait_indirect_dma semaphore(%arg15 : memref<!tpu.dma_semaphore, #tpu.memory_space<semaphore_mem>>) src(%dma_wait3A_100 : memref<10000x128xf32, #tpu.memory_space<hbm>>) dst(%arg12 : memref<128x128xf32, #tpu.memory_space<vmem>>)
        "tpu.region"() ({
          %run_scoped3A = tpu.sem_alloc : memref<!tpu.dma_semaphore, #tpu.memory_space<semaphore_mem>>
          %dma_start3A_106 = arith.constant 0 : i32
          %dma_start3A_107 = arith.constant 0 : i32
          %dma_start3A_108 = tpu.memref_slice %arg13[%dma_start3A_106, %dma_start3A_107] : memref<10112x128xf32, #tpu.memory_space<vmem_shared>> -> memref<10112x128xf32, #tpu.memory_space<vmem_shared>>
          tpu.enqueue_indirect_dma source(%arg12 : memref<128x128xf32, #tpu.memory_space<vmem>>) target(%dma_start3A_108 : memref<10112x128xf32, #tpu.memory_space<vmem_shared>>) offsets(%arg10 : memref<128xi32, #tpu.memory_space<vmem>>) semaphore(%run_scoped3A : memref<!tpu.dma_semaphore, #tpu.memory_space<semaphore_mem>>) {add = true}
          %dma_wait3A_109 = arith.constant 0 : i32
          %dma_wait3A_110 = arith.constant 0 : i32
          %dma_wait3A_111 = tpu.memref_slice %arg13[%dma_wait3A_109, %dma_wait3A_110] : memref<10112x128xf32, #tpu.memory_space<vmem_shared>> -> memref<10112x128xf32, #tpu.memory_space<vmem_shared>>
          tpu.wait_indirect_dma semaphore(%run_scoped3A : memref<!tpu.dma_semaphore, #tpu.memory_space<semaphore_mem>>) src(%arg12 : memref<128x128xf32, #tpu.memory_space<vmem>>) dst(%dma_wait3A_111 : memref<10112x128xf32, #tpu.memory_space<vmem_shared>>)
          tpu.yield
        }) : () -> ()
        %lt3A_101 = arith.constant 78 : i32
        %lt3A_102 = arith.cmpi slt, %scan3A_65, %lt3A_101 : i32
        %convert_element_type3A_103 = arith.extui %lt3A_102 : i1 to i32
        %cond3A_104 = arith.constant 0 : i32
        %cond3A_105 = arith.cmpi ne, %convert_element_type3A_103, %cond3A_104 : i32
        scf.if %cond3A_105 {
          %add3A_106 = arith.constant 3 : i32
          %add3A_107 = arith.addi %mul3A_67, %add3A_106 : i32
          %add3A_108 = arith.addi %mul3A_2, %add3A_107 : i32
          %add3A_109 = arith.addi %mul3A_2, %add3A_107 : i32
          %dma_start3A_110 = arith.constant 0 : i32
          %dma_start3A_111 = tpu.memref_slice %arg3[%add3A_108, %dma_start3A_110] : memref<2528x128xi32, #tpu.memory_space<hbm>> -> memref<1x128xi32, #tpu.memory_space<hbm>>
          %dma_start3A_112 = tpu.memref_squeeze %dma_start3A_111 : memref<1x128xi32, #tpu.memory_space<hbm>> -> memref<128xi32, #tpu.memory_space<hbm>>
          %dma_start3A_113 = arith.constant 0 : i32
          %dma_start3A_114 = tpu.memref_slice %arg3[%add3A_108, %dma_start3A_113] : memref<2528x128xi32, #tpu.memory_space<hbm>> -> memref<1x128xi32, #tpu.memory_space<hbm>>
          %dma_start3A_115 = tpu.memref_squeeze %dma_start3A_114 : memref<1x128xi32, #tpu.memory_space<hbm>> -> memref<128xi32, #tpu.memory_space<hbm>>
          tpu.enqueue_dma source(%dma_start3A_115 : memref<128xi32, #tpu.memory_space<hbm>>) target(%arg8 : memref<128xi32, #tpu.memory_space<vmem>>) target_semaphore(%arg17 : memref<!tpu.dma_semaphore, #tpu.memory_space<semaphore_mem>>)
          %dma_start3A_116 = arith.constant 0 : i32
          %dma_start3A_117 = tpu.memref_slice %arg4[%add3A_109, %dma_start3A_116] : memref<2528x128xi32, #tpu.memory_space<hbm>> -> memref<1x128xi32, #tpu.memory_space<hbm>>
          %dma_start3A_118 = tpu.memref_squeeze %dma_start3A_117 : memref<1x128xi32, #tpu.memory_space<hbm>> -> memref<128xi32, #tpu.memory_space<hbm>>
          %dma_start3A_119 = arith.constant 0 : i32
          %dma_start3A_120 = tpu.memref_slice %arg4[%add3A_109, %dma_start3A_119] : memref<2528x128xi32, #tpu.memory_space<hbm>> -> memref<1x128xi32, #tpu.memory_space<hbm>>
          %dma_start3A_121 = tpu.memref_squeeze %dma_start3A_120 : memref<1x128xi32, #tpu.memory_space<hbm>> -> memref<128xi32, #tpu.memory_space<hbm>>
          tpu.enqueue_dma source(%dma_start3A_121 : memref<128xi32, #tpu.memory_space<hbm>>) target(%arg10 : memref<128xi32, #tpu.memory_space<vmem>>) target_semaphore(%arg17 : memref<!tpu.dma_semaphore, #tpu.memory_space<semaphore_mem>>)
          %add3A_122 = arith.constant 2 : i32
          %add3A_123 = arith.addi %mul3A_67, %add3A_122 : i32
          %add3A_124 = arith.addi %mul3A_2, %add3A_123 : i32
          %add3A_125 = arith.addi %mul3A_2, %add3A_123 : i32
          %dma_wait3A_126 = arith.constant 0 : i32
          %dma_wait3A_127 = tpu.memref_slice %arg3[%add3A_124, %dma_wait3A_126] : memref<2528x128xi32, #tpu.memory_space<hbm>> -> memref<1x128xi32, #tpu.memory_space<hbm>>
          %dma_wait3A_128 = tpu.memref_squeeze %dma_wait3A_127 : memref<1x128xi32, #tpu.memory_space<hbm>> -> memref<128xi32, #tpu.memory_space<hbm>>
          %dma_wait3A_129 = arith.constant 0 : i32
          %dma_wait3A_130 = tpu.memref_slice %arg3[%add3A_124, %dma_wait3A_129] : memref<2528x128xi32, #tpu.memory_space<hbm>> -> memref<1x128xi32, #tpu.memory_space<hbm>>
          %dma_wait3A_131 = tpu.memref_squeeze %dma_wait3A_130 : memref<1x128xi32, #tpu.memory_space<hbm>> -> memref<128xi32, #tpu.memory_space<hbm>>
          tpu.wait_dma2 semaphore(%arg16 : memref<!tpu.dma_semaphore, #tpu.memory_space<semaphore_mem>>) src(%dma_wait3A_131 : memref<128xi32, #tpu.memory_space<hbm>>) dst(%arg7 : memref<128xi32, #tpu.memory_space<vmem>>)
          %dma_wait3A_132 = arith.constant 0 : i32
          %dma_wait3A_133 = tpu.memref_slice %arg4[%add3A_125, %dma_wait3A_132] : memref<2528x128xi32, #tpu.memory_space<hbm>> -> memref<1x128xi32, #tpu.memory_space<hbm>>
          %dma_wait3A_134 = tpu.memref_squeeze %dma_wait3A_133 : memref<1x128xi32, #tpu.memory_space<hbm>> -> memref<128xi32, #tpu.memory_space<hbm>>
          %dma_wait3A_135 = arith.constant 0 : i32
          %dma_wait3A_136 = tpu.memref_slice %arg4[%add3A_125, %dma_wait3A_135] : memref<2528x128xi32, #tpu.memory_space<hbm>> -> memref<1x128xi32, #tpu.memory_space<hbm>>
          %dma_wait3A_137 = tpu.memref_squeeze %dma_wait3A_136 : memref<1x128xi32, #tpu.memory_space<hbm>> -> memref<128xi32, #tpu.memory_space<hbm>>
          tpu.wait_dma2 semaphore(%arg16 : memref<!tpu.dma_semaphore, #tpu.memory_space<semaphore_mem>>) src(%dma_wait3A_137 : memref<128xi32, #tpu.memory_space<hbm>>) dst(%arg9 : memref<128xi32, #tpu.memory_space<vmem>>)
          %add3A_138 = arith.constant 2 : i32
          %add3A_139 = arith.addi %mul3A_67, %add3A_138 : i32
          %dma_start3A_140 = arith.constant 0 : i32
          %dma_start3A_141 = arith.constant 0 : i32
          %dma_start3A_142 = tpu.memref_slice %arg2[%dma_start3A_140, %dma_start3A_141] : memref<10000x128xf32, #tpu.memory_space<hbm>> -> memref<10000x128xf32, #tpu.memory_space<hbm>>
          tpu.enqueue_indirect_dma source(%dma_start3A_142 : memref<10000x128xf32, #tpu.memory_space<hbm>>) target(%arg11 : memref<128x128xf32, #tpu.memory_space<vmem>>) offsets(%arg7 : memref<128xi32, #tpu.memory_space<vmem>>) semaphore(%arg14 : memref<!tpu.dma_semaphore, #tpu.memory_space<semaphore_mem>>)
        } else {
        }
      }
      %scan3A_59 = arith.constant 79 : i32
      %barrier3A_60 = arith.constant 0 : index
      tpu.barrier barrier_id(%barrier3A_60)
      %mul3A_61 = arith.constant 632 : i32
      %mul3A_62 = arith.muli %arg1, %mul3A_61 : i32
      %mul3A_63 = arith.constant 632 : i32
      %mul3A_64 = arith.muli %arg1, %mul3A_63 : i32
      "tpu.region"() ({
        %run_scoped3A = tpu.sem_alloc : memref<!tpu.dma_semaphore, #tpu.memory_space<semaphore_mem>>
        %dma_start3A_65 = arith.constant 0 : i32
        %dma_start3A_66 = tpu.memref_slice %arg6[%mul3A_64, %dma_start3A_65] : memref<10112x128xf32, #tpu.memory_space<hbm>> -> memref<632x128xf32, #tpu.memory_space<hbm>>
        %dma_start3A_67 = arith.constant 0 : i32
        %dma_start3A_68 = tpu.memref_slice %arg13[%mul3A_62, %dma_start3A_67] : memref<10112x128xf32, #tpu.memory_space<vmem_shared>> -> memref<632x128xf32, #tpu.memory_space<vmem_shared>>
        tpu.enqueue_dma source(%dma_start3A_68 : memref<632x128xf32, #tpu.memory_space<vmem_shared>>) target(%dma_start3A_66 : memref<632x128xf32, #tpu.memory_space<hbm>>) target_semaphore(%run_scoped3A : memref<!tpu.dma_semaphore, #tpu.memory_space<semaphore_mem>>)
        %dma_wait3A_69 = arith.constant 0 : i32
        %dma_wait3A_70 = tpu.memref_slice %arg6[%mul3A_64, %dma_wait3A_69] : memref<10112x128xf32, #tpu.memory_space<hbm>> -> memref<632x128xf32, #tpu.memory_space<hbm>>
        %dma_wait3A_71 = arith.constant 0 : i32
        %dma_wait3A_72 = tpu.memref_slice %arg13[%mul3A_62, %dma_wait3A_71] : memref<10112x128xf32, #tpu.memory_space<vmem_shared>> -> memref<632x128xf32, #tpu.memory_space<vmem_shared>>
        tpu.wait_dma2 semaphore(%run_scoped3A : memref<!tpu.dma_semaphore, #tpu.memory_space<semaphore_mem>>) src(%dma_wait3A_72 : memref<632x128xf32, #tpu.memory_space<vmem_shared>>) dst(%dma_wait3A_70 : memref<632x128xf32, #tpu.memory_space<hbm>>)
        tpu.yield
      }) : () -> ()
    } else {
    }
    return
  }
}

module attributes {stable_mosaic.version = 14 : i64} {
  func.func @_emb_body(%arg0: memref<10000x128xf32, #tpu.memory_space<vmem>>, %arg1: memref<128x128xf32, #tpu.memory_space<vmem>>, %arg2: memref<1x128xf32, #tpu.memory_space<vmem>>, %arg3: memref<10000x128xf32, #tpu.memory_space<vmem>>) attributes {dimension_semantics = [], scalar_prefetch = 0 : i64, scratch_operands = 0 : i64, tpu.core_type = #tpu.core_type<tc>} {
    %get3A = arith.constant 0 : index
    %get3A_0 = arith.constant 0 : index
    %get3A_1 = vector.load %arg0[%get3A, %get3A_0] : memref<10000x128xf32, #tpu.memory_space<vmem>>, vector<10000x128xf32>
    %get3A_2 = arith.constant 0 : index
    %get3A_3 = arith.constant 0 : index
    %get3A_4 = vector.load %arg1[%get3A_2, %get3A_3] : memref<128x128xf32, #tpu.memory_space<vmem>>, vector<128x128xf32>
    %dot_general3A = arith.constant dense<0.000000e+00> : vector<10000x128xf32>
    %dot_general3A_5 = tpu.matmul %get3A_1, %get3A_4, %dot_general3A {dimension_numbers = #tpu.dot_dimension_numbers<[1], [0], [0], [1], [0, 0, 1, 1], [], []>, transpose_lhs_hint = false} : vector<10000x128xf32>, vector<128x128xf32>, vector<10000x128xf32> -> vector<10000x128xf32>
    %get3A_6 = arith.constant 0 : index
    %get3A_7 = arith.constant 0 : index
    %get3A_8 = vector.load %arg2[%get3A_6, %get3A_7] : memref<1x128xf32, #tpu.memory_space<vmem>>, vector<1x128xf32>
    %add3A = vector.broadcast %get3A_8 : vector<1x128xf32> to vector<10000x128xf32>
    %add3A_9 = arith.addf %dot_general3A_5, %add3A : vector<10000x128xf32>
    %swap3A = arith.constant 0 : index
    %swap3A_10 = arith.constant 0 : index
    %swap3A_11 = vector.load %arg3[%swap3A, %swap3A_10] : memref<10000x128xf32, #tpu.memory_space<vmem>>, vector<10000x128xf32>
    tpu.vector_store %arg3[%swap3A, %swap3A_10], %add3A_9 {strides = array<i32>} : memref<10000x128xf32, #tpu.memory_space<vmem>>, vector<10000x128xf32>,
    return
  }
}

module attributes {stable_mosaic.version = 14 : i64} {
  func.func @_mlp_body(%arg0: memref<10000x128xf32, #tpu.memory_space<vmem>>, %arg1: memref<10112x128xf32, #tpu.memory_space<vmem>>, %arg2: memref<128x128xf32, #tpu.memory_space<vmem>>, %arg3: memref<1x128xf32, #tpu.memory_space<vmem>>, %arg4: memref<1x128xf32, #tpu.memory_space<vmem>>, %arg5: memref<1x128xf32, #tpu.memory_space<vmem>>, %arg6: memref<128x128xf32, #tpu.memory_space<vmem>>, %arg7: memref<1x128xf32, #tpu.memory_space<vmem>>, %arg8: memref<1x128xf32, #tpu.memory_space<vmem>>, %arg9: memref<1x128xf32, #tpu.memory_space<vmem>>, %arg10: memref<1x128xf32, #tpu.memory_space<vmem>>, %arg11: memref<1x128xf32, #tpu.memory_space<vmem>>, %arg12: memref<10000x128xf32, #tpu.memory_space<vmem>>) attributes {dimension_semantics = [], scalar_prefetch = 0 : i64, scratch_operands = 0 : i64, tpu.core_type = #tpu.core_type<tc>} {
    %get3A = arith.constant 0 : index
    %get3A_0 = arith.constant 0 : index
    %get3A_1 = vector.load %arg0[%get3A, %get3A_0] : memref<10000x128xf32, #tpu.memory_space<vmem>>, vector<10000x128xf32>
    %get3A_2 = arith.constant 0 : index
    %get3A_3 = arith.constant 0 : index
    %get3A_4 = vector.load %arg1[%get3A_2, %get3A_3] : memref<10112x128xf32, #tpu.memory_space<vmem>>, vector<10000x128xf32>
    %add3A = arith.addf %get3A_1, %get3A_4 : vector<10000x128xf32>
    %get3A_5 = arith.constant 0 : index
    %get3A_6 = arith.constant 0 : index
    %get3A_7 = vector.load %arg2[%get3A_5, %get3A_6] : memref<128x128xf32, #tpu.memory_space<vmem>>, vector<128x128xf32>
    %dot_general3A = arith.constant dense<0.000000e+00> : vector<10000x128xf32>
    %dot_general3A_8 = tpu.matmul %add3A, %get3A_7, %dot_general3A {dimension_numbers = #tpu.dot_dimension_numbers<[1], [0], [0], [1], [0, 0, 1, 1], [], []>, transpose_lhs_hint = false} : vector<10000x128xf32>, vector<128x128xf32>, vector<10000x128xf32> -> vector<10000x128xf32>
    %get3A_9 = arith.constant 0 : index
    %get3A_10 = arith.constant 0 : index
    %get3A_11 = vector.load %arg3[%get3A_9, %get3A_10] : memref<1x128xf32, #tpu.memory_space<vmem>>, vector<1x128xf32>
    %add3A_12 = vector.broadcast %get3A_11 : vector<1x128xf32> to vector<10000x128xf32>
    %add3A_13 = arith.addf %dot_general3A_8, %add3A_12 : vector<10000x128xf32>
    %get3A_14 = arith.constant 0 : index
    %get3A_15 = arith.constant 0 : index
    %get3A_16 = vector.load %arg4[%get3A_14, %get3A_15] : memref<1x128xf32, #tpu.memory_space<vmem>>, vector<1x128xf32>
    %get3A_17 = arith.constant 0 : index
    %get3A_18 = arith.constant 0 : index
    %get3A_19 = vector.load %arg5[%get3A_17, %get3A_18] : memref<1x128xf32, #tpu.memory_space<vmem>>, vector<1x128xf32>
    %reduce_sum3A = arith.constant dense<0.000000e+00> : vector<128xf32>
    %reduce_sum3A_20 = vector.multi_reduction <add>, %add3A_13, %reduce_sum3A [0] : vector<10000x128xf32> to vector<128xf32>
    %div3A = arith.constant 1.000000e+04 : f32
    %div3A_21 = vector.broadcast %div3A : f32 to vector<128xf32>
    %div3A_22 = arith.divf %reduce_sum3A_20, %div3A_21 : vector<128xf32>
    %jit3A = arith.constant 0 : i32
    %reduce_sum3A_23 = arith.constant dense<0.000000e+00> : vector<128xf32>
    %reduce_sum3A_24 = vector.multi_reduction <add>, %add3A_13, %reduce_sum3A_23 [0] : vector<10000x128xf32> to vector<128xf32>
    %broadcast_in_dim3A = vector.shape_cast %reduce_sum3A_24 : vector<128xf32> to vector<1x128xf32>
    %div3A_25 = arith.constant 1.000000e+04 : f32
    %div3A_26 = vector.broadcast %div3A_25 : f32 to vector<1x128xf32>
    %div3A_27 = arith.divf %broadcast_in_dim3A, %div3A_26 : vector<1x128xf32>
    %sub3A = vector.broadcast %div3A_27 : vector<1x128xf32> to vector<10000x128xf32>
    %sub3A_28 = arith.subf %add3A_13, %sub3A : vector<10000x128xf32>
    %square3A = arith.mulf %sub3A_28, %sub3A_28 : vector<10000x128xf32>
    %convert_element_type3A = arith.sitofp %jit3A : i32 to f32
    %sub3A_29 = arith.constant 1.000000e+04 : f32
    %sub3A_30 = arith.subf %sub3A_29, %convert_element_type3A : f32
    %reduce_sum3A_31 = arith.constant dense<0.000000e+00> : vector<128xf32>
    %reduce_sum3A_32 = vector.multi_reduction <add>, %square3A, %reduce_sum3A_31 [0] : vector<10000x128xf32> to vector<128xf32>
    %div3A_33 = vector.broadcast %sub3A_30 : f32 to vector<128xf32>
    %div3A_34 = arith.divf %reduce_sum3A_32, %div3A_33 : vector<128xf32>
    %gt3A = arith.constant 0.000000e+00 : f32
    %gt3A_35 = arith.cmpf ogt, %sub3A_30, %gt3A : f32
    %jit3A_36 = arith.constant 0x7FC00000 : f32
    %broadcast_in_dim3A_37 = vector.broadcast %jit3A_36 : f32 to vector<128xf32>
    %select_n3A = arith.select %gt3A_35, %div3A_34, %broadcast_in_dim3A_37 : vector<128xf32>
    %broadcast_in_dim3A_38 = vector.shape_cast %div3A_22 : vector<128xf32> to vector<1x128xf32>
    %sub3A_39 = vector.broadcast %broadcast_in_dim3A_38 : vector<1x128xf32> to vector<10000x128xf32>
    %sub3A_40 = arith.subf %add3A_13, %sub3A_39 : vector<10000x128xf32>
    %add3A_41 = arith.constant 9.99999974E-6 : f32
    %add3A_42 = vector.broadcast %add3A_41 : f32 to vector<128xf32>
    %add3A_43 = arith.addf %select_n3A, %add3A_42 : vector<128xf32>
    %sqrt3A = math.sqrt %add3A_43 : vector<128xf32>
    %broadcast_in_dim3A_44 = vector.shape_cast %sqrt3A : vector<128xf32> to vector<1x128xf32>
    %div3A_45 = vector.broadcast %broadcast_in_dim3A_44 : vector<1x128xf32> to vector<10000x128xf32>
    %div3A_46 = arith.divf %sub3A_40, %div3A_45 : vector<10000x128xf32>
    %mul3A = vector.broadcast %get3A_16 : vector<1x128xf32> to vector<10000x128xf32>
    %mul3A_47 = arith.mulf %div3A_46, %mul3A : vector<10000x128xf32>
    %add3A_48 = vector.broadcast %get3A_19 : vector<1x128xf32> to vector<10000x128xf32>
    %add3A_49 = arith.addf %mul3A_47, %add3A_48 : vector<10000x128xf32>
    %max3A = arith.constant 0.000000e+00 : f32
    %max3A_50 = vector.broadcast %max3A : f32 to vector<10000x128xf32>
    %max3A_51 = arith.maximumf %add3A_49, %max3A_50 : vector<10000x128xf32>
    %get3A_52 = arith.constant 0 : index
    %get3A_53 = arith.constant 0 : index
    %get3A_54 = vector.load %arg6[%get3A_52, %get3A_53] : memref<128x128xf32, #tpu.memory_space<vmem>>, vector<128x128xf32>
    %dot_general3A_55 = arith.constant dense<0.000000e+00> : vector<10000x128xf32>
    %dot_general3A_56 = tpu.matmul %max3A_51, %get3A_54, %dot_general3A_55 {dimension_numbers = #tpu.dot_dimension_numbers<[1], [0], [0], [1], [0, 0, 1, 1], [], []>, transpose_lhs_hint = false} : vector<10000x128xf32>, vector<128x128xf32>, vector<10000x128xf32> -> vector<10000x128xf32>
    %get3A_57 = arith.constant 0 : index
    %get3A_58 = arith.constant 0 : index
    %get3A_59 = vector.load %arg7[%get3A_57, %get3A_58] : memref<1x128xf32, #tpu.memory_space<vmem>>, vector<1x128xf32>
    %add3A_60 = vector.broadcast %get3A_59 : vector<1x128xf32> to vector<10000x128xf32>
    %add3A_61 = arith.addf %dot_general3A_56, %add3A_60 : vector<10000x128xf32>
    %get3A_62 = arith.constant 0 : index
    %get3A_63 = arith.constant 0 : index
    %get3A_64 = vector.load %arg8[%get3A_62, %get3A_63] : memref<1x128xf32, #tpu.memory_space<vmem>>, vector<1x128xf32>
    %get3A_65 = arith.constant 0 : index
    %get3A_66 = arith.constant 0 : index
    %get3A_67 = vector.load %arg9[%get3A_65, %get3A_66] : memref<1x128xf32, #tpu.memory_space<vmem>>, vector<1x128xf32>
    %reduce_sum3A_68 = arith.constant dense<0.000000e+00> : vector<128xf32>
    %reduce_sum3A_69 = vector.multi_reduction <add>, %add3A_61, %reduce_sum3A_68 [0] : vector<10000x128xf32> to vector<128xf32>
    %div3A_70 = arith.constant 1.000000e+04 : f32
    %div3A_71 = vector.broadcast %div3A_70 : f32 to vector<128xf32>
    %div3A_72 = arith.divf %reduce_sum3A_69, %div3A_71 : vector<128xf32>
    %jit3A_73 = arith.constant 0 : i32
    %reduce_sum3A_74 = arith.constant dense<0.000000e+00> : vector<128xf32>
    %reduce_sum3A_75 = vector.multi_reduction <add>, %add3A_61, %reduce_sum3A_74 [0] : vector<10000x128xf32> to vector<128xf32>
    %broadcast_in_dim3A_76 = vector.shape_cast %reduce_sum3A_75 : vector<128xf32> to vector<1x128xf32>
    %div3A_77 = arith.constant 1.000000e+04 : f32
    %div3A_78 = vector.broadcast %div3A_77 : f32 to vector<1x128xf32>
    %div3A_79 = arith.divf %broadcast_in_dim3A_76, %div3A_78 : vector<1x128xf32>
    %sub3A_80 = vector.broadcast %div3A_79 : vector<1x128xf32> to vector<10000x128xf32>
    %sub3A_81 = arith.subf %add3A_61, %sub3A_80 : vector<10000x128xf32>
    %square3A_82 = arith.mulf %sub3A_81, %sub3A_81 : vector<10000x128xf32>
    %convert_element_type3A_83 = arith.sitofp %jit3A_73 : i32 to f32
    %sub3A_84 = arith.constant 1.000000e+04 : f32
    %sub3A_85 = arith.subf %sub3A_84, %convert_element_type3A_83 : f32
    %reduce_sum3A_86 = arith.constant dense<0.000000e+00> : vector<128xf32>
    %reduce_sum3A_87 = vector.multi_reduction <add>, %square3A_82, %reduce_sum3A_86 [0] : vector<10000x128xf32> to vector<128xf32>
    %div3A_88 = vector.broadcast %sub3A_85 : f32 to vector<128xf32>
    %div3A_89 = arith.divf %reduce_sum3A_87, %div3A_88 : vector<128xf32>
    %gt3A_90 = arith.constant 0.000000e+00 : f32
    %gt3A_91 = arith.cmpf ogt, %sub3A_85, %gt3A_90 : f32
    %jit3A_92 = arith.constant 0x7FC00000 : f32
    %broadcast_in_dim3A_93 = vector.broadcast %jit3A_92 : f32 to vector<128xf32>
    %select_n3A_94 = arith.select %gt3A_91, %div3A_89, %broadcast_in_dim3A_93 : vector<128xf32>
    %broadcast_in_dim3A_95 = vector.shape_cast %div3A_72 : vector<128xf32> to vector<1x128xf32>
    %sub3A_96 = vector.broadcast %broadcast_in_dim3A_95 : vector<1x128xf32> to vector<10000x128xf32>
    %sub3A_97 = arith.subf %add3A_61, %sub3A_96 : vector<10000x128xf32>
    %add3A_98 = arith.constant 9.99999974E-6 : f32
    %add3A_99 = vector.broadcast %add3A_98 : f32 to vector<128xf32>
    %add3A_100 = arith.addf %select_n3A_94, %add3A_99 : vector<128xf32>
    %sqrt3A_101 = math.sqrt %add3A_100 : vector<128xf32>
    %broadcast_in_dim3A_102 = vector.shape_cast %sqrt3A_101 : vector<128xf32> to vector<1x128xf32>
    %div3A_103 = vector.broadcast %broadcast_in_dim3A_102 : vector<1x128xf32> to vector<10000x128xf32>
    %div3A_104 = arith.divf %sub3A_97, %div3A_103 : vector<10000x128xf32>
    %mul3A_105 = vector.broadcast %get3A_64 : vector<1x128xf32> to vector<10000x128xf32>
    %mul3A_106 = arith.mulf %div3A_104, %mul3A_105 : vector<10000x128xf32>
    %add3A_107 = vector.broadcast %get3A_67 : vector<1x128xf32> to vector<10000x128xf32>
    %add3A_108 = arith.addf %mul3A_106, %add3A_107 : vector<10000x128xf32>
    %max3A_109 = arith.constant 0.000000e+00 : f32
    %max3A_110 = vector.broadcast %max3A_109 : f32 to vector<10000x128xf32>
    %max3A_111 = arith.maximumf %add3A_108, %max3A_110 : vector<10000x128xf32>
    %get3A_112 = arith.constant 0 : index
    %get3A_113 = arith.constant 0 : index
    %get3A_114 = vector.load %arg10[%get3A_112, %get3A_113] : memref<1x128xf32, #tpu.memory_space<vmem>>, vector<1x128xf32>
    %get3A_115 = arith.constant 0 : index
    %get3A_116 = arith.constant 0 : index
    %get3A_117 = vector.load %arg11[%get3A_115, %get3A_116] : memref<1x128xf32, #tpu.memory_space<vmem>>, vector<1x128xf32>
    %reduce_sum3A_118 = arith.constant dense<0.000000e+00> : vector<128xf32>
    %reduce_sum3A_119 = vector.multi_reduction <add>, %max3A_111, %reduce_sum3A_118 [0] : vector<10000x128xf32> to vector<128xf32>
    %div3A_120 = arith.constant 1.000000e+04 : f32
    %div3A_121 = vector.broadcast %div3A_120 : f32 to vector<128xf32>
    %div3A_122 = arith.divf %reduce_sum3A_119, %div3A_121 : vector<128xf32>
    %jit3A_123 = arith.constant 0 : i32
    %reduce_sum3A_124 = arith.constant dense<0.000000e+00> : vector<128xf32>
    %reduce_sum3A_125 = vector.multi_reduction <add>, %max3A_111, %reduce_sum3A_124 [0] : vector<10000x128xf32> to vector<128xf32>
    %broadcast_in_dim3A_126 = vector.shape_cast %reduce_sum3A_125 : vector<128xf32> to vector<1x128xf32>
    %div3A_127 = arith.constant 1.000000e+04 : f32
    %div3A_128 = vector.broadcast %div3A_127 : f32 to vector<1x128xf32>
    %div3A_129 = arith.divf %broadcast_in_dim3A_126, %div3A_128 : vector<1x128xf32>
    %sub3A_130 = vector.broadcast %div3A_129 : vector<1x128xf32> to vector<10000x128xf32>
    %sub3A_131 = arith.subf %max3A_111, %sub3A_130 : vector<10000x128xf32>
    %square3A_132 = arith.mulf %sub3A_131, %sub3A_131 : vector<10000x128xf32>
    %convert_element_type3A_133 = arith.sitofp %jit3A_123 : i32 to f32
    %sub3A_134 = arith.constant 1.000000e+04 : f32
    %sub3A_135 = arith.subf %sub3A_134, %convert_element_type3A_133 : f32
    %reduce_sum3A_136 = arith.constant dense<0.000000e+00> : vector<128xf32>
    %reduce_sum3A_137 = vector.multi_reduction <add>, %square3A_132, %reduce_sum3A_136 [0] : vector<10000x128xf32> to vector<128xf32>
    %div3A_138 = vector.broadcast %sub3A_135 : f32 to vector<128xf32>
    %div3A_139 = arith.divf %reduce_sum3A_137, %div3A_138 : vector<128xf32>
    %gt3A_140 = arith.constant 0.000000e+00 : f32
    %gt3A_141 = arith.cmpf ogt, %sub3A_135, %gt3A_140 : f32
    %jit3A_142 = arith.constant 0x7FC00000 : f32
    %broadcast_in_dim3A_143 = vector.broadcast %jit3A_142 : f32 to vector<128xf32>
    %select_n3A_144 = arith.select %gt3A_141, %div3A_139, %broadcast_in_dim3A_143 : vector<128xf32>
    %broadcast_in_dim3A_145 = vector.shape_cast %div3A_122 : vector<128xf32> to vector<1x128xf32>
    %sub3A_146 = vector.broadcast %broadcast_in_dim3A_145 : vector<1x128xf32> to vector<10000x128xf32>
    %sub3A_147 = arith.subf %max3A_111, %sub3A_146 : vector<10000x128xf32>
    %add3A_148 = arith.constant 9.99999974E-6 : f32
    %add3A_149 = vector.broadcast %add3A_148 : f32 to vector<128xf32>
    %add3A_150 = arith.addf %select_n3A_144, %add3A_149 : vector<128xf32>
    %sqrt3A_151 = math.sqrt %add3A_150 : vector<128xf32>
    %broadcast_in_dim3A_152 = vector.shape_cast %sqrt3A_151 : vector<128xf32> to vector<1x128xf32>
    %div3A_153 = vector.broadcast %broadcast_in_dim3A_152 : vector<1x128xf32> to vector<10000x128xf32>
    %div3A_154 = arith.divf %sub3A_147, %div3A_153 : vector<10000x128xf32>
    %mul3A_155 = vector.broadcast %get3A_114 : vector<1x128xf32> to vector<10000x128xf32>
    %mul3A_156 = arith.mulf %div3A_154, %mul3A_155 : vector<10000x128xf32>
    %add3A_157 = vector.broadcast %get3A_117 : vector<1x128xf32> to vector<10000x128xf32>
    %add3A_158 = arith.addf %mul3A_156, %add3A_157 : vector<10000x128xf32>
    %max3A_159 = arith.constant 0.000000e+00 : f32
    %max3A_160 = vector.broadcast %max3A_159 : f32 to vector<10000x128xf32>
    %max3A_161 = arith.maximumf %add3A_158, %max3A_160 : vector<10000x128xf32>
    %add3A_162 = arith.addf %get3A_1, %max3A_161 : vector<10000x128xf32>
    %swap3A = arith.constant 0 : index
    %swap3A_163 = arith.constant 0 : index
    %swap3A_164 = vector.load %arg12[%swap3A, %swap3A_163] : memref<10000x128xf32, #tpu.memory_space<vmem>>, vector<10000x128xf32>
    tpu.vector_store %arg12[%swap3A, %swap3A_163], %add3A_162 {strides = array<i32>} : memref<10000x128xf32, #tpu.memory_space<vmem>>, vector<10000x128xf32>,
    return
  }
}

module attributes {stable_mosaic.version = 14 : i64} {
  func.func @_mlp_body(%arg0: memref<10000x128xf32, #tpu.memory_space<vmem>>, %arg1: memref<10112x128xf32, #tpu.memory_space<vmem>>, %arg2: memref<128x128xf32, #tpu.memory_space<vmem>>, %arg3: memref<1x128xf32, #tpu.memory_space<vmem>>, %arg4: memref<1x128xf32, #tpu.memory_space<vmem>>, %arg5: memref<1x128xf32, #tpu.memory_space<vmem>>, %arg6: memref<128x128xf32, #tpu.memory_space<vmem>>, %arg7: memref<1x128xf32, #tpu.memory_space<vmem>>, %arg8: memref<1x128xf32, #tpu.memory_space<vmem>>, %arg9: memref<1x128xf32, #tpu.memory_space<vmem>>, %arg10: memref<1x128xf32, #tpu.memory_space<vmem>>, %arg11: memref<1x128xf32, #tpu.memory_space<vmem>>, %arg12: memref<10000x128xf32, #tpu.memory_space<vmem>>) attributes {dimension_semantics = [], scalar_prefetch = 0 : i64, scratch_operands = 0 : i64, tpu.core_type = #tpu.core_type<tc>} {
    %get3A = arith.constant 0 : index
    %get3A_0 = arith.constant 0 : index
    %get3A_1 = vector.load %arg0[%get3A, %get3A_0] : memref<10000x128xf32, #tpu.memory_space<vmem>>, vector<10000x128xf32>
    %get3A_2 = arith.constant 0 : index
    %get3A_3 = arith.constant 0 : index
    %get3A_4 = vector.load %arg1[%get3A_2, %get3A_3] : memref<10112x128xf32, #tpu.memory_space<vmem>>, vector<10000x128xf32>
    %add3A = arith.addf %get3A_1, %get3A_4 : vector<10000x128xf32>
    %get3A_5 = arith.constant 0 : index
    %get3A_6 = arith.constant 0 : index
    %get3A_7 = vector.load %arg2[%get3A_5, %get3A_6] : memref<128x128xf32, #tpu.memory_space<vmem>>, vector<128x128xf32>
    %dot_general3A = arith.constant dense<0.000000e+00> : vector<10000x128xf32>
    %dot_general3A_8 = tpu.matmul %add3A, %get3A_7, %dot_general3A {dimension_numbers = #tpu.dot_dimension_numbers<[1], [0], [0], [1], [0, 0, 1, 1], [], []>, transpose_lhs_hint = false} : vector<10000x128xf32>, vector<128x128xf32>, vector<10000x128xf32> -> vector<10000x128xf32>
    %get3A_9 = arith.constant 0 : index
    %get3A_10 = arith.constant 0 : index
    %get3A_11 = vector.load %arg3[%get3A_9, %get3A_10] : memref<1x128xf32, #tpu.memory_space<vmem>>, vector<1x128xf32>
    %add3A_12 = vector.broadcast %get3A_11 : vector<1x128xf32> to vector<10000x128xf32>
    %add3A_13 = arith.addf %dot_general3A_8, %add3A_12 : vector<10000x128xf32>
    %get3A_14 = arith.constant 0 : index
    %get3A_15 = arith.constant 0 : index
    %get3A_16 = vector.load %arg4[%get3A_14, %get3A_15] : memref<1x128xf32, #tpu.memory_space<vmem>>, vector<1x128xf32>
    %get3A_17 = arith.constant 0 : index
    %get3A_18 = arith.constant 0 : index
    %get3A_19 = vector.load %arg5[%get3A_17, %get3A_18] : memref<1x128xf32, #tpu.memory_space<vmem>>, vector<1x128xf32>
    %reduce_sum3A = arith.constant dense<0.000000e+00> : vector<128xf32>
    %reduce_sum3A_20 = vector.multi_reduction <add>, %add3A_13, %reduce_sum3A [0] : vector<10000x128xf32> to vector<128xf32>
    %div3A = arith.constant 1.000000e+04 : f32
    %div3A_21 = vector.broadcast %div3A : f32 to vector<128xf32>
    %div3A_22 = arith.divf %reduce_sum3A_20, %div3A_21 : vector<128xf32>
    %jit3A = arith.constant 0 : i32
    %reduce_sum3A_23 = arith.constant dense<0.000000e+00> : vector<128xf32>
    %reduce_sum3A_24 = vector.multi_reduction <add>, %add3A_13, %reduce_sum3A_23 [0] : vector<10000x128xf32> to vector<128xf32>
    %broadcast_in_dim3A = vector.shape_cast %reduce_sum3A_24 : vector<128xf32> to vector<1x128xf32>
    %div3A_25 = arith.constant 1.000000e+04 : f32
    %div3A_26 = vector.broadcast %div3A_25 : f32 to vector<1x128xf32>
    %div3A_27 = arith.divf %broadcast_in_dim3A, %div3A_26 : vector<1x128xf32>
    %sub3A = vector.broadcast %div3A_27 : vector<1x128xf32> to vector<10000x128xf32>
    %sub3A_28 = arith.subf %add3A_13, %sub3A : vector<10000x128xf32>
    %square3A = arith.mulf %sub3A_28, %sub3A_28 : vector<10000x128xf32>
    %convert_element_type3A = arith.sitofp %jit3A : i32 to f32
    %sub3A_29 = arith.constant 1.000000e+04 : f32
    %sub3A_30 = arith.subf %sub3A_29, %convert_element_type3A : f32
    %reduce_sum3A_31 = arith.constant dense<0.000000e+00> : vector<128xf32>
    %reduce_sum3A_32 = vector.multi_reduction <add>, %square3A, %reduce_sum3A_31 [0] : vector<10000x128xf32> to vector<128xf32>
    %div3A_33 = vector.broadcast %sub3A_30 : f32 to vector<128xf32>
    %div3A_34 = arith.divf %reduce_sum3A_32, %div3A_33 : vector<128xf32>
    %gt3A = arith.constant 0.000000e+00 : f32
    %gt3A_35 = arith.cmpf ogt, %sub3A_30, %gt3A : f32
    %jit3A_36 = arith.constant 0x7FC00000 : f32
    %broadcast_in_dim3A_37 = vector.broadcast %jit3A_36 : f32 to vector<128xf32>
    %select_n3A = arith.select %gt3A_35, %div3A_34, %broadcast_in_dim3A_37 : vector<128xf32>
    %broadcast_in_dim3A_38 = vector.shape_cast %div3A_22 : vector<128xf32> to vector<1x128xf32>
    %sub3A_39 = vector.broadcast %broadcast_in_dim3A_38 : vector<1x128xf32> to vector<10000x128xf32>
    %sub3A_40 = arith.subf %add3A_13, %sub3A_39 : vector<10000x128xf32>
    %add3A_41 = arith.constant 9.99999974E-6 : f32
    %add3A_42 = vector.broadcast %add3A_41 : f32 to vector<128xf32>
    %add3A_43 = arith.addf %select_n3A, %add3A_42 : vector<128xf32>
    %sqrt3A = math.sqrt %add3A_43 : vector<128xf32>
    %broadcast_in_dim3A_44 = vector.shape_cast %sqrt3A : vector<128xf32> to vector<1x128xf32>
    %div3A_45 = vector.broadcast %broadcast_in_dim3A_44 : vector<1x128xf32> to vector<10000x128xf32>
    %div3A_46 = arith.divf %sub3A_40, %div3A_45 : vector<10000x128xf32>
    %mul3A = vector.broadcast %get3A_16 : vector<1x128xf32> to vector<10000x128xf32>
    %mul3A_47 = arith.mulf %div3A_46, %mul3A : vector<10000x128xf32>
    %add3A_48 = vector.broadcast %get3A_19 : vector<1x128xf32> to vector<10000x128xf32>
    %add3A_49 = arith.addf %mul3A_47, %add3A_48 : vector<10000x128xf32>
    %max3A = arith.constant 0.000000e+00 : f32
    %max3A_50 = vector.broadcast %max3A : f32 to vector<10000x128xf32>
    %max3A_51 = arith.maximumf %add3A_49, %max3A_50 : vector<10000x128xf32>
    %get3A_52 = arith.constant 0 : index
    %get3A_53 = arith.constant 0 : index
    %get3A_54 = vector.load %arg6[%get3A_52, %get3A_53] : memref<128x128xf32, #tpu.memory_space<vmem>>, vector<128x128xf32>
    %dot_general3A_55 = arith.constant dense<0.000000e+00> : vector<10000x128xf32>
    %dot_general3A_56 = tpu.matmul %max3A_51, %get3A_54, %dot_general3A_55 {dimension_numbers = #tpu.dot_dimension_numbers<[1], [0], [0], [1], [0, 0, 1, 1], [], []>, transpose_lhs_hint = false} : vector<10000x128xf32>, vector<128x128xf32>, vector<10000x128xf32> -> vector<10000x128xf32>
    %get3A_57 = arith.constant 0 : index
    %get3A_58 = arith.constant 0 : index
    %get3A_59 = vector.load %arg7[%get3A_57, %get3A_58] : memref<1x128xf32, #tpu.memory_space<vmem>>, vector<1x128xf32>
    %add3A_60 = vector.broadcast %get3A_59 : vector<1x128xf32> to vector<10000x128xf32>
    %add3A_61 = arith.addf %dot_general3A_56, %add3A_60 : vector<10000x128xf32>
    %get3A_62 = arith.constant 0 : index
    %get3A_63 = arith.constant 0 : index
    %get3A_64 = vector.load %arg8[%get3A_62, %get3A_63] : memref<1x128xf32, #tpu.memory_space<vmem>>, vector<1x128xf32>
    %get3A_65 = arith.constant 0 : index
    %get3A_66 = arith.constant 0 : index
    %get3A_67 = vector.load %arg9[%get3A_65, %get3A_66] : memref<1x128xf32, #tpu.memory_space<vmem>>, vector<1x128xf32>
    %reduce_sum3A_68 = arith.constant dense<0.000000e+00> : vector<128xf32>
    %reduce_sum3A_69 = vector.multi_reduction <add>, %add3A_61, %reduce_sum3A_68 [0] : vector<10000x128xf32> to vector<128xf32>
    %div3A_70 = arith.constant 1.000000e+04 : f32
    %div3A_71 = vector.broadcast %div3A_70 : f32 to vector<128xf32>
    %div3A_72 = arith.divf %reduce_sum3A_69, %div3A_71 : vector<128xf32>
    %jit3A_73 = arith.constant 0 : i32
    %reduce_sum3A_74 = arith.constant dense<0.000000e+00> : vector<128xf32>
    %reduce_sum3A_75 = vector.multi_reduction <add>, %add3A_61, %reduce_sum3A_74 [0] : vector<10000x128xf32> to vector<128xf32>
    %broadcast_in_dim3A_76 = vector.shape_cast %reduce_sum3A_75 : vector<128xf32> to vector<1x128xf32>
    %div3A_77 = arith.constant 1.000000e+04 : f32
    %div3A_78 = vector.broadcast %div3A_77 : f32 to vector<1x128xf32>
    %div3A_79 = arith.divf %broadcast_in_dim3A_76, %div3A_78 : vector<1x128xf32>
    %sub3A_80 = vector.broadcast %div3A_79 : vector<1x128xf32> to vector<10000x128xf32>
    %sub3A_81 = arith.subf %add3A_61, %sub3A_80 : vector<10000x128xf32>
    %square3A_82 = arith.mulf %sub3A_81, %sub3A_81 : vector<10000x128xf32>
    %convert_element_type3A_83 = arith.sitofp %jit3A_73 : i32 to f32
    %sub3A_84 = arith.constant 1.000000e+04 : f32
    %sub3A_85 = arith.subf %sub3A_84, %convert_element_type3A_83 : f32
    %reduce_sum3A_86 = arith.constant dense<0.000000e+00> : vector<128xf32>
    %reduce_sum3A_87 = vector.multi_reduction <add>, %square3A_82, %reduce_sum3A_86 [0] : vector<10000x128xf32> to vector<128xf32>
    %div3A_88 = vector.broadcast %sub3A_85 : f32 to vector<128xf32>
    %div3A_89 = arith.divf %reduce_sum3A_87, %div3A_88 : vector<128xf32>
    %gt3A_90 = arith.constant 0.000000e+00 : f32
    %gt3A_91 = arith.cmpf ogt, %sub3A_85, %gt3A_90 : f32
    %jit3A_92 = arith.constant 0x7FC00000 : f32
    %broadcast_in_dim3A_93 = vector.broadcast %jit3A_92 : f32 to vector<128xf32>
    %select_n3A_94 = arith.select %gt3A_91, %div3A_89, %broadcast_in_dim3A_93 : vector<128xf32>
    %broadcast_in_dim3A_95 = vector.shape_cast %div3A_72 : vector<128xf32> to vector<1x128xf32>
    %sub3A_96 = vector.broadcast %broadcast_in_dim3A_95 : vector<1x128xf32> to vector<10000x128xf32>
    %sub3A_97 = arith.subf %add3A_61, %sub3A_96 : vector<10000x128xf32>
    %add3A_98 = arith.constant 9.99999974E-6 : f32
    %add3A_99 = vector.broadcast %add3A_98 : f32 to vector<128xf32>
    %add3A_100 = arith.addf %select_n3A_94, %add3A_99 : vector<128xf32>
    %sqrt3A_101 = math.sqrt %add3A_100 : vector<128xf32>
    %broadcast_in_dim3A_102 = vector.shape_cast %sqrt3A_101 : vector<128xf32> to vector<1x128xf32>
    %div3A_103 = vector.broadcast %broadcast_in_dim3A_102 : vector<1x128xf32> to vector<10000x128xf32>
    %div3A_104 = arith.divf %sub3A_97, %div3A_103 : vector<10000x128xf32>
    %mul3A_105 = vector.broadcast %get3A_64 : vector<1x128xf32> to vector<10000x128xf32>
    %mul3A_106 = arith.mulf %div3A_104, %mul3A_105 : vector<10000x128xf32>
    %add3A_107 = vector.broadcast %get3A_67 : vector<1x128xf32> to vector<10000x128xf32>
    %add3A_108 = arith.addf %mul3A_106, %add3A_107 : vector<10000x128xf32>
    %max3A_109 = arith.constant 0.000000e+00 : f32
    %max3A_110 = vector.broadcast %max3A_109 : f32 to vector<10000x128xf32>
    %max3A_111 = arith.maximumf %add3A_108, %max3A_110 : vector<10000x128xf32>
    %get3A_112 = arith.constant 0 : index
    %get3A_113 = arith.constant 0 : index
    %get3A_114 = vector.load %arg10[%get3A_112, %get3A_113] : memref<1x128xf32, #tpu.memory_space<vmem>>, vector<1x128xf32>
    %get3A_115 = arith.constant 0 : index
    %get3A_116 = arith.constant 0 : index
    %get3A_117 = vector.load %arg11[%get3A_115, %get3A_116] : memref<1x128xf32, #tpu.memory_space<vmem>>, vector<1x128xf32>
    %reduce_sum3A_118 = arith.constant dense<0.000000e+00> : vector<128xf32>
    %reduce_sum3A_119 = vector.multi_reduction <add>, %max3A_111, %reduce_sum3A_118 [0] : vector<10000x128xf32> to vector<128xf32>
    %div3A_120 = arith.constant 1.000000e+04 : f32
    %div3A_121 = vector.broadcast %div3A_120 : f32 to vector<128xf32>
    %div3A_122 = arith.divf %reduce_sum3A_119, %div3A_121 : vector<128xf32>
    %jit3A_123 = arith.constant 0 : i32
    %reduce_sum3A_124 = arith.constant dense<0.000000e+00> : vector<128xf32>
    %reduce_sum3A_125 = vector.multi_reduction <add>, %max3A_111, %reduce_sum3A_124 [0] : vector<10000x128xf32> to vector<128xf32>
    %broadcast_in_dim3A_126 = vector.shape_cast %reduce_sum3A_125 : vector<128xf32> to vector<1x128xf32>
    %div3A_127 = arith.constant 1.000000e+04 : f32
    %div3A_128 = vector.broadcast %div3A_127 : f32 to vector<1x128xf32>
    %div3A_129 = arith.divf %broadcast_in_dim3A_126, %div3A_128 : vector<1x128xf32>
    %sub3A_130 = vector.broadcast %div3A_129 : vector<1x128xf32> to vector<10000x128xf32>
    %sub3A_131 = arith.subf %max3A_111, %sub3A_130 : vector<10000x128xf32>
    %square3A_132 = arith.mulf %sub3A_131, %sub3A_131 : vector<10000x128xf32>
    %convert_element_type3A_133 = arith.sitofp %jit3A_123 : i32 to f32
    %sub3A_134 = arith.constant 1.000000e+04 : f32
    %sub3A_135 = arith.subf %sub3A_134, %convert_element_type3A_133 : f32
    %reduce_sum3A_136 = arith.constant dense<0.000000e+00> : vector<128xf32>
    %reduce_sum3A_137 = vector.multi_reduction <add>, %square3A_132, %reduce_sum3A_136 [0] : vector<10000x128xf32> to vector<128xf32>
    %div3A_138 = vector.broadcast %sub3A_135 : f32 to vector<128xf32>
    %div3A_139 = arith.divf %reduce_sum3A_137, %div3A_138 : vector<128xf32>
    %gt3A_140 = arith.constant 0.000000e+00 : f32
    %gt3A_141 = arith.cmpf ogt, %sub3A_135, %gt3A_140 : f32
    %jit3A_142 = arith.constant 0x7FC00000 : f32
    %broadcast_in_dim3A_143 = vector.broadcast %jit3A_142 : f32 to vector<128xf32>
    %select_n3A_144 = arith.select %gt3A_141, %div3A_139, %broadcast_in_dim3A_143 : vector<128xf32>
    %broadcast_in_dim3A_145 = vector.shape_cast %div3A_122 : vector<128xf32> to vector<1x128xf32>
    %sub3A_146 = vector.broadcast %broadcast_in_dim3A_145 : vector<1x128xf32> to vector<10000x128xf32>
    %sub3A_147 = arith.subf %max3A_111, %sub3A_146 : vector<10000x128xf32>
    %add3A_148 = arith.constant 9.99999974E-6 : f32
    %add3A_149 = vector.broadcast %add3A_148 : f32 to vector<128xf32>
    %add3A_150 = arith.addf %select_n3A_144, %add3A_149 : vector<128xf32>
    %sqrt3A_151 = math.sqrt %add3A_150 : vector<128xf32>
    %broadcast_in_dim3A_152 = vector.shape_cast %sqrt3A_151 : vector<128xf32> to vector<1x128xf32>
    %div3A_153 = vector.broadcast %broadcast_in_dim3A_152 : vector<1x128xf32> to vector<10000x128xf32>
    %div3A_154 = arith.divf %sub3A_147, %div3A_153 : vector<10000x128xf32>
    %mul3A_155 = vector.broadcast %get3A_114 : vector<1x128xf32> to vector<10000x128xf32>
    %mul3A_156 = arith.mulf %div3A_154, %mul3A_155 : vector<10000x128xf32>
    %add3A_157 = vector.broadcast %get3A_117 : vector<1x128xf32> to vector<10000x128xf32>
    %add3A_158 = arith.addf %mul3A_156, %add3A_157 : vector<10000x128xf32>
    %max3A_159 = arith.constant 0.000000e+00 : f32
    %max3A_160 = vector.broadcast %max3A_159 : f32 to vector<10000x128xf32>
    %max3A_161 = arith.maximumf %add3A_158, %max3A_160 : vector<10000x128xf32>
    %add3A_162 = arith.addf %get3A_1, %max3A_161 : vector<10000x128xf32>
    %swap3A = arith.constant 0 : index
    %swap3A_163 = arith.constant 0 : index
    %swap3A_164 = vector.load %arg12[%swap3A, %swap3A_163] : memref<10000x128xf32, #tpu.memory_space<vmem>>, vector<10000x128xf32>
    tpu.vector_store %arg12[%swap3A, %swap3A_163], %add3A_162 {strides = array<i32>} : memref<10000x128xf32, #tpu.memory_space<vmem>>, vector<10000x128xf32>,
    return
  }
}

</mosaic_0001>

<sc_bundles>
// kernel: kernel.11.cloned.1.call-start
scs
__scs_entry_jumppad:
0x0: {  	(pc) =	sbr.rel $0x88, $3  }
0x1: {  	(tag) =	ssettag $0x0;
	lr =	simm.s32 $0x1  }
0x2: {  	[smem:$0x3F93] =	sst lr;
	_ =	strace $0xD0000000  }
0x3: {  	_ = 	snop  }
0x4: {  	_ = 	snop  }
0x5: {  	_ = 	snop  }
0x6: {  	_ = 	snop  }
0x7: {  	_ = 	snop  }
__scs_overlays_trampoline_lowered:
0x8: {  	[smem:$0x3FA2] =	sst s0  }
0x9: {  	[smem:$0x3FA3] =	sst s1  }
0xa: {  	[smem:$0x3FA4] =	sst s2  }
0xb: {  	[smem:$0x3FA5] =	sst s3  }
0xc: {  	[smem:$0x3FA6] =	sst s4  }
0xd: {  	[smem:$0x3FA7] =	sst s5  }
0xe: {  	[smem:$0x3FA8] =	sst s6  }
0xf: {  	[smem:$0x3FA9] =	sst s7  }
0x10: {  	[smem:$0x3FAA] =	sst s8  }
0x11: {  	[smem:$0x3FAB] =	sst s9;
	s0 =	simm.s32 @!p0 $0x0  }
0x12: {  	s1 =	sld [smem:$0x3F91];
	s0 =	simm.s32 @p0 $0x1  }
0x13: {  	[smem:$0x3FAC] =	sst s0;
	s0 =	simm.s32 @!p1 $0x0  }
0x14: {  	s2 =	sld [smem:$0x3F90];
	s0 =	simm.s32 @p1 $0x1  }
0x15: {  	[smem:$0x3FAD] =	sst s0;
	s0 =	simm.s32 @!p2 $0x0  }
0x16: {  	s3 =	sld [smem:$0x3FDB];
	s0 =	simm.s32 @p2 $0x1  }
0x17: {  	s4 =	simm.s32 $0x1BF5;
	[smem:$0x3FAF] =	sst s0  }
0x18: {  	s0 =	sld [smem:$0x3F92];
	_ =	swait.ge [sflag:s4], $0x0  }
0x19: {  	s7 =	sld [smem:$0x3F93]  }
0x1a: {  	s8 =	sadd.s32 $0xFFFFE003, lr  }
0x1b: {  	s9 =	sadd.s32 $0xFFFFFEF7, lr;
	s5 =	simm.s32 $0xFFFFFFFF;
	p2 =	slt.u32 s8, $0xFFFFF086  }
0x1c: {  	p1 =	slt.u32 s9, $0xF7A;
	s5 =	simm.s32 @!p2 $0x0  }
0x1d: {  	s5 =	simm.s32 @p1 $0x1;
	p0 =	seq.s32 s7, s2  }
0x1e: {  	s7 =	smul.u32 @!p0 $0xF7A, s2;
	p2 =	seq.s32 @!p0 s5, $0x0  }
0x1f: {  	s9 =	smul.u32 $0xF7A, s1;
	s8 =	simm.s32 @!p0 $0x1BF5;
	p2 =	por !p2, p0  }
0x20: {  	[sflag:s8] =	ssyncset.s32 @!p0 $0xFFFFF086;
	s6 =	sadd.s32 @!p0 s3, s7;
	s7 =	simm.s32 @!p0 $0x108  }
0x21: {  	s3 =	sadd.s32 s3, s9;
	s6 =	sadd.s32 @!p0 $0x88, s6;
	s7 =	simm.s32 @p2 $0x1082  }
0x22: {  	[simem:s7], [sflag:s8] =	dma.local @!p0 [hbm:s6], $0xF7A  }
0x23: {  	s9 =	sor.u32 $0xD0000000, s2;
	s6 =	simm.s32 $0x108;
	_ =	swait.ge @!p0 [sflag:s8], $0x0  }
0x24: {  	s3 =	sadd.s32 $0x88, s3;
	s6 =	simm.s32 @!p1 $0x1082;
	[sflag:s4] =	ssyncset.s32 $0xFFFFF086  }
0x25: {  	[simem:s6], [sflag:s4] =	dma.local [hbm:s3], $0xF7A  }
0x26: {  	[smem:$0x3F93] =	sst s1;
	(tag) =	ssettag s2;
	_ =	strace s9  }
0x27: {  	s1 =	sld [smem:$0x3FA3]  }
0x28: {  	s2 =	sld [smem:$0x3FA4]  }
0x29: {  	s4 =	sld [smem:$0x3FA6]  }
0x2a: {  	p0 =	seq.s32 s5, $0x0;
	s5 =	sld [smem:$0x3FA7]  }
0x2b: {  	s6 =	sld [smem:$0x3FA8]  }
0x2c: {  	s7 =	sld [smem:$0x3FA9]  }
0x2d: {  	s3 =	simm.s32 $0x108;
	s8 =	sld [smem:$0x3FAA]  }
0x2e: {  	s3 =	simm.s32 @!p0 $0x1082;
	s9 =	sld [smem:$0x3FAB]  }
0x2f: {  	lr =	sadd.s32 s0, s3;
	s0 =	sld [smem:$0x3FA2]  }
0x30: {  	s3 =	sld [smem:$0x3FA5]  }
0x31: {  	[smem:$0x3FAE] =	sst s10  }
0x32: {  	s10 =	sld [smem:$0x3FAC];
	_ =	sdelay $0x3  }
0x33: {  	p0 =	seq.s32 s10, $0x1;
	s10 =	sld [smem:$0x3FAE];
	_ =	sdelay $0x3  }
0x34: {  	[smem:$0x3FAE] =	sst s10  }
0x35: {  	s10 =	sld [smem:$0x3FAD];
	_ =	sdelay $0x3  }
0x36: {  	p1 =	seq.s32 s10, $0x1;
	s10 =	sld [smem:$0x3FAE];
	_ =	sdelay $0x3  }
0x37: {  	[smem:$0x3FAE] =	sst s10  }
0x38: {  	s10 =	sld [smem:$0x3FAF]  }
0x39: {  	_ = 	snop;
	(pc) =	sbr.ind lr, $3  }
0x3a: {  	_ = 	snop  }
0x3b: {  	_ = 	snop  }
0x3c: {  	p2 =	seq.s32 s10, $0x1;
	s10 =	sld [smem:$0x3FAE]  }
0x3d: {  	_ =	shalt  }
0x3e: {  	_ =	shalt  }
0x3f: {  	_ =	shalt  }
0x40: {  	_ =	shalt  }
0x41: {  	_ =	shalt  }
0x42: {  	_ =	shalt  }
0x43: {  	_ =	shalt  }
0x44: {  	_ =	shalt  }
0x45: {  	_ =	shalt  }
0x46: {  	_ =	shalt  }
0x47: {  	_ =	shalt  }
0x48: {  	_ =	shalt  }
0x49: {  	_ =	shalt  }
0x4a: {  	_ =	shalt  }
0x4b: {  	_ =	shalt  }
0x4c: {  	_ =	shalt  }
0x4d: {  	_ =	shalt  }
0x4e: {  	_ =	shalt  }
0x4f: {  	_ =	shalt  }
0x50: {  	_ =	shalt  }
0x51: {  	_ =	shalt  }
0x52: {  	_ =	shalt  }
0x53: {  	_ =	shalt  }
0x54: {  	_ =	shalt  }
0x55: {  	_ =	shalt  }
0x56: {  	_ =	shalt  }
0x57: {  	_ =	shalt  }
0x58: {  	_ =	shalt  }
0x59: {  	_ =	shalt  }
0x5a: {  	_ =	shalt  }
0x5b: {  	_ =	shalt  }
0x5c: {  	_ =	shalt  }
0x5d: {  	_ =	shalt  }
0x5e: {  	_ =	shalt  }
0x5f: {  	_ =	shalt  }
0x60: {  	_ =	shalt  }
0x61: {  	_ =	shalt  }
0x62: {  	_ =	shalt  }
0x63: {  	_ =	shalt  }
0x64: {  	_ =	shalt  }
0x65: {  	_ =	shalt  }
0x66: {  	_ =	shalt  }
0x67: {  	_ =	shalt  }
0x68: {  	_ =	shalt  }
0x69: {  	_ =	shalt  }
0x6a: {  	_ =	shalt  }
0x6b: {  	_ =	shalt  }
0x6c: {  	_ =	shalt  }
0x6d: {  	_ =	shalt  }
0x6e: {  	_ =	shalt  }
0x6f: {  	_ =	shalt  }
0x70: {  	_ =	shalt  }
0x71: {  	_ =	shalt  }
0x72: {  	_ =	shalt  }
0x73: {  	_ =	shalt  }
0x74: {  	_ =	shalt  }
0x75: {  	_ =	shalt  }
0x76: {  	_ =	shalt  }
0x77: {  	_ =	shalt  }
0x78: {  	_ =	shalt  }
0x79: {  	_ =	shalt  }
0x7a: {  	_ =	shalt  }
0x7b: {  	_ =	shalt  }
0x7c: {  	_ =	shalt  }
0x7d: {  	_ =	shalt  }
0x7e: {  	_ =	shalt  }
0x7f: {  	_ =	shalt  }
0x80: {  	_ =	shalt  }
0x81: {  	_ =	shalt  }
0x82: {  	_ =	shalt  }
0x83: {  	_ =	shalt  }
0x84: {  	_ =	shalt  }
0x85: {  	_ =	shalt  }
0x86: {  	_ =	shalt  }
0x87: {  	_ =	shalt  }
.Lfunc_end0:
.L_simem_size_0:
called_computation_lowered:
.L_overlay_start_0:
0x88: {  	s2 =	sld [smem:$0x3FD9]  }
0x89: {  	s3 =	sld [smem:$0x3FFE];
	_ =	sdelay $0x1  }
0x8a: {  	s1 =	srdreg.scid  }
0x8b: {  	s0 =	sand.u32 $0x1, s1  }
0x8c: {  	s17 =	sshll.u32 s0, $0xA;
	s2 =	sadd.s32 s3, s2  }
0x8d: {  	s2 =	sadd.s32 s2, s17  }
0x8e: {  	[smem:$0x3FBA] =	sst s2  }
0x8f: {  	_ = 	snop  }
0x90: {  	s2 =	sld [smem:$0x3FD0];
	(tm) =	ssettm $0x1  }
0x91: {  	s18 =	sld [smem:$0x3FFB];
	_ =	sdelay $0x3  }
0x92: {  	_ =	strace s18  }
0x93: {  	s3 =	sld [smem:$0x3FFC];
	_ =	sdelay $0x3  }
0x94: {  	_ =	strace s3  }
0x95: {  	s3 =	sld [smem:$0x3FFD];
	_ =	sdelay $0x3  }
0x96: {  	_ =	strace s3  }
0x97: {  	_ =	strace $0x8FFFFFFF  }
0x98: {  	s19 =	sld [smem:$0x3FDB];
	_ =	sdelay $0x1  }
0x99: {  	s4 =	simm.s32 $_scs_section_size  }
0x9a: {  	s5 =	simm.s32 $_size__tile_overlayer_lowered;
	s6 =	simm.s32 $_tile_overlayer_lowered  }
0x9b: {  	s22 =	simm.s32 $0x1BFF;
	s21 =	sshll.u32 s6, $0x1;
	s3 =	sadd.s32 s4, s19  }
0x9c: {  	s7 =	simm.s32 $0x0;
	s20 =	sshll.u32 s5, $0x1;
	s5 =	sadd.s32 s21, s3  }
0x9d: {  	[timem:s7], [sflag:s22] =	dma.local [hbm:s5], s20  }
0x9e: {  	_ =	swait.ge [sflag:s22], s20  }
0x9f: {  	s4 =	ssub.s32 $0x0, s20;
	[sflag:s22] =	ssyncset.done $0x0  }
0xa0: {  	[sflag:s22] =	ssyncadd.s32 s4;
	_ =	sdelay $0x1  }
0xa1: {  	s23 =	simm.s32 $0x1B8B  }
0xa2: {  	_ =	swait.ge [sflag:s23], $0x1  }
0xa3: {  	[sflag:s23] =	ssyncset.done $0x0  }
0xa4: {  	s25 =	simm.s32 $0x1B8E;
	s24 =	sld [smem:$0x3FFE];
	[sflag:s23] =	ssyncadd.s32 $0xFFFFFFFF  }
0xa5: {  	s26 =	simm.s32 $execute0_lowered;
	[smem:$0x3FD2] =	sst s25  }
0xa6: {  	s5 =	sshll.u32 s26, $0x1;
	_ =	strace $0x80000046;
	[dreg:$0x1] =	wrdreg $0xFFFFFFFF  }
0xa7: {  	s28 =	simm.s32 $_size_execute0_lowered;
	s3 =	sadd.s32 s3, s5;
	[dreg:$0x0] =	wrdreg $0x0  }
0xa8: {  	s5 =	sshll.u32 s28, $0x1;
	[dreg:$0x2] =	wrdreg s3  }
0xa9: {  	[dreg:$0x3] =	wrdreg s5  }
0xaa: {  	[dreg:$0x4] =	wrdreg $0xC0  }
0xab: {  	_ =	task [dreg:s7], $0x5FFFF  }
0xac: {  	[dreg:$0x1] =	wrdreg $0xFFFFFFFF  }
0xad: {  	[dreg:$0x0] =	wrdreg $0x60  }
0xae: {  	[dreg:$0x2] =	wrdreg s2  }
0xaf: {  	[dreg:$0x3] =	wrdreg s24  }
0xb0: {  	[dreg:$0x4] =	wrdreg $0x82000  }
0xb1: {  	[dreg:$0x5] =	wrdreg $0x9  }
0xb2: {  	_ =	task.clear_ibuf [dreg:s7], $0x6FFFF;
	_ =	strace $0x90000046  }
0xb3: {  	s29 =	simm.s32 $0x9;
	_ =	strace $0x80000048  }
0xb4: {  	_ =	swait.ge [sflag:s29], $0x1  }
0xb5: {  	[sflag:s29] =	ssyncadd.s32 $0xFFFFFFFF  }
0xb6: {  	_ =	strace $0x90000048  }
0xb7: {  	_ =	sfence  }
0xb8: {  	s30 =	sld [smem:$0x0];
	_ =	sdelay $0x2  }
0xb9: {  	s31 =	sshll.u32 s1, $0xD;
	s1 =	sshrl.u32 s1, $0x2  }
0xba: {  	s3 =	sand.u32 $0x4000, s31;
	s1 =	sadd.s32 s1, s30  }
0xbb: {  	s0 =	sor.u32 s3, s0;
	s1 =	sshll.u32 s1, $0x11  }
0xbc: {  	s0 =	sor.u32 s1, s0  }
0xbd: {  	s0 =	sadd.s32 $0x8F2B, s0  }
0xbe: {  	[sflag:s0] =	ssyncadd.remote.s32 $0x1  }
0xbf: {  	_ =	sfence.sel $0xFFFF  }
0xc0: {  	[dreg:$0x0] =	wrdreg $0xFFFFFFFF;
	(pc) =	sbr.abs _section_cstart, $3  }
0xc1: {  	[dreg:$0x1] =	wrdreg $0xFFFFFFFF  }
0xc2: {  	_ =	task.clear_ibuf [dreg:s7], $0x2FFFF;
	_ =	strace $0x9FFFFFFF  }
0xc3: {  	(tm) =	ssettm $0x7FFFFFFF  }
tec
execute0_lowered:
.L_overlay_start_1:
0x0: {  	(tag) =	ssettag $0x1  }
0x1: {  	s1 =	srdreg.scid  }
0x2: {  	s1 =	sand.u32 $0x1, s1  }
0x3: {  	p0 =	seq.s32 s1, $0x1  }
.Ltmp0:
0x4: {  	s3 =	rddreg [dreg:$0x0];
	(pc) =	sbr.rel @p0 .LBB2_4-.Ltmp0, $4  }
0x5: {  	s16 =	rddreg [dreg:$0x1]  }
0x6: {  	s2 =	rddreg [dreg:$0x2];
	s6 =	simm.s32 $0x0  }
0x7: {  	[smem:$0x7FF] =	sst s6  }
0x8: {  	s0 =	rddreg [dreg:$0x3];
	_ =	strace $0x80000047;
	s1 =	stileid.u32  }
0x9: {  	s4 =	smul.u32 $0x4F000, s1  }
0xa: {  	s20 =	smul.u32 $0x2780, s1  }
0xb: {  	s8 =	smul.u32 $0x4F00, s1  }
0xc: {  	s5 =	sadd.s32 $0x18200, s16;
	s9 =	smul.u32 $0x300, s1;
	s4 =	sshrl.u32 s4, $0x2  }
0xd: {  	s23 =	sshll.u32 s1, $0x6;
	s10 =	sadd.s32 s5, s20;
	s7 =	sadd.s32 s4, s2  }
0xe: {  	s4 =	sor.u32 $0x1C05, s23;
	s5 =	sshrl.u32 s7, $0x3;
	s7 =	simm.s32 $0x5  }
0xf: {  	[spmem:s5], [sflag:s4] =	dma.local [hbm:s10], $0x2780  }
0x10: {  	s8 =	sand.u32 $0x7FC00, s8;
	s9 =	sand.u32 $0x300, s9;
	_ =	swait.ge [sflag:s7], $0x2780  }
0x11: {  	s8 =	sor.u32 s9, s8;
	[sflag:s7] =	ssyncset.done $0x0  }
0x12: {  	s17 =	sadd.s32 $0xE400, s16;
	s8 =	sshrl.u32 s8, $0x3;
	[sflag:s7] =	ssyncadd.s32 $0xFFFFD880  }
0x13: {  	s18 =	sadd.s32 $0x4600, s16;
	s24 =	sadd.s32 s17, s8;
	[bflag:$0x0] =	sbarrier.arrive $0xFFFF  }
0x14: {  	[tilespmem:s6], [sflag:$0x3] =	stream.linear.gather [hbm4b:s24+s6], $0x80, $0x38;
	[tilespmem:$0x1BE00] =	vst v63  }
0x15: {  	s25 =	sor.u32 $0x10, s8;
	s26 =	sadd.s32 s18, s8;
	s8 =	simm.s32 $0x100  }
0x16: {  	[tilespmem:s8], [sflag:$0x3] =	stream.linear.gather [hbm4b:s26+s6], $0x80, $0x38;
	[tilespmem:$0x1BE00] =	vst v63  }
0x17: {  	s9 =	simm.s32 $0x80;
	s11 =	sadd.s32 s17, s25  }
0x18: {  	[tilespmem:s9], [sflag:$0x4] =	stream.linear.gather [hbm4b:s11+s6], $0x80, $0x38;
	[tilespmem:$0x1BE00] =	vst v63  }
0x19: {  	s10 =	simm.s32 $0x180;
	s28 =	sadd.s32 s18, s25;
	s11 =	simm.s32 $0x3  }
0x1a: {  	[tilespmem:s10], [sflag:$0x4] =	stream.linear.gather [hbm4b:s28+s6], $0x80, $0x38;
	[tilespmem:$0x1BE00] =	vst v63  }
0x1b: {  	_ =	swait.ge [sflag:s11], $0x80  }
0x1c: {  	[sflag:s11] =	ssyncset.done $0x0  }
0x1d: {  	[sflag:s11] =	ssyncadd.s32 $0xFFFFFF80  }
0x1e: {  	_ =	swait.ge [sflag:s11], $0x80  }
0x1f: {  	[sflag:s11] =	ssyncset.done $0x0  }
0x20: {  	s12 =	simm.s32 $0x200;
	s13 =	simm.s32 $0x4;
	[sflag:s11] =	ssyncadd.s32 $0xFFFFFF80  }
0x21: {  	[tilespmem:s12], [sflag:$0x1] =	stream.indirect.gather [hbm4b:s3+s9], $0x80, s6, s9, $0xb8;
	[tilespmem:$0x1BE00] =	vst v63  }
0x22: {  	_ =	swait.ge [sflag:s13], $0x80  }
0x23: {  	[sflag:s13] =	ssyncset.done $0x0  }
0x24: {  	[sflag:s13] =	ssyncadd.s32 $0xFFFFFF80  }
0x25: {  	_ =	swait.ge [sflag:s13], $0x80  }
0x26: {  	[sflag:s13] =	ssyncset.done $0x0  }
0x27: {  	s14 =	simm.s32 $0x4200;
	s15 =	simm.s32 $0x1;
	[sflag:s13] =	ssyncadd.s32 $0xFFFFFF80  }
0x28: {  	[tilespmem:s14], [sflag:$0x2] =	stream.indirect.gather [hbm4b:s3+s9], $0x80, s9, s9, $0xb8;
	[tilespmem:$0x1BE00] =	vst v63  }
0x29: {  	_ =	swait.ge [sflag:s15], $0x4000  }
0x2a: {  	[sflag:s15] =	ssyncset.done $0x0  }
0x2b: {  	s19 =	smul.u32 $0x9E0, s1;
	[sflag:s15] =	ssyncadd.s32 $0xFFFFC000  }
0x2c: {  	[spmem:s2] =	stream.indirect.scatter.add.f32 [tilespmem:s12], [sflag:$0x5], $0x80, s8, s9, $0xb8;
	[tilespmem:$0x1BE00] =	vst v63  }
0x2d: {  	s17 =	sadd.s32 s19, s17;
	_ =	swait.ge [sflag:s7], $0x4000  }
0x2e: {  	s18 =	sadd.s32 s19, s18;
	s21 =	sadd.s32 $0xFFFFF640, s17;
	[sflag:s7] =	ssyncset.done $0x0  }
0x2f: {  	s22 =	sadd.s32 $0xFFFFF640, s18;
	s29 =	sadd.s32 $0x9E0, s21;
	[sflag:s7] =	ssyncadd.s32 $0xFFFFC000  }
0x30: {  	[tilespmem:s6], [sflag:$0x3] =	stream.linear.gather [hbm4b:s29+s6], $0x80, $0x38;
	[tilespmem:$0x1BE00] =	vst v63  }
0x31: {  	s19 =	simm.s32 $0x2;
	s23 =	sadd.s32 $0x9E0, s22  }
0x32: {  	[tilespmem:s8], [sflag:$0x3] =	stream.linear.gather [hbm4b:s23+s6], $0x80, $0x38;
	[tilespmem:$0x1BE00] =	vst v63  }
0x33: {  	_ =	swait.ge [sflag:s19], $0x4000  }
0x34: {  	[sflag:s19] =	ssyncset.done $0x0  }
0x35: {  	[sflag:s19] =	ssyncadd.s32 $0xFFFFC000  }
0x36: {  	[spmem:s2] =	stream.indirect.scatter.add.f32 [tilespmem:s14], [sflag:$0x5], $0x80, s10, s9, $0xb8;
	[tilespmem:$0x1BE00] =	vst v63  }
0x37: {  	_ =	swait.ge [sflag:s7], $0x4000  }
0x38: {  	[sflag:s7] =	ssyncset.done $0x0  }
0x39: {  	s21 =	sadd.s32 $0x9F0, s21;
	[sflag:s7] =	ssyncadd.s32 $0xFFFFC000  }
0x3a: {  	[tilespmem:s9], [sflag:$0x4] =	stream.linear.gather [hbm4b:s21+s6], $0x80, $0x38;
	[tilespmem:$0x1BE00] =	vst v63  }
0x3b: {  	s30 =	sadd.s32 $0x9F0, s22  }
0x3c: {  	[tilespmem:s10], [sflag:$0x4] =	stream.linear.gather [hbm4b:s30+s6], $0x80, $0x38;
	[tilespmem:$0x1BE00] =	vst v63  }
0x3d: {  	_ =	swait.ge [sflag:s11], $0x80  }
0x3e: {  	[sflag:s11] =	ssyncset.done $0x0  }
0x3f: {  	[sflag:s11] =	ssyncadd.s32 $0xFFFFFF80  }
0x40: {  	_ =	swait.ge [sflag:s11], $0x80  }
0x41: {  	s31 =	sadd.s32 s20, s16;
	[sflag:s11] =	ssyncset.done $0x0  }
0x42: {  	s20 =	simm.s32 $0xFFFFF660;
	s16 =	sadd.s32 $0x3FA00, s31;
	[sflag:s11] =	ssyncadd.s32 $0xFFFFFF80  }
.LBB2_2:
0x43: {  	[tilespmem:s12], [sflag:$0x1] =	stream.indirect.gather [hbm4b:s3+s9], $0x80, s6, s9, $0xb8;
	[tilespmem:$0x1BE00] =	vst v63  }
0x44: {  	s21 =	smov.u32 s20  }
0x45: {  	p0 =	sne.s32 s20, $0xFFFFFFE0;
	s20 =	sadd.s32 $0x20, s20;
	_ =	swait.ge [sflag:s13], $0x80  }
0x46: {  	[sflag:s13] =	ssyncset.done $0x0  }
0x47: {  	[sflag:s13] =	ssyncadd.s32 $0xFFFFFF80  }
0x48: {  	_ =	swait.ge [sflag:s13], $0x80  }
0x49: {  	[sflag:s13] =	ssyncset.done $0x0  }
0x4a: {  	[sflag:s13] =	ssyncadd.s32 $0xFFFFFF80  }
0x4b: {  	[tilespmem:s14], [sflag:$0x2] =	stream.indirect.gather [hbm4b:s3+s9], $0x80, s9, s9, $0xb8;
	[tilespmem:$0x1BE00] =	vst v63  }
0x4c: {  	_ =	swait.ge [sflag:s15], $0x4000  }
0x4d: {  	[sflag:s15] =	ssyncset.done $0x0  }
0x4e: {  	[sflag:s15] =	ssyncadd.s32 $0xFFFFC000  }
0x4f: {  	[spmem:s2] =	stream.indirect.scatter.add.f32 [tilespmem:s12], [sflag:$0x5], $0x80, s8, s9, $0xb8;
	[tilespmem:$0x1BE00] =	vst v63  }
0x50: {  	_ =	swait.ge [sflag:s7], $0x4000  }
0x51: {  	s22 =	sadd.s32 s21, s17;
	[sflag:s7] =	ssyncset.done $0x0  }
0x52: {  	s21 =	sadd.s32 s21, s18;
	s23 =	sadd.s32 $0x9E0, s22;
	[sflag:s7] =	ssyncadd.s32 $0xFFFFC000  }
0x53: {  	[tilespmem:s6], [sflag:$0x3] =	stream.linear.gather [hbm4b:s23+s6], $0x80, $0x38;
	[tilespmem:$0x1BE00] =	vst v63  }
0x54: {  	s23 =	sadd.s32 $0x9E0, s21  }
0x55: {  	[tilespmem:s8], [sflag:$0x3] =	stream.linear.gather [hbm4b:s23+s6], $0x80, $0x38;
	[tilespmem:$0x1BE00] =	vst v63  }
0x56: {  	_ =	swait.ge [sflag:s19], $0x4000  }
0x57: {  	[sflag:s19] =	ssyncset.done $0x0  }
0x58: {  	[sflag:s19] =	ssyncadd.s32 $0xFFFFC000  }
0x59: {  	[spmem:s2] =	stream.indirect.scatter.add.f32 [tilespmem:s14], [sflag:$0x5], $0x80, s10, s9, $0xb8;
	[tilespmem:$0x1BE00] =	vst v63  }
0x5a: {  	_ =	swait.ge [sflag:s7], $0x4000  }
0x5b: {  	[sflag:s7] =	ssyncset.done $0x0  }
0x5c: {  	s22 =	sadd.s32 $0x9F0, s22;
	[sflag:s7] =	ssyncadd.s32 $0xFFFFC000  }
0x5d: {  	[tilespmem:s9], [sflag:$0x4] =	stream.linear.gather [hbm4b:s22+s6], $0x80, $0x38;
	[tilespmem:$0x1BE00] =	vst v63  }
0x5e: {  	s21 =	sadd.s32 $0x9F0, s21  }
0x5f: {  	[tilespmem:s10], [sflag:$0x4] =	stream.linear.gather [hbm4b:s21+s6], $0x80, $0x38;
	[tilespmem:$0x1BE00] =	vst v63  }
0x60: {  	_ =	swait.ge [sflag:s11], $0x80  }
.Ltmp1:
0x61: {  	[sflag:s11] =	ssyncset.done $0x0;
	(pc) =	sbr.rel @p0 .LBB2_2-.Ltmp1, $4  }
0x62: {  	[sflag:s11] =	ssyncadd.s32 $0xFFFFFF80  }
0x63: {  	_ =	swait.ge [sflag:s11], $0x80  }
0x64: {  	[sflag:s11] =	ssyncset.done $0x0  }
0x65: {  	[sflag:s11] =	ssyncadd.s32 $0xFFFFFF80  }
0x66: {  	[tilespmem:s12], [sflag:$0x1] =	stream.indirect.gather [hbm4b:s3+s9], $0x80, s6, s9, $0xb8;
	[tilespmem:$0x1BE00] =	vst v63  }
0x67: {  	s24 =	simm.s32 $0x4  }
0x68: {  	_ =	swait.ge [sflag:s24], $0x80  }
0x69: {  	[sflag:s24] =	ssyncset.done $0x0  }
0x6a: {  	[sflag:s24] =	ssyncadd.s32 $0xFFFFFF80  }
0x6b: {  	_ =	swait.ge [sflag:s24], $0x80  }
0x6c: {  	s25 =	simm.s32 $0x80;
	[sflag:s24] =	ssyncset.done $0x0  }
0x6d: {  	s7 =	simm.s32 $0x4200;
	s26 =	simm.s32 $0x1;
	[sflag:s24] =	ssyncadd.s32 $0xFFFFFF80  }
0x6e: {  	[tilespmem:s7], [sflag:$0x2] =	stream.indirect.gather [hbm4b:s3+s25], $0x80, s25, s25, $0xb8;
	[tilespmem:$0x1BE00] =	vst v63  }
0x6f: {  	_ =	swait.ge [sflag:s26], $0x4000  }
0x70: {  	s28 =	simm.s32 $0x100;
	[sflag:s26] =	ssyncset.done $0x0  }
0x71: {  	s8 =	simm.s32 $0x200;
	s29 =	simm.s32 $0x5;
	[sflag:s26] =	ssyncadd.s32 $0xFFFFC000  }
0x72: {  	[spmem:s2] =	stream.indirect.scatter.add.f32 [tilespmem:s8], [sflag:$0x5], $0x80, s28, s25, $0xb8;
	[tilespmem:$0x1BE00] =	vst v63  }
0x73: {  	_ =	swait.ge [sflag:s29], $0x4000  }
0x74: {  	[sflag:s29] =	ssyncset.done $0x0  }
0x75: {  	s30 =	simm.s32 $0x2;
	[sflag:s29] =	ssyncadd.s32 $0xFFFFC000  }
0x76: {  	_ =	swait.ge [sflag:s30], $0x4000  }
0x77: {  	[sflag:s30] =	ssyncset.done $0x0  }
0x78: {  	s31 =	simm.s32 $0x180;
	[sflag:s30] =	ssyncadd.s32 $0xFFFFC000  }
0x79: {  	[spmem:s2] =	stream.indirect.scatter.add.f32 [tilespmem:s7], [sflag:$0x5], $0x80, s31, s25, $0xb8;
	[tilespmem:$0x1BE00] =	vst v63  }
0x7a: {  	_ =	swait.ge [sflag:s29], $0x4000  }
0x7b: {  	[sflag:s29] =	ssyncset.done $0x0  }
0x7c: {  	[sflag:s29] =	ssyncadd.s32 $0xFFFFC000  }
0x7d: {  	[bflag:$0x0] =	sbarrier.arrive $0xFFFF  }
0x7e: {  	[hbm:s16], [sflag:s4] =	dma.local [spmem:s5], $0x2780  }
0x7f: {  	_ =	swait.ge [sflag:s29], $0x2780  }
0x80: {  	[sflag:s29] =	ssyncset.done $0x0  }
0x81: {  	[sflag:s29] =	ssyncadd.s32 $0xFFFFD880  }
.LBB2_4:
0x82: {  	_ =	sfence.sel $0x180000  }
0x83: {  	[bflag:$0x0] =	sbarrier.arrive $0xFFFF  }
0x84: {  	p0 =	sne.s32 s1, $0x0;
	_ =	strace $0x90000047  }
0x85: {  	s0 =	sadd.s32 @!p0 $0x100000, s0;
	[bflag:$0x2] =	sbarrier.arrive $0xFFFF  }
0x86: {  	[sflag:s0] =	ssyncadd.tile.s32 @!p0 $0x1;
	_ =	shalt  }
.Lfunc_end2:
_tile_overlayer_lowered:
.L_overlay_start_2:
0x87: {  	(tag) =	ssettag $0x2  }
0x88: {  	s0 =	rddreg [dreg:$0x0];
	s2 =	stileid.u32  }
0x89: {  	s1 =	rddreg [dreg:$0x1];
	p0 =	sne.s32 s2, $0x0  }
0x8a: {  	s3 =	rddreg [dreg:$0x2];
	[bflag:$0x3] =	sbarrier.arrive $0xFFFF;
	s2 =	simm.s32 @!p0 $0x1C05  }
0x8b: {  	[timem:s3], [sflag:s2] =	dma.local @!p0 [hbm:s0], s1  }
0x8c: {  	s0 =	simm.s32 @!p0 $0x5  }
0x8d: {  	_ =	swait.ge @!p0 [sflag:s0], s1  }
0x8e: {  	s1 =	ssub.s32 @!p0 $0x0, s1;
	[sflag:s0] =	ssyncset.done @!p0 $0x0  }
0x8f: {  	[sflag:s0] =	ssyncadd.s32 @!p0 s1  }
0x90: {  	[bflag:$0x3] =	sbarrier.arrive $0xFFFF  }
0x91: {  	_ =	shalt  }

// kernel: kernel.14.cloned.1.call-start
scs
__scs_entry_jumppad:
0x0: {  	(pc) =	sbr.rel $0x88, $3  }
0x1: {  	(tag) =	ssettag $0x0;
	lr =	simm.s32 $0x1  }
0x2: {  	[smem:$0x3F93] =	sst lr;
	_ =	strace $0xD0000000  }
0x3: {  	_ = 	snop  }
0x4: {  	_ = 	snop  }
0x5: {  	_ = 	snop  }
0x6: {  	_ = 	snop  }
0x7: {  	_ = 	snop  }
__scs_overlays_trampoline_lowered:
0x8: {  	[smem:$0x3FA2] =	sst s0  }
0x9: {  	[smem:$0x3FA3] =	sst s1  }
0xa: {  	[smem:$0x3FA4] =	sst s2  }
0xb: {  	[smem:$0x3FA5] =	sst s3  }
0xc: {  	[smem:$0x3FA6] =	sst s4  }
0xd: {  	[smem:$0x3FA7] =	sst s5  }
0xe: {  	[smem:$0x3FA8] =	sst s6  }
0xf: {  	[smem:$0x3FA9] =	sst s7  }
0x10: {  	[smem:$0x3FAA] =	sst s8  }
0x11: {  	[smem:$0x3FAB] =	sst s9;
	s0 =	simm.s32 @!p0 $0x0  }
0x12: {  	s1 =	sld [smem:$0x3F91];
	s0 =	simm.s32 @p0 $0x1  }
0x13: {  	[smem:$0x3FAC] =	sst s0;
	s0 =	simm.s32 @!p1 $0x0  }
0x14: {  	s2 =	sld [smem:$0x3F90];
	s0 =	simm.s32 @p1 $0x1  }
0x15: {  	[smem:$0x3FAD] =	sst s0;
	s0 =	simm.s32 @!p2 $0x0  }
0x16: {  	s3 =	sld [smem:$0x3FDB];
	s0 =	simm.s32 @p2 $0x1  }
0x17: {  	s4 =	simm.s32 $0x1BF5;
	[smem:$0x3FAF] =	sst s0  }
0x18: {  	s0 =	sld [smem:$0x3F92];
	_ =	swait.ge [sflag:s4], $0x0  }
0x19: {  	s7 =	sld [smem:$0x3F93]  }
0x1a: {  	s8 =	sadd.s32 $0xFFFFE003, lr  }
0x1b: {  	s9 =	sadd.s32 $0xFFFFFEF7, lr;
	s5 =	simm.s32 $0xFFFFFFFF;
	p2 =	slt.u32 s8, $0xFFFFF086  }
0x1c: {  	p1 =	slt.u32 s9, $0xF7A;
	s5 =	simm.s32 @!p2 $0x0  }
0x1d: {  	s5 =	simm.s32 @p1 $0x1;
	p0 =	seq.s32 s7, s2  }
0x1e: {  	s7 =	smul.u32 @!p0 $0xF7A, s2;
	p2 =	seq.s32 @!p0 s5, $0x0  }
0x1f: {  	s9 =	smul.u32 $0xF7A, s1;
	s8 =	simm.s32 @!p0 $0x1BF5;
	p2 =	por !p2, p0  }
0x20: {  	[sflag:s8] =	ssyncset.s32 @!p0 $0xFFFFF086;
	s6 =	sadd.s32 @!p0 s3, s7;
	s7 =	simm.s32 @!p0 $0x108  }
0x21: {  	s3 =	sadd.s32 s3, s9;
	s6 =	sadd.s32 @!p0 $0x88, s6;
	s7 =	simm.s32 @p2 $0x1082  }
0x22: {  	[simem:s7], [sflag:s8] =	dma.local @!p0 [hbm:s6], $0xF7A  }
0x23: {  	s9 =	sor.u32 $0xD0000000, s2;
	s6 =	simm.s32 $0x108;
	_ =	swait.ge @!p0 [sflag:s8], $0x0  }
0x24: {  	s3 =	sadd.s32 $0x88, s3;
	s6 =	simm.s32 @!p1 $0x1082;
	[sflag:s4] =	ssyncset.s32 $0xFFFFF086  }
0x25: {  	[simem:s6], [sflag:s4] =	dma.local [hbm:s3], $0xF7A  }
0x26: {  	[smem:$0x3F93] =	sst s1;
	(tag) =	ssettag s2;
	_ =	strace s9  }
0x27: {  	s1 =	sld [smem:$0x3FA3]  }
0x28: {  	s2 =	sld [smem:$0x3FA4]  }
0x29: {  	s4 =	sld [smem:$0x3FA6]  }
0x2a: {  	p0 =	seq.s32 s5, $0x0;
	s5 =	sld [smem:$0x3FA7]  }
0x2b: {  	s6 =	sld [smem:$0x3FA8]  }
0x2c: {  	s7 =	sld [smem:$0x3FA9]  }
0x2d: {  	s3 =	simm.s32 $0x108;
	s8 =	sld [smem:$0x3FAA]  }
0x2e: {  	s3 =	simm.s32 @!p0 $0x1082;
	s9 =	sld [smem:$0x3FAB]  }
0x2f: {  	lr =	sadd.s32 s0, s3;
	s0 =	sld [smem:$0x3FA2]  }
0x30: {  	s3 =	sld [smem:$0x3FA5]  }
0x31: {  	[smem:$0x3FAE] =	sst s10  }
0x32: {  	s10 =	sld [smem:$0x3FAC];
	_ =	sdelay $0x3  }
0x33: {  	p0 =	seq.s32 s10, $0x1;
	s10 =	sld [smem:$0x3FAE];
	_ =	sdelay $0x3  }
0x34: {  	[smem:$0x3FAE] =	sst s10  }
0x35: {  	s10 =	sld [smem:$0x3FAD];
	_ =	sdelay $0x3  }
0x36: {  	p1 =	seq.s32 s10, $0x1;
	s10 =	sld [smem:$0x3FAE];
	_ =	sdelay $0x3  }
0x37: {  	[smem:$0x3FAE] =	sst s10  }
0x38: {  	s10 =	sld [smem:$0x3FAF]  }
0x39: {  	_ = 	snop;
	(pc) =	sbr.ind lr, $3  }
0x3a: {  	_ = 	snop  }
0x3b: {  	_ = 	snop  }
0x3c: {  	p2 =	seq.s32 s10, $0x1;
	s10 =	sld [smem:$0x3FAE]  }
0x3d: {  	_ =	shalt  }
0x3e: {  	_ =	shalt  }
0x3f: {  	_ =	shalt  }
0x40: {  	_ =	shalt  }
0x41: {  	_ =	shalt  }
0x42: {  	_ =	shalt  }
0x43: {  	_ =	shalt  }
0x44: {  	_ =	shalt  }
0x45: {  	_ =	shalt  }
0x46: {  	_ =	shalt  }
0x47: {  	_ =	shalt  }
0x48: {  	_ =	shalt  }
0x49: {  	_ =	shalt  }
0x4a: {  	_ =	shalt  }
0x4b: {  	_ =	shalt  }
0x4c: {  	_ =	shalt  }
0x4d: {  	_ =	shalt  }
0x4e: {  	_ =	shalt  }
0x4f: {  	_ =	shalt  }
0x50: {  	_ =	shalt  }
0x51: {  	_ =	shalt  }
0x52: {  	_ =	shalt  }
0x53: {  	_ =	shalt  }
0x54: {  	_ =	shalt  }
0x55: {  	_ =	shalt  }
0x56: {  	_ =	shalt  }
0x57: {  	_ =	shalt  }
0x58: {  	_ =	shalt  }
0x59: {  	_ =	shalt  }
0x5a: {  	_ =	shalt  }
0x5b: {  	_ =	shalt  }
0x5c: {  	_ =	shalt  }
0x5d: {  	_ =	shalt  }
0x5e: {  	_ =	shalt  }
0x5f: {  	_ =	shalt  }
0x60: {  	_ =	shalt  }
0x61: {  	_ =	shalt  }
0x62: {  	_ =	shalt  }
0x63: {  	_ =	shalt  }
0x64: {  	_ =	shalt  }
0x65: {  	_ =	shalt  }
0x66: {  	_ =	shalt  }
0x67: {  	_ =	shalt  }
0x68: {  	_ =	shalt  }
0x69: {  	_ =	shalt  }
0x6a: {  	_ =	shalt  }
0x6b: {  	_ =	shalt  }
0x6c: {  	_ =	shalt  }
0x6d: {  	_ =	shalt  }
0x6e: {  	_ =	shalt  }
0x6f: {  	_ =	shalt  }
0x70: {  	_ =	shalt  }
0x71: {  	_ =	shalt  }
0x72: {  	_ =	shalt  }
0x73: {  	_ =	shalt  }
0x74: {  	_ =	shalt  }
0x75: {  	_ =	shalt  }
0x76: {  	_ =	shalt  }
0x77: {  	_ =	shalt  }
0x78: {  	_ =	shalt  }
0x79: {  	_ =	shalt  }
0x7a: {  	_ =	shalt  }
0x7b: {  	_ =	shalt  }
0x7c: {  	_ =	shalt  }
0x7d: {  	_ =	shalt  }
0x7e: {  	_ =	shalt  }
0x7f: {  	_ =	shalt  }
0x80: {  	_ =	shalt  }
0x81: {  	_ =	shalt  }
0x82: {  	_ =	shalt  }
0x83: {  	_ =	shalt  }
0x84: {  	_ =	shalt  }
0x85: {  	_ =	shalt  }
0x86: {  	_ =	shalt  }
0x87: {  	_ =	shalt  }
.Lfunc_end0:
.L_simem_size_0:
called_computation.1_lowered:
.L_overlay_start_0:
0x88: {  	s2 =	sld [smem:$0x3FD9]  }
0x89: {  	s3 =	sld [smem:$0x3FFE];
	_ =	sdelay $0x1  }
0x8a: {  	s1 =	srdreg.scid  }
0x8b: {  	s0 =	sand.u32 $0x1, s1  }
0x8c: {  	s17 =	sshll.u32 s0, $0xA;
	s2 =	sadd.s32 s3, s2  }
0x8d: {  	s2 =	sadd.s32 s2, s17  }
0x8e: {  	[smem:$0x3FBA] =	sst s2  }
0x8f: {  	_ = 	snop  }
0x90: {  	s2 =	sld [smem:$0x3FD0];
	(tm) =	ssettm $0x1  }
0x91: {  	s18 =	sld [smem:$0x3FFB];
	_ =	sdelay $0x3  }
0x92: {  	_ =	strace s18  }
0x93: {  	s3 =	sld [smem:$0x3FFC];
	_ =	sdelay $0x3  }
0x94: {  	_ =	strace s3  }
0x95: {  	s3 =	sld [smem:$0x3FFD];
	_ =	sdelay $0x3  }
0x96: {  	_ =	strace s3  }
0x97: {  	_ =	strace $0x8FFFFFFF  }
0x98: {  	s19 =	sld [smem:$0x3FDB];
	_ =	sdelay $0x1  }
0x99: {  	s4 =	simm.s32 $_scs_section_size  }
0x9a: {  	s5 =	simm.s32 $_size__tile_overlayer_lowered;
	s6 =	simm.s32 $_tile_overlayer_lowered  }
0x9b: {  	s22 =	simm.s32 $0x1BFF;
	s21 =	sshll.u32 s6, $0x1;
	s3 =	sadd.s32 s4, s19  }
0x9c: {  	s7 =	simm.s32 $0x0;
	s20 =	sshll.u32 s5, $0x1;
	s5 =	sadd.s32 s21, s3  }
0x9d: {  	[timem:s7], [sflag:s22] =	dma.local [hbm:s5], s20  }
0x9e: {  	_ =	swait.ge [sflag:s22], s20  }
0x9f: {  	s4 =	ssub.s32 $0x0, s20;
	[sflag:s22] =	ssyncset.done $0x0  }
0xa0: {  	[sflag:s22] =	ssyncadd.s32 s4;
	_ =	sdelay $0x1  }
0xa1: {  	s23 =	simm.s32 $0x1B8B  }
0xa2: {  	_ =	swait.ge [sflag:s23], $0x1  }
0xa3: {  	[sflag:s23] =	ssyncset.done $0x0  }
0xa4: {  	s25 =	simm.s32 $0x1B8E;
	s24 =	sld [smem:$0x3FFE];
	[sflag:s23] =	ssyncadd.s32 $0xFFFFFFFF  }
0xa5: {  	s26 =	simm.s32 $execute0_lowered;
	[smem:$0x3FD2] =	sst s25  }
0xa6: {  	s5 =	sshll.u32 s26, $0x1;
	_ =	strace $0x80000049;
	[dreg:$0x1] =	wrdreg $0xFFFFFFFF  }
0xa7: {  	s28 =	simm.s32 $_size_execute0_lowered;
	s3 =	sadd.s32 s3, s5;
	[dreg:$0x0] =	wrdreg $0x0  }
0xa8: {  	s5 =	sshll.u32 s28, $0x1;
	[dreg:$0x2] =	wrdreg s3  }
0xa9: {  	[dreg:$0x3] =	wrdreg s5  }
0xaa: {  	[dreg:$0x4] =	wrdreg $0xC0  }
0xab: {  	_ =	task [dreg:s7], $0x5FFFF  }
0xac: {  	[dreg:$0x1] =	wrdreg $0xFFFFFFFF  }
0xad: {  	[dreg:$0x0] =	wrdreg $0x60  }
0xae: {  	[dreg:$0x2] =	wrdreg s2  }
0xaf: {  	[dreg:$0x3] =	wrdreg s24  }
0xb0: {  	[dreg:$0x4] =	wrdreg $0x82000  }
0xb1: {  	[dreg:$0x5] =	wrdreg $0x9  }
0xb2: {  	_ =	task.clear_ibuf [dreg:s7], $0x6FFFF;
	_ =	strace $0x90000049  }
0xb3: {  	s29 =	simm.s32 $0x9;
	_ =	strace $0x8000004B  }
0xb4: {  	_ =	swait.ge [sflag:s29], $0x1  }
0xb5: {  	[sflag:s29] =	ssyncadd.s32 $0xFFFFFFFF  }
0xb6: {  	_ =	strace $0x9000004B  }
0xb7: {  	_ =	sfence  }
0xb8: {  	s30 =	sld [smem:$0x0];
	_ =	sdelay $0x2  }
0xb9: {  	s31 =	sshll.u32 s1, $0xD;
	s1 =	sshrl.u32 s1, $0x2  }
0xba: {  	s3 =	sand.u32 $0x4000, s31;
	s1 =	sadd.s32 s1, s30  }
0xbb: {  	s0 =	sor.u32 s3, s0;
	s1 =	sshll.u32 s1, $0x11  }
0xbc: {  	s0 =	sor.u32 s1, s0  }
0xbd: {  	s0 =	sadd.s32 $0x8F2B, s0  }
0xbe: {  	[sflag:s0] =	ssyncadd.remote.s32 $0x1  }
0xbf: {  	_ =	sfence.sel $0xFFFF  }
0xc0: {  	[dreg:$0x0] =	wrdreg $0xFFFFFFFF;
	(pc) =	sbr.abs _section_cstart, $3  }
0xc1: {  	[dreg:$0x1] =	wrdreg $0xFFFFFFFF  }
0xc2: {  	_ =	task.clear_ibuf [dreg:s7], $0x2FFFF;
	_ =	strace $0x9FFFFFFF  }
0xc3: {  	(tm) =	ssettm $0x7FFFFFFF  }
tec
execute0_lowered:
.L_overlay_start_1:
0x0: {  	(tag) =	ssettag $0x1  }
0x1: {  	s1 =	srdreg.scid  }
0x2: {  	s1 =	sand.u32 $0x1, s1  }
0x3: {  	p0 =	seq.s32 s1, $0x1  }
.Ltmp0:
0x4: {  	s3 =	rddreg [dreg:$0x0];
	(pc) =	sbr.rel @p0 .LBB2_4-.Ltmp0, $4  }
0x5: {  	s16 =	rddreg [dreg:$0x1]  }
0x6: {  	s2 =	rddreg [dreg:$0x2];
	s6 =	simm.s32 $0x0  }
0x7: {  	[smem:$0x7FF] =	sst s6  }
0x8: {  	s0 =	rddreg [dreg:$0x3];
	_ =	strace $0x8000004A;
	s1 =	stileid.u32  }
0x9: {  	s4 =	smul.u32 $0x4F000, s1  }
0xa: {  	s20 =	smul.u32 $0x2780, s1  }
0xb: {  	s8 =	smul.u32 $0x4F00, s1  }
0xc: {  	s5 =	sadd.s32 $0x18200, s16;
	s9 =	smul.u32 $0x300, s1;
	s4 =	sshrl.u32 s4, $0x2  }
0xd: {  	s23 =	sshll.u32 s1, $0x6;
	s10 =	sadd.s32 s5, s20;
	s7 =	sadd.s32 s4, s2  }
0xe: {  	s4 =	sor.u32 $0x1C05, s23;
	s5 =	sshrl.u32 s7, $0x3;
	s7 =	simm.s32 $0x5  }
0xf: {  	[spmem:s5], [sflag:s4] =	dma.local [hbm:s10], $0x2780  }
0x10: {  	s8 =	sand.u32 $0x7FC00, s8;
	s9 =	sand.u32 $0x300, s9;
	_ =	swait.ge [sflag:s7], $0x2780  }
0x11: {  	s8 =	sor.u32 s9, s8;
	[sflag:s7] =	ssyncset.done $0x0  }
0x12: {  	s17 =	sadd.s32 $0xE400, s16;
	s8 =	sshrl.u32 s8, $0x3;
	[sflag:s7] =	ssyncadd.s32 $0xFFFFD880  }
0x13: {  	s18 =	sadd.s32 $0x4600, s16;
	s24 =	sadd.s32 s17, s8;
	[bflag:$0x0] =	sbarrier.arrive $0xFFFF  }
0x14: {  	[tilespmem:s6], [sflag:$0x3] =	stream.linear.gather [hbm4b:s24+s6], $0x80, $0x38;
	[tilespmem:$0x1BE00] =	vst v63  }
0x15: {  	s25 =	sor.u32 $0x10, s8;
	s26 =	sadd.s32 s18, s8;
	s8 =	simm.s32 $0x100  }
0x16: {  	[tilespmem:s8], [sflag:$0x3] =	stream.linear.gather [hbm4b:s26+s6], $0x80, $0x38;
	[tilespmem:$0x1BE00] =	vst v63  }
0x17: {  	s9 =	simm.s32 $0x80;
	s11 =	sadd.s32 s17, s25  }
0x18: {  	[tilespmem:s9], [sflag:$0x4] =	stream.linear.gather [hbm4b:s11+s6], $0x80, $0x38;
	[tilespmem:$0x1BE00] =	vst v63  }
0x19: {  	s10 =	simm.s32 $0x180;
	s28 =	sadd.s32 s18, s25;
	s11 =	simm.s32 $0x3  }
0x1a: {  	[tilespmem:s10], [sflag:$0x4] =	stream.linear.gather [hbm4b:s28+s6], $0x80, $0x38;
	[tilespmem:$0x1BE00] =	vst v63  }
0x1b: {  	_ =	swait.ge [sflag:s11], $0x80  }
0x1c: {  	[sflag:s11] =	ssyncset.done $0x0  }
0x1d: {  	[sflag:s11] =	ssyncadd.s32 $0xFFFFFF80  }
0x1e: {  	_ =	swait.ge [sflag:s11], $0x80  }
0x1f: {  	[sflag:s11] =	ssyncset.done $0x0  }
0x20: {  	s12 =	simm.s32 $0x200;
	s13 =	simm.s32 $0x4;
	[sflag:s11] =	ssyncadd.s32 $0xFFFFFF80  }
0x21: {  	[tilespmem:s12], [sflag:$0x1] =	stream.indirect.gather [hbm4b:s3+s9], $0x80, s6, s9, $0xb8;
	[tilespmem:$0x1BE00] =	vst v63  }
0x22: {  	_ =	swait.ge [sflag:s13], $0x80  }
0x23: {  	[sflag:s13] =	ssyncset.done $0x0  }
0x24: {  	[sflag:s13] =	ssyncadd.s32 $0xFFFFFF80  }
0x25: {  	_ =	swait.ge [sflag:s13], $0x80  }
0x26: {  	[sflag:s13] =	ssyncset.done $0x0  }
0x27: {  	s14 =	simm.s32 $0x4200;
	s15 =	simm.s32 $0x1;
	[sflag:s13] =	ssyncadd.s32 $0xFFFFFF80  }
0x28: {  	[tilespmem:s14], [sflag:$0x2] =	stream.indirect.gather [hbm4b:s3+s9], $0x80, s9, s9, $0xb8;
	[tilespmem:$0x1BE00] =	vst v63  }
0x29: {  	_ =	swait.ge [sflag:s15], $0x4000  }
0x2a: {  	[sflag:s15] =	ssyncset.done $0x0  }
0x2b: {  	s19 =	smul.u32 $0x9E0, s1;
	[sflag:s15] =	ssyncadd.s32 $0xFFFFC000  }
0x2c: {  	[spmem:s2] =	stream.indirect.scatter.add.f32 [tilespmem:s12], [sflag:$0x5], $0x80, s8, s9, $0xb8;
	[tilespmem:$0x1BE00] =	vst v63  }
0x2d: {  	s17 =	sadd.s32 s19, s17;
	_ =	swait.ge [sflag:s7], $0x4000  }
0x2e: {  	s18 =	sadd.s32 s19, s18;
	s21 =	sadd.s32 $0xFFFFF640, s17;
	[sflag:s7] =	ssyncset.done $0x0  }
0x2f: {  	s22 =	sadd.s32 $0xFFFFF640, s18;
	s29 =	sadd.s32 $0x9E0, s21;
	[sflag:s7] =	ssyncadd.s32 $0xFFFFC000  }
0x30: {  	[tilespmem:s6], [sflag:$0x3] =	stream.linear.gather [hbm4b:s29+s6], $0x80, $0x38;
	[tilespmem:$0x1BE00] =	vst v63  }
0x31: {  	s19 =	simm.s32 $0x2;
	s23 =	sadd.s32 $0x9E0, s22  }
0x32: {  	[tilespmem:s8], [sflag:$0x3] =	stream.linear.gather [hbm4b:s23+s6], $0x80, $0x38;
	[tilespmem:$0x1BE00] =	vst v63  }
0x33: {  	_ =	swait.ge [sflag:s19], $0x4000  }
0x34: {  	[sflag:s19] =	ssyncset.done $0x0  }
0x35: {  	[sflag:s19] =	ssyncadd.s32 $0xFFFFC000  }
0x36: {  	[spmem:s2] =	stream.indirect.scatter.add.f32 [tilespmem:s14], [sflag:$0x5], $0x80, s10, s9, $0xb8;
	[tilespmem:$0x1BE00] =	vst v63  }
0x37: {  	_ =	swait.ge [sflag:s7], $0x4000  }
0x38: {  	[sflag:s7] =	ssyncset.done $0x0  }
0x39: {  	s21 =	sadd.s32 $0x9F0, s21;
	[sflag:s7] =	ssyncadd.s32 $0xFFFFC000  }
0x3a: {  	[tilespmem:s9], [sflag:$0x4] =	stream.linear.gather [hbm4b:s21+s6], $0x80, $0x38;
	[tilespmem:$0x1BE00] =	vst v63  }
0x3b: {  	s30 =	sadd.s32 $0x9F0, s22  }
0x3c: {  	[tilespmem:s10], [sflag:$0x4] =	stream.linear.gather [hbm4b:s30+s6], $0x80, $0x38;
	[tilespmem:$0x1BE00] =	vst v63  }
0x3d: {  	_ =	swait.ge [sflag:s11], $0x80  }
0x3e: {  	[sflag:s11] =	ssyncset.done $0x0  }
0x3f: {  	[sflag:s11] =	ssyncadd.s32 $0xFFFFFF80  }
0x40: {  	_ =	swait.ge [sflag:s11], $0x80  }
0x41: {  	s31 =	sadd.s32 s20, s16;
	[sflag:s11] =	ssyncset.done $0x0  }
0x42: {  	s20 =	simm.s32 $0xFFFFF660;
	s16 =	sadd.s32 $0x3FA00, s31;
	[sflag:s11] =	ssyncadd.s32 $0xFFFFFF80  }
.LBB2_2:
0x43: {  	[tilespmem:s12], [sflag:$0x1] =	stream.indirect.gather [hbm4b:s3+s9], $0x80, s6, s9, $0xb8;
	[tilespmem:$0x1BE00] =	vst v63  }
0x44: {  	s21 =	smov.u32 s20  }
0x45: {  	p0 =	sne.s32 s20, $0xFFFFFFE0;
	s20 =	sadd.s32 $0x20, s20;
	_ =	swait.ge [sflag:s13], $0x80  }
0x46: {  	[sflag:s13] =	ssyncset.done $0x0  }
0x47: {  	[sflag:s13] =	ssyncadd.s32 $0xFFFFFF80  }
0x48: {  	_ =	swait.ge [sflag:s13], $0x80  }
0x49: {  	[sflag:s13] =	ssyncset.done $0x0  }
0x4a: {  	[sflag:s13] =	ssyncadd.s32 $0xFFFFFF80  }
0x4b: {  	[tilespmem:s14], [sflag:$0x2] =	stream.indirect.gather [hbm4b:s3+s9], $0x80, s9, s9, $0xb8;
	[tilespmem:$0x1BE00] =	vst v63  }
0x4c: {  	_ =	swait.ge [sflag:s15], $0x4000  }
0x4d: {  	[sflag:s15] =	ssyncset.done $0x0  }
0x4e: {  	[sflag:s15] =	ssyncadd.s32 $0xFFFFC000  }
0x4f: {  	[spmem:s2] =	stream.indirect.scatter.add.f32 [tilespmem:s12], [sflag:$0x5], $0x80, s8, s9, $0xb8;
	[tilespmem:$0x1BE00] =	vst v63  }
0x50: {  	_ =	swait.ge [sflag:s7], $0x4000  }
0x51: {  	s22 =	sadd.s32 s21, s17;
	[sflag:s7] =	ssyncset.done $0x0  }
0x52: {  	s21 =	sadd.s32 s21, s18;
	s23 =	sadd.s32 $0x9E0, s22;
	[sflag:s7] =	ssyncadd.s32 $0xFFFFC000  }
0x53: {  	[tilespmem:s6], [sflag:$0x3] =	stream.linear.gather [hbm4b:s23+s6], $0x80, $0x38;
	[tilespmem:$0x1BE00] =	vst v63  }
0x54: {  	s23 =	sadd.s32 $0x9E0, s21  }
0x55: {  	[tilespmem:s8], [sflag:$0x3] =	stream.linear.gather [hbm4b:s23+s6], $0x80, $0x38;
	[tilespmem:$0x1BE00] =	vst v63  }
0x56: {  	_ =	swait.ge [sflag:s19], $0x4000  }
0x57: {  	[sflag:s19] =	ssyncset.done $0x0  }
0x58: {  	[sflag:s19] =	ssyncadd.s32 $0xFFFFC000  }
0x59: {  	[spmem:s2] =	stream.indirect.scatter.add.f32 [tilespmem:s14], [sflag:$0x5], $0x80, s10, s9, $0xb8;
	[tilespmem:$0x1BE00] =	vst v63  }
0x5a: {  	_ =	swait.ge [sflag:s7], $0x4000  }
0x5b: {  	[sflag:s7] =	ssyncset.done $0x0  }
0x5c: {  	s22 =	sadd.s32 $0x9F0, s22;
	[sflag:s7] =	ssyncadd.s32 $0xFFFFC000  }
0x5d: {  	[tilespmem:s9], [sflag:$0x4] =	stream.linear.gather [hbm4b:s22+s6], $0x80, $0x38;
	[tilespmem:$0x1BE00] =	vst v63  }
0x5e: {  	s21 =	sadd.s32 $0x9F0, s21  }
0x5f: {  	[tilespmem:s10], [sflag:$0x4] =	stream.linear.gather [hbm4b:s21+s6], $0x80, $0x38;
	[tilespmem:$0x1BE00] =	vst v63  }
0x60: {  	_ =	swait.ge [sflag:s11], $0x80  }
.Ltmp1:
0x61: {  	[sflag:s11] =	ssyncset.done $0x0;
	(pc) =	sbr.rel @p0 .LBB2_2-.Ltmp1, $4  }
0x62: {  	[sflag:s11] =	ssyncadd.s32 $0xFFFFFF80  }
0x63: {  	_ =	swait.ge [sflag:s11], $0x80  }
0x64: {  	[sflag:s11] =	ssyncset.done $0x0  }
0x65: {  	[sflag:s11] =	ssyncadd.s32 $0xFFFFFF80  }
0x66: {  	[tilespmem:s12], [sflag:$0x1] =	stream.indirect.gather [hbm4b:s3+s9], $0x80, s6, s9, $0xb8;
	[tilespmem:$0x1BE00] =	vst v63  }
0x67: {  	s24 =	simm.s32 $0x4  }
0x68: {  	_ =	swait.ge [sflag:s24], $0x80  }
0x69: {  	[sflag:s24] =	ssyncset.done $0x0  }
0x6a: {  	[sflag:s24] =	ssyncadd.s32 $0xFFFFFF80  }
0x6b: {  	_ =	swait.ge [sflag:s24], $0x80  }
0x6c: {  	s25 =	simm.s32 $0x80;
	[sflag:s24] =	ssyncset.done $0x0  }
0x6d: {  	s7 =	simm.s32 $0x4200;
	s26 =	simm.s32 $0x1;
	[sflag:s24] =	ssyncadd.s32 $0xFFFFFF80  }
0x6e: {  	[tilespmem:s7], [sflag:$0x2] =	stream.indirect.gather [hbm4b:s3+s25], $0x80, s25, s25, $0xb8;
	[tilespmem:$0x1BE00] =	vst v63  }
0x6f: {  	_ =	swait.ge [sflag:s26], $0x4000  }
0x70: {  	s28 =	simm.s32 $0x100;
	[sflag:s26] =	ssyncset.done $0x0  }
0x71: {  	s8 =	simm.s32 $0x200;
	s29 =	simm.s32 $0x5;
	[sflag:s26] =	ssyncadd.s32 $0xFFFFC000  }
0x72: {  	[spmem:s2] =	stream.indirect.scatter.add.f32 [tilespmem:s8], [sflag:$0x5], $0x80, s28, s25, $0xb8;
	[tilespmem:$0x1BE00] =	vst v63  }
0x73: {  	_ =	swait.ge [sflag:s29], $0x4000  }
0x74: {  	[sflag:s29] =	ssyncset.done $0x0  }
0x75: {  	s30 =	simm.s32 $0x2;
	[sflag:s29] =	ssyncadd.s32 $0xFFFFC000  }
0x76: {  	_ =	swait.ge [sflag:s30], $0x4000  }
0x77: {  	[sflag:s30] =	ssyncset.done $0x0  }
0x78: {  	s31 =	simm.s32 $0x180;
	[sflag:s30] =	ssyncadd.s32 $0xFFFFC000  }
0x79: {  	[spmem:s2] =	stream.indirect.scatter.add.f32 [tilespmem:s7], [sflag:$0x5], $0x80, s31, s25, $0xb8;
	[tilespmem:$0x1BE00] =	vst v63  }
0x7a: {  	_ =	swait.ge [sflag:s29], $0x4000  }
0x7b: {  	[sflag:s29] =	ssyncset.done $0x0  }
0x7c: {  	[sflag:s29] =	ssyncadd.s32 $0xFFFFC000  }
0x7d: {  	[bflag:$0x0] =	sbarrier.arrive $0xFFFF  }
0x7e: {  	[hbm:s16], [sflag:s4] =	dma.local [spmem:s5], $0x2780  }
0x7f: {  	_ =	swait.ge [sflag:s29], $0x2780  }
0x80: {  	[sflag:s29] =	ssyncset.done $0x0  }
0x81: {  	[sflag:s29] =	ssyncadd.s32 $0xFFFFD880  }
.LBB2_4:
0x82: {  	_ =	sfence.sel $0x180000  }
0x83: {  	[bflag:$0x0] =	sbarrier.arrive $0xFFFF  }
0x84: {  	p0 =	sne.s32 s1, $0x0;
	_ =	strace $0x9000004A  }
0x85: {  	s0 =	sadd.s32 @!p0 $0x100000, s0;
	[bflag:$0x2] =	sbarrier.arrive $0xFFFF  }
0x86: {  	[sflag:s0] =	ssyncadd.tile.s32 @!p0 $0x1;
	_ =	shalt  }
.Lfunc_end2:
_tile_overlayer_lowered:
.L_overlay_start_2:
0x87: {  	(tag) =	ssettag $0x2  }
0x88: {  	s0 =	rddreg [dreg:$0x0];
	s2 =	stileid.u32  }
0x89: {  	s1 =	rddreg [dreg:$0x1];
	p0 =	sne.s32 s2, $0x0  }
0x8a: {  	s3 =	rddreg [dreg:$0x2];
	[bflag:$0x3] =	sbarrier.arrive $0xFFFF;
	s2 =	simm.s32 @!p0 $0x1C05  }
0x8b: {  	[timem:s3], [sflag:s2] =	dma.local @!p0 [hbm:s0], s1  }
0x8c: {  	s0 =	simm.s32 @!p0 $0x5  }
0x8d: {  	_ =	swait.ge @!p0 [sflag:s0], s1  }
0x8e: {  	s1 =	ssub.s32 @!p0 $0x0, s1;
	[sflag:s0] =	ssyncset.done @!p0 $0x0  }
0x8f: {  	[sflag:s0] =	ssyncadd.s32 @!p0 s1  }
0x90: {  	[bflag:$0x3] =	sbarrier.arrive $0xFFFF  }
0x91: {  	_ =	shalt  }

// kernel: kernel.17.cloned.1.call-start
scs
__scs_entry_jumppad:
0x0: {  	(pc) =	sbr.rel $0x88, $3  }
0x1: {  	(tag) =	ssettag $0x0;
	lr =	simm.s32 $0x1  }
0x2: {  	[smem:$0x3F93] =	sst lr;
	_ =	strace $0xD0000000  }
0x3: {  	_ = 	snop  }
0x4: {  	_ = 	snop  }
0x5: {  	_ = 	snop  }
0x6: {  	_ = 	snop  }
0x7: {  	_ = 	snop  }
__scs_overlays_trampoline_lowered:
0x8: {  	[smem:$0x3FA2] =	sst s0  }
0x9: {  	[smem:$0x3FA3] =	sst s1  }
0xa: {  	[smem:$0x3FA4] =	sst s2  }
0xb: {  	[smem:$0x3FA5] =	sst s3  }
0xc: {  	[smem:$0x3FA6] =	sst s4  }
0xd: {  	[smem:$0x3FA7] =	sst s5  }
0xe: {  	[smem:$0x3FA8] =	sst s6  }
0xf: {  	[smem:$0x3FA9] =	sst s7  }
0x10: {  	[smem:$0x3FAA] =	sst s8  }
0x11: {  	[smem:$0x3FAB] =	sst s9;
	s0 =	simm.s32 @!p0 $0x0  }
0x12: {  	s1 =	sld [smem:$0x3F91];
	s0 =	simm.s32 @p0 $0x1  }
0x13: {  	[smem:$0x3FAC] =	sst s0;
	s0 =	simm.s32 @!p1 $0x0  }
0x14: {  	s2 =	sld [smem:$0x3F90];
	s0 =	simm.s32 @p1 $0x1  }
0x15: {  	[smem:$0x3FAD] =	sst s0;
	s0 =	simm.s32 @!p2 $0x0  }
0x16: {  	s3 =	sld [smem:$0x3FDB];
	s0 =	simm.s32 @p2 $0x1  }
0x17: {  	s4 =	simm.s32 $0x1BF5;
	[smem:$0x3FAF] =	sst s0  }
0x18: {  	s0 =	sld [smem:$0x3F92];
	_ =	swait.ge [sflag:s4], $0x0  }
0x19: {  	s7 =	sld [smem:$0x3F93]  }
0x1a: {  	s8 =	sadd.s32 $0xFFFFE003, lr  }
0x1b: {  	s9 =	sadd.s32 $0xFFFFFEF7, lr;
	s5 =	simm.s32 $0xFFFFFFFF;
	p2 =	slt.u32 s8, $0xFFFFF086  }
0x1c: {  	p1 =	slt.u32 s9, $0xF7A;
	s5 =	simm.s32 @!p2 $0x0  }
0x1d: {  	s5 =	simm.s32 @p1 $0x1;
	p0 =	seq.s32 s7, s2  }
0x1e: {  	s7 =	smul.u32 @!p0 $0xF7A, s2;
	p2 =	seq.s32 @!p0 s5, $0x0  }
0x1f: {  	s9 =	smul.u32 $0xF7A, s1;
	s8 =	simm.s32 @!p0 $0x1BF5;
	p2 =	por !p2, p0  }
0x20: {  	[sflag:s8] =	ssyncset.s32 @!p0 $0xFFFFF086;
	s6 =	sadd.s32 @!p0 s3, s7;
	s7 =	simm.s32 @!p0 $0x108  }
0x21: {  	s3 =	sadd.s32 s3, s9;
	s6 =	sadd.s32 @!p0 $0x88, s6;
	s7 =	simm.s32 @p2 $0x1082  }
0x22: {  	[simem:s7], [sflag:s8] =	dma.local @!p0 [hbm:s6], $0xF7A  }
0x23: {  	s9 =	sor.u32 $0xD0000000, s2;
	s6 =	simm.s32 $0x108;
	_ =	swait.ge @!p0 [sflag:s8], $0x0  }
0x24: {  	s3 =	sadd.s32 $0x88, s3;
	s6 =	simm.s32 @!p1 $0x1082;
	[sflag:s4] =	ssyncset.s32 $0xFFFFF086  }
0x25: {  	[simem:s6], [sflag:s4] =	dma.local [hbm:s3], $0xF7A  }
0x26: {  	[smem:$0x3F93] =	sst s1;
	(tag) =	ssettag s2;
	_ =	strace s9  }
0x27: {  	s1 =	sld [smem:$0x3FA3]  }
0x28: {  	s2 =	sld [smem:$0x3FA4]  }
0x29: {  	s4 =	sld [smem:$0x3FA6]  }
0x2a: {  	p0 =	seq.s32 s5, $0x0;
	s5 =	sld [smem:$0x3FA7]  }
0x2b: {  	s6 =	sld [smem:$0x3FA8]  }
0x2c: {  	s7 =	sld [smem:$0x3FA9]  }
0x2d: {  	s3 =	simm.s32 $0x108;
	s8 =	sld [smem:$0x3FAA]  }
0x2e: {  	s3 =	simm.s32 @!p0 $0x1082;
	s9 =	sld [smem:$0x3FAB]  }
0x2f: {  	lr =	sadd.s32 s0, s3;
	s0 =	sld [smem:$0x3FA2]  }
0x30: {  	s3 =	sld [smem:$0x3FA5]  }
0x31: {  	[smem:$0x3FAE] =	sst s10  }
0x32: {  	s10 =	sld [smem:$0x3FAC];
	_ =	sdelay $0x3  }
0x33: {  	p0 =	seq.s32 s10, $0x1;
	s10 =	sld [smem:$0x3FAE];
	_ =	sdelay $0x3  }
0x34: {  	[smem:$0x3FAE] =	sst s10  }
0x35: {  	s10 =	sld [smem:$0x3FAD];
	_ =	sdelay $0x3  }
0x36: {  	p1 =	seq.s32 s10, $0x1;
	s10 =	sld [smem:$0x3FAE];
	_ =	sdelay $0x3  }
0x37: {  	[smem:$0x3FAE] =	sst s10  }
0x38: {  	s10 =	sld [smem:$0x3FAF]  }
0x39: {  	_ = 	snop;
	(pc) =	sbr.ind lr, $3  }
0x3a: {  	_ = 	snop  }
0x3b: {  	_ = 	snop  }
0x3c: {  	p2 =	seq.s32 s10, $0x1;
	s10 =	sld [smem:$0x3FAE]  }
0x3d: {  	_ =	shalt  }
0x3e: {  	_ =	shalt  }
0x3f: {  	_ =	shalt  }
0x40: {  	_ =	shalt  }
0x41: {  	_ =	shalt  }
0x42: {  	_ =	shalt  }
0x43: {  	_ =	shalt  }
0x44: {  	_ =	shalt  }
0x45: {  	_ =	shalt  }
0x46: {  	_ =	shalt  }
0x47: {  	_ =	shalt  }
0x48: {  	_ =	shalt  }
0x49: {  	_ =	shalt  }
0x4a: {  	_ =	shalt  }
0x4b: {  	_ =	shalt  }
0x4c: {  	_ =	shalt  }
0x4d: {  	_ =	shalt  }
0x4e: {  	_ =	shalt  }
0x4f: {  	_ =	shalt  }
0x50: {  	_ =	shalt  }
0x51: {  	_ =	shalt  }
0x52: {  	_ =	shalt  }
0x53: {  	_ =	shalt  }
0x54: {  	_ =	shalt  }
0x55: {  	_ =	shalt  }
0x56: {  	_ =	shalt  }
0x57: {  	_ =	shalt  }
0x58: {  	_ =	shalt  }
0x59: {  	_ =	shalt  }
0x5a: {  	_ =	shalt  }
0x5b: {  	_ =	shalt  }
0x5c: {  	_ =	shalt  }
0x5d: {  	_ =	shalt  }
0x5e: {  	_ =	shalt  }
0x5f: {  	_ =	shalt  }
0x60: {  	_ =	shalt  }
0x61: {  	_ =	shalt  }
0x62: {  	_ =	shalt  }
0x63: {  	_ =	shalt  }
0x64: {  	_ =	shalt  }
0x65: {  	_ =	shalt  }
0x66: {  	_ =	shalt  }
0x67: {  	_ =	shalt  }
0x68: {  	_ =	shalt  }
0x69: {  	_ =	shalt  }
0x6a: {  	_ =	shalt  }
0x6b: {  	_ =	shalt  }
0x6c: {  	_ =	shalt  }
0x6d: {  	_ =	shalt  }
0x6e: {  	_ =	shalt  }
0x6f: {  	_ =	shalt  }
0x70: {  	_ =	shalt  }
0x71: {  	_ =	shalt  }
0x72: {  	_ =	shalt  }
0x73: {  	_ =	shalt  }
0x74: {  	_ =	shalt  }
0x75: {  	_ =	shalt  }
0x76: {  	_ =	shalt  }
0x77: {  	_ =	shalt  }
0x78: {  	_ =	shalt  }
0x79: {  	_ =	shalt  }
0x7a: {  	_ =	shalt  }
0x7b: {  	_ =	shalt  }
0x7c: {  	_ =	shalt  }
0x7d: {  	_ =	shalt  }
0x7e: {  	_ =	shalt  }
0x7f: {  	_ =	shalt  }
0x80: {  	_ =	shalt  }
0x81: {  	_ =	shalt  }
0x82: {  	_ =	shalt  }
0x83: {  	_ =	shalt  }
0x84: {  	_ =	shalt  }
0x85: {  	_ =	shalt  }
0x86: {  	_ =	shalt  }
0x87: {  	_ =	shalt  }
.Lfunc_end0:
.L_simem_size_0:
called_computation.2_lowered:
.L_overlay_start_0:
0x88: {  	s2 =	sld [smem:$0x3FD9]  }
0x89: {  	s3 =	sld [smem:$0x3FFE];
	_ =	sdelay $0x1  }
0x8a: {  	s1 =	srdreg.scid  }
0x8b: {  	s0 =	sand.u32 $0x1, s1  }
0x8c: {  	s17 =	sshll.u32 s0, $0xA;
	s2 =	sadd.s32 s3, s2  }
0x8d: {  	s2 =	sadd.s32 s2, s17  }
0x8e: {  	[smem:$0x3FBA] =	sst s2  }
0x8f: {  	_ = 	snop  }
0x90: {  	s2 =	sld [smem:$0x3FD0];
	(tm) =	ssettm $0x1  }
0x91: {  	s18 =	sld [smem:$0x3FFB];
	_ =	sdelay $0x3  }
0x92: {  	_ =	strace s18  }
0x93: {  	s3 =	sld [smem:$0x3FFC];
	_ =	sdelay $0x3  }
0x94: {  	_ =	strace s3  }
0x95: {  	s3 =	sld [smem:$0x3FFD];
	_ =	sdelay $0x3  }
0x96: {  	_ =	strace s3  }
0x97: {  	_ =	strace $0x8FFFFFFF  }
0x98: {  	s19 =	sld [smem:$0x3FDB];
	_ =	sdelay $0x1  }
0x99: {  	s4 =	simm.s32 $_scs_section_size  }
0x9a: {  	s5 =	simm.s32 $_size__tile_overlayer_lowered;
	s6 =	simm.s32 $_tile_overlayer_lowered  }
0x9b: {  	s22 =	simm.s32 $0x1BFF;
	s21 =	sshll.u32 s6, $0x1;
	s3 =	sadd.s32 s4, s19  }
0x9c: {  	s7 =	simm.s32 $0x0;
	s20 =	sshll.u32 s5, $0x1;
	s5 =	sadd.s32 s21, s3  }
0x9d: {  	[timem:s7], [sflag:s22] =	dma.local [hbm:s5], s20  }
0x9e: {  	_ =	swait.ge [sflag:s22], s20  }
0x9f: {  	s4 =	ssub.s32 $0x0, s20;
	[sflag:s22] =	ssyncset.done $0x0  }
0xa0: {  	[sflag:s22] =	ssyncadd.s32 s4;
	_ =	sdelay $0x1  }
0xa1: {  	s23 =	simm.s32 $0x1B8B  }
0xa2: {  	_ =	swait.ge [sflag:s23], $0x1  }
0xa3: {  	[sflag:s23] =	ssyncset.done $0x0  }
0xa4: {  	s25 =	simm.s32 $0x1B8E;
	s24 =	sld [smem:$0x3FFE];
	[sflag:s23] =	ssyncadd.s32 $0xFFFFFFFF  }
0xa5: {  	s26 =	simm.s32 $execute0_lowered;
	[smem:$0x3FD2] =	sst s25  }
0xa6: {  	s5 =	sshll.u32 s26, $0x1;
	_ =	strace $0x8000004C;
	[dreg:$0x1] =	wrdreg $0xFFFFFFFF  }
0xa7: {  	s28 =	simm.s32 $_size_execute0_lowered;
	s3 =	sadd.s32 s3, s5;
	[dreg:$0x0] =	wrdreg $0x0  }
0xa8: {  	s5 =	sshll.u32 s28, $0x1;
	[dreg:$0x2] =	wrdreg s3  }
0xa9: {  	[dreg:$0x3] =	wrdreg s5  }
0xaa: {  	[dreg:$0x4] =	wrdreg $0xC0  }
0xab: {  	_ =	task [dreg:s7], $0x5FFFF  }
0xac: {  	[dreg:$0x1] =	wrdreg $0xFFFFFFFF  }
0xad: {  	[dreg:$0x0] =	wrdreg $0x60  }
0xae: {  	[dreg:$0x2] =	wrdreg s2  }
0xaf: {  	[dreg:$0x3] =	wrdreg s24  }
0xb0: {  	[dreg:$0x4] =	wrdreg $0x82000  }
0xb1: {  	[dreg:$0x5] =	wrdreg $0x9  }
0xb2: {  	_ =	task.clear_ibuf [dreg:s7], $0x6FFFF;
	_ =	strace $0x9000004C  }
0xb3: {  	s29 =	simm.s32 $0x9;
	_ =	strace $0x8000004E  }
0xb4: {  	_ =	swait.ge [sflag:s29], $0x1  }
0xb5: {  	[sflag:s29] =	ssyncadd.s32 $0xFFFFFFFF  }
0xb6: {  	_ =	strace $0x9000004E  }
0xb7: {  	_ =	sfence  }
0xb8: {  	s30 =	sld [smem:$0x0];
	_ =	sdelay $0x2  }
0xb9: {  	s31 =	sshll.u32 s1, $0xD;
	s1 =	sshrl.u32 s1, $0x2  }
0xba: {  	s3 =	sand.u32 $0x4000, s31;
	s1 =	sadd.s32 s1, s30  }
0xbb: {  	s0 =	sor.u32 s3, s0;
	s1 =	sshll.u32 s1, $0x11  }
0xbc: {  	s0 =	sor.u32 s1, s0  }
0xbd: {  	s0 =	sadd.s32 $0x8F2B, s0  }
0xbe: {  	[sflag:s0] =	ssyncadd.remote.s32 $0x1  }
0xbf: {  	_ =	sfence.sel $0xFFFF  }
0xc0: {  	[dreg:$0x0] =	wrdreg $0xFFFFFFFF;
	(pc) =	sbr.abs _section_cstart, $3  }
0xc1: {  	[dreg:$0x1] =	wrdreg $0xFFFFFFFF  }
0xc2: {  	_ =	task.clear_ibuf [dreg:s7], $0x2FFFF;
	_ =	strace $0x9FFFFFFF  }
0xc3: {  	(tm) =	ssettm $0x7FFFFFFF  }
tec
execute0_lowered:
.L_overlay_start_1:
0x0: {  	(tag) =	ssettag $0x1  }
0x1: {  	s1 =	srdreg.scid  }
0x2: {  	s1 =	sand.u32 $0x1, s1  }
0x3: {  	p0 =	seq.s32 s1, $0x1  }
.Ltmp0:
0x4: {  	s3 =	rddreg [dreg:$0x0];
	(pc) =	sbr.rel @p0 .LBB2_4-.Ltmp0, $4  }
0x5: {  	s16 =	rddreg [dreg:$0x1]  }
0x6: {  	s2 =	rddreg [dreg:$0x2];
	s6 =	simm.s32 $0x0  }
0x7: {  	[smem:$0x7FF] =	sst s6  }
0x8: {  	s0 =	rddreg [dreg:$0x3];
	_ =	strace $0x8000004D;
	s1 =	stileid.u32  }
0x9: {  	s4 =	smul.u32 $0x4F000, s1  }
0xa: {  	s20 =	smul.u32 $0x2780, s1  }
0xb: {  	s8 =	smul.u32 $0x4F00, s1  }
0xc: {  	s5 =	sadd.s32 $0x18200, s16;
	s9 =	smul.u32 $0x300, s1;
	s4 =	sshrl.u32 s4, $0x2  }
0xd: {  	s23 =	sshll.u32 s1, $0x6;
	s10 =	sadd.s32 s5, s20;
	s7 =	sadd.s32 s4, s2  }
0xe: {  	s4 =	sor.u32 $0x1C05, s23;
	s5 =	sshrl.u32 s7, $0x3;
	s7 =	simm.s32 $0x5  }
0xf: {  	[spmem:s5], [sflag:s4] =	dma.local [hbm:s10], $0x2780  }
0x10: {  	s8 =	sand.u32 $0x7FC00, s8;
	s9 =	sand.u32 $0x300, s9;
	_ =	swait.ge [sflag:s7], $0x2780  }
0x11: {  	s8 =	sor.u32 s9, s8;
	[sflag:s7] =	ssyncset.done $0x0  }
0x12: {  	s17 =	sadd.s32 $0xE400, s16;
	s8 =	sshrl.u32 s8, $0x3;
	[sflag:s7] =	ssyncadd.s32 $0xFFFFD880  }
0x13: {  	s18 =	sadd.s32 $0x4600, s16;
	s24 =	sadd.s32 s17, s8;
	[bflag:$0x0] =	sbarrier.arrive $0xFFFF  }
0x14: {  	[tilespmem:s6], [sflag:$0x3] =	stream.linear.gather [hbm4b:s24+s6], $0x80, $0x38;
	[tilespmem:$0x1BE00] =	vst v63  }
0x15: {  	s25 =	sor.u32 $0x10, s8;
	s26 =	sadd.s32 s18, s8;
	s8 =	simm.s32 $0x100  }
0x16: {  	[tilespmem:s8], [sflag:$0x3] =	stream.linear.gather [hbm4b:s26+s6], $0x80, $0x38;
	[tilespmem:$0x1BE00] =	vst v63  }
0x17: {  	s9 =	simm.s32 $0x80;
	s11 =	sadd.s32 s17, s25  }
0x18: {  	[tilespmem:s9], [sflag:$0x4] =	stream.linear.gather [hbm4b:s11+s6], $0x80, $0x38;
	[tilespmem:$0x1BE00] =	vst v63  }
0x19: {  	s10 =	simm.s32 $0x180;
	s28 =	sadd.s32 s18, s25;
	s11 =	simm.s32 $0x3  }
0x1a: {  	[tilespmem:s10], [sflag:$0x4] =	stream.linear.gather [hbm4b:s28+s6], $0x80, $0x38;
	[tilespmem:$0x1BE00] =	vst v63  }
0x1b: {  	_ =	swait.ge [sflag:s11], $0x80  }
0x1c: {  	[sflag:s11] =	ssyncset.done $0x0  }
0x1d: {  	[sflag:s11] =	ssyncadd.s32 $0xFFFFFF80  }
0x1e: {  	_ =	swait.ge [sflag:s11], $0x80  }
0x1f: {  	[sflag:s11] =	ssyncset.done $0x0  }
0x20: {  	s12 =	simm.s32 $0x200;
	s13 =	simm.s32 $0x4;
	[sflag:s11] =	ssyncadd.s32 $0xFFFFFF80  }
0x21: {  	[tilespmem:s12], [sflag:$0x1] =	stream.indirect.gather [hbm4b:s3+s9], $0x80, s6, s9, $0xb8;
	[tilespmem:$0x1BE00] =	vst v63  }
0x22: {  	_ =	swait.ge [sflag:s13], $0x80  }
0x23: {  	[sflag:s13] =	ssyncset.done $0x0  }
0x24: {  	[sflag:s13] =	ssyncadd.s32 $0xFFFFFF80  }
0x25: {  	_ =	swait.ge [sflag:s13], $0x80  }
0x26: {  	[sflag:s13] =	ssyncset.done $0x0  }
0x27: {  	s14 =	simm.s32 $0x4200;
	s15 =	simm.s32 $0x1;
	[sflag:s13] =	ssyncadd.s32 $0xFFFFFF80  }
0x28: {  	[tilespmem:s14], [sflag:$0x2] =	stream.indirect.gather [hbm4b:s3+s9], $0x80, s9, s9, $0xb8;
	[tilespmem:$0x1BE00] =	vst v63  }
0x29: {  	_ =	swait.ge [sflag:s15], $0x4000  }
0x2a: {  	[sflag:s15] =	ssyncset.done $0x0  }
0x2b: {  	s19 =	smul.u32 $0x9E0, s1;
	[sflag:s15] =	ssyncadd.s32 $0xFFFFC000  }
0x2c: {  	[spmem:s2] =	stream.indirect.scatter.add.f32 [tilespmem:s12], [sflag:$0x5], $0x80, s8, s9, $0xb8;
	[tilespmem:$0x1BE00] =	vst v63  }
0x2d: {  	s17 =	sadd.s32 s19, s17;
	_ =	swait.ge [sflag:s7], $0x4000  }
0x2e: {  	s18 =	sadd.s32 s19, s18;
	s21 =	sadd.s32 $0xFFFFF640, s17;
	[sflag:s7] =	ssyncset.done $0x0  }
0x2f: {  	s22 =	sadd.s32 $0xFFFFF640, s18;
	s29 =	sadd.s32 $0x9E0, s21;
	[sflag:s7] =	ssyncadd.s32 $0xFFFFC000  }
0x30: {  	[tilespmem:s6], [sflag:$0x3] =	stream.linear.gather [hbm4b:s29+s6], $0x80, $0x38;
	[tilespmem:$0x1BE00] =	vst v63  }
0x31: {  	s19 =	simm.s32 $0x2;
	s23 =	sadd.s32 $0x9E0, s22  }
0x32: {  	[tilespmem:s8], [sflag:$0x3] =	stream.linear.gather [hbm4b:s23+s6], $0x80, $0x38;
	[tilespmem:$0x1BE00] =	vst v63  }
0x33: {  	_ =	swait.ge [sflag:s19], $0x4000  }
0x34: {  	[sflag:s19] =	ssyncset.done $0x0  }
0x35: {  	[sflag:s19] =	ssyncadd.s32 $0xFFFFC000  }
0x36: {  	[spmem:s2] =	stream.indirect.scatter.add.f32 [tilespmem:s14], [sflag:$0x5], $0x80, s10, s9, $0xb8;
	[tilespmem:$0x1BE00] =	vst v63  }
0x37: {  	_ =	swait.ge [sflag:s7], $0x4000  }
0x38: {  	[sflag:s7] =	ssyncset.done $0x0  }
0x39: {  	s21 =	sadd.s32 $0x9F0, s21;
	[sflag:s7] =	ssyncadd.s32 $0xFFFFC000  }
0x3a: {  	[tilespmem:s9], [sflag:$0x4] =	stream.linear.gather [hbm4b:s21+s6], $0x80, $0x38;
	[tilespmem:$0x1BE00] =	vst v63  }
0x3b: {  	s30 =	sadd.s32 $0x9F0, s22  }
0x3c: {  	[tilespmem:s10], [sflag:$0x4] =	stream.linear.gather [hbm4b:s30+s6], $0x80, $0x38;
	[tilespmem:$0x1BE00] =	vst v63  }
0x3d: {  	_ =	swait.ge [sflag:s11], $0x80  }
0x3e: {  	[sflag:s11] =	ssyncset.done $0x0  }
0x3f: {  	[sflag:s11] =	ssyncadd.s32 $0xFFFFFF80  }
0x40: {  	_ =	swait.ge [sflag:s11], $0x80  }
0x41: {  	s31 =	sadd.s32 s20, s16;
	[sflag:s11] =	ssyncset.done $0x0  }
0x42: {  	s20 =	simm.s32 $0xFFFFF660;
	s16 =	sadd.s32 $0x3FA00, s31;
	[sflag:s11] =	ssyncadd.s32 $0xFFFFFF80  }
.LBB2_2:
0x43: {  	[tilespmem:s12], [sflag:$0x1] =	stream.indirect.gather [hbm4b:s3+s9], $0x80, s6, s9, $0xb8;
	[tilespmem:$0x1BE00] =	vst v63  }
0x44: {  	s21 =	smov.u32 s20  }
0x45: {  	p0 =	sne.s32 s20, $0xFFFFFFE0;
	s20 =	sadd.s32 $0x20, s20;
	_ =	swait.ge [sflag:s13], $0x80  }
0x46: {  	[sflag:s13] =	ssyncset.done $0x0  }
0x47: {  	[sflag:s13] =	ssyncadd.s32 $0xFFFFFF80  }
0x48: {  	_ =	swait.ge [sflag:s13], $0x80  }
0x49: {  	[sflag:s13] =	ssyncset.done $0x0  }
0x4a: {  	[sflag:s13] =	ssyncadd.s32 $0xFFFFFF80  }
0x4b: {  	[tilespmem:s14], [sflag:$0x2] =	stream.indirect.gather [hbm4b:s3+s9], $0x80, s9, s9, $0xb8;
	[tilespmem:$0x1BE00] =	vst v63  }
0x4c: {  	_ =	swait.ge [sflag:s15], $0x4000  }
0x4d: {  	[sflag:s15] =	ssyncset.done $0x0  }
0x4e: {  	[sflag:s15] =	ssyncadd.s32 $0xFFFFC000  }
0x4f: {  	[spmem:s2] =	stream.indirect.scatter.add.f32 [tilespmem:s12], [sflag:$0x5], $0x80, s8, s9, $0xb8;
	[tilespmem:$0x1BE00] =	vst v63  }
0x50: {  	_ =	swait.ge [sflag:s7], $0x4000  }
0x51: {  	s22 =	sadd.s32 s21, s17;
	[sflag:s7] =	ssyncset.done $0x0  }
0x52: {  	s21 =	sadd.s32 s21, s18;
	s23 =	sadd.s32 $0x9E0, s22;
	[sflag:s7] =	ssyncadd.s32 $0xFFFFC000  }
0x53: {  	[tilespmem:s6], [sflag:$0x3] =	stream.linear.gather [hbm4b:s23+s6], $0x80, $0x38;
	[tilespmem:$0x1BE00] =	vst v63  }
0x54: {  	s23 =	sadd.s32 $0x9E0, s21  }
0x55: {  	[tilespmem:s8], [sflag:$0x3] =	stream.linear.gather [hbm4b:s23+s6], $0x80, $0x38;
	[tilespmem:$0x1BE00] =	vst v63  }
0x56: {  	_ =	swait.ge [sflag:s19], $0x4000  }
0x57: {  	[sflag:s19] =	ssyncset.done $0x0  }
0x58: {  	[sflag:s19] =	ssyncadd.s32 $0xFFFFC000  }
0x59: {  	[spmem:s2] =	stream.indirect.scatter.add.f32 [tilespmem:s14], [sflag:$0x5], $0x80, s10, s9, $0xb8;
	[tilespmem:$0x1BE00] =	vst v63  }
0x5a: {  	_ =	swait.ge [sflag:s7], $0x4000  }
0x5b: {  	[sflag:s7] =	ssyncset.done $0x0  }
0x5c: {  	s22 =	sadd.s32 $0x9F0, s22;
	[sflag:s7] =	ssyncadd.s32 $0xFFFFC000  }
0x5d: {  	[tilespmem:s9], [sflag:$0x4] =	stream.linear.gather [hbm4b:s22+s6], $0x80, $0x38;
	[tilespmem:$0x1BE00] =	vst v63  }
0x5e: {  	s21 =	sadd.s32 $0x9F0, s21  }
0x5f: {  	[tilespmem:s10], [sflag:$0x4] =	stream.linear.gather [hbm4b:s21+s6], $0x80, $0x38;
	[tilespmem:$0x1BE00] =	vst v63  }
0x60: {  	_ =	swait.ge [sflag:s11], $0x80  }
.Ltmp1:
0x61: {  	[sflag:s11] =	ssyncset.done $0x0;
	(pc) =	sbr.rel @p0 .LBB2_2-.Ltmp1, $4  }
0x62: {  	[sflag:s11] =	ssyncadd.s32 $0xFFFFFF80  }
0x63: {  	_ =	swait.ge [sflag:s11], $0x80  }
0x64: {  	[sflag:s11] =	ssyncset.done $0x0  }
0x65: {  	[sflag:s11] =	ssyncadd.s32 $0xFFFFFF80  }
0x66: {  	[tilespmem:s12], [sflag:$0x1] =	stream.indirect.gather [hbm4b:s3+s9], $0x80, s6, s9, $0xb8;
	[tilespmem:$0x1BE00] =	vst v63  }
0x67: {  	s24 =	simm.s32 $0x4  }
0x68: {  	_ =	swait.ge [sflag:s24], $0x80  }
0x69: {  	[sflag:s24] =	ssyncset.done $0x0  }
0x6a: {  	[sflag:s24] =	ssyncadd.s32 $0xFFFFFF80  }
0x6b: {  	_ =	swait.ge [sflag:s24], $0x80  }
0x6c: {  	s25 =	simm.s32 $0x80;
	[sflag:s24] =	ssyncset.done $0x0  }
0x6d: {  	s7 =	simm.s32 $0x4200;
	s26 =	simm.s32 $0x1;
	[sflag:s24] =	ssyncadd.s32 $0xFFFFFF80  }
0x6e: {  	[tilespmem:s7], [sflag:$0x2] =	stream.indirect.gather [hbm4b:s3+s25], $0x80, s25, s25, $0xb8;
	[tilespmem:$0x1BE00] =	vst v63  }
0x6f: {  	_ =	swait.ge [sflag:s26], $0x4000  }
0x70: {  	s28 =	simm.s32 $0x100;
	[sflag:s26] =	ssyncset.done $0x0  }
0x71: {  	s8 =	simm.s32 $0x200;
	s29 =	simm.s32 $0x5;
	[sflag:s26] =	ssyncadd.s32 $0xFFFFC000  }
0x72: {  	[spmem:s2] =	stream.indirect.scatter.add.f32 [tilespmem:s8], [sflag:$0x5], $0x80, s28, s25, $0xb8;
	[tilespmem:$0x1BE00] =	vst v63  }
0x73: {  	_ =	swait.ge [sflag:s29], $0x4000  }
0x74: {  	[sflag:s29] =	ssyncset.done $0x0  }
0x75: {  	s30 =	simm.s32 $0x2;
	[sflag:s29] =	ssyncadd.s32 $0xFFFFC000  }
0x76: {  	_ =	swait.ge [sflag:s30], $0x4000  }
0x77: {  	[sflag:s30] =	ssyncset.done $0x0  }
0x78: {  	s31 =	simm.s32 $0x180;
	[sflag:s30] =	ssyncadd.s32 $0xFFFFC000  }
0x79: {  	[spmem:s2] =	stream.indirect.scatter.add.f32 [tilespmem:s7], [sflag:$0x5], $0x80, s31, s25, $0xb8;
	[tilespmem:$0x1BE00] =	vst v63  }
0x7a: {  	_ =	swait.ge [sflag:s29], $0x4000  }
0x7b: {  	[sflag:s29] =	ssyncset.done $0x0  }
0x7c: {  	[sflag:s29] =	ssyncadd.s32 $0xFFFFC000  }
0x7d: {  	[bflag:$0x0] =	sbarrier.arrive $0xFFFF  }
0x7e: {  	[hbm:s16], [sflag:s4] =	dma.local [spmem:s5], $0x2780  }
0x7f: {  	_ =	swait.ge [sflag:s29], $0x2780  }
0x80: {  	[sflag:s29] =	ssyncset.done $0x0  }
0x81: {  	[sflag:s29] =	ssyncadd.s32 $0xFFFFD880  }
.LBB2_4:
0x82: {  	_ =	sfence.sel $0x180000  }
0x83: {  	[bflag:$0x0] =	sbarrier.arrive $0xFFFF  }
0x84: {  	p0 =	sne.s32 s1, $0x0;
	_ =	strace $0x9000004D  }
0x85: {  	s0 =	sadd.s32 @!p0 $0x100000, s0;
	[bflag:$0x2] =	sbarrier.arrive $0xFFFF  }
0x86: {  	[sflag:s0] =	ssyncadd.tile.s32 @!p0 $0x1;
	_ =	shalt  }
.Lfunc_end2:
_tile_overlayer_lowered:
.L_overlay_start_2:
0x87: {  	(tag) =	ssettag $0x2  }
0x88: {  	s0 =	rddreg [dreg:$0x0];
	s2 =	stileid.u32  }
0x89: {  	s1 =	rddreg [dreg:$0x1];
	p0 =	sne.s32 s2, $0x0  }
0x8a: {  	s3 =	rddreg [dreg:$0x2];
	[bflag:$0x3] =	sbarrier.arrive $0xFFFF;
	s2 =	simm.s32 @!p0 $0x1C05  }
0x8b: {  	[timem:s3], [sflag:s2] =	dma.local @!p0 [hbm:s0], s1  }
0x8c: {  	s0 =	simm.s32 @!p0 $0x5  }
0x8d: {  	_ =	swait.ge @!p0 [sflag:s0], s1  }
0x8e: {  	s1 =	ssub.s32 @!p0 $0x0, s1;
	[sflag:s0] =	ssyncset.done @!p0 $0x0  }
0x8f: {  	[sflag:s0] =	ssyncadd.s32 @!p0 s1  }
0x90: {  	[bflag:$0x3] =	sbarrier.arrive $0xFFFF  }
0x91: {  	_ =	shalt  }

// kernel: kernel.20.cloned.1.call-start
scs
__scs_entry_jumppad:
0x0: {  	(pc) =	sbr.rel $0x88, $3  }
0x1: {  	(tag) =	ssettag $0x0;
	lr =	simm.s32 $0x1  }
0x2: {  	[smem:$0x3F93] =	sst lr;
	_ =	strace $0xD0000000  }
0x3: {  	_ = 	snop  }
0x4: {  	_ = 	snop  }
0x5: {  	_ = 	snop  }
0x6: {  	_ = 	snop  }
0x7: {  	_ = 	snop  }
__scs_overlays_trampoline_lowered:
0x8: {  	[smem:$0x3FA2] =	sst s0  }
0x9: {  	[smem:$0x3FA3] =	sst s1  }
0xa: {  	[smem:$0x3FA4] =	sst s2  }
0xb: {  	[smem:$0x3FA5] =	sst s3  }
0xc: {  	[smem:$0x3FA6] =	sst s4  }
0xd: {  	[smem:$0x3FA7] =	sst s5  }
0xe: {  	[smem:$0x3FA8] =	sst s6  }
0xf: {  	[smem:$0x3FA9] =	sst s7  }
0x10: {  	[smem:$0x3FAA] =	sst s8  }
0x11: {  	[smem:$0x3FAB] =	sst s9;
	s0 =	simm.s32 @!p0 $0x0  }
0x12: {  	s1 =	sld [smem:$0x3F91];
	s0 =	simm.s32 @p0 $0x1  }
0x13: {  	[smem:$0x3FAC] =	sst s0;
	s0 =	simm.s32 @!p1 $0x0  }
0x14: {  	s2 =	sld [smem:$0x3F90];
	s0 =	simm.s32 @p1 $0x1  }
0x15: {  	[smem:$0x3FAD] =	sst s0;
	s0 =	simm.s32 @!p2 $0x0  }
0x16: {  	s3 =	sld [smem:$0x3FDB];
	s0 =	simm.s32 @p2 $0x1  }
0x17: {  	s4 =	simm.s32 $0x1BF5;
	[smem:$0x3FAF] =	sst s0  }
0x18: {  	s0 =	sld [smem:$0x3F92];
	_ =	swait.ge [sflag:s4], $0x0  }
0x19: {  	s7 =	sld [smem:$0x3F93]  }
0x1a: {  	s8 =	sadd.s32 $0xFFFFE003, lr  }
0x1b: {  	s9 =	sadd.s32 $0xFFFFFEF7, lr;
	s5 =	simm.s32 $0xFFFFFFFF;
	p2 =	slt.u32 s8, $0xFFFFF086  }
0x1c: {  	p1 =	slt.u32 s9, $0xF7A;
	s5 =	simm.s32 @!p2 $0x0  }
0x1d: {  	s5 =	simm.s32 @p1 $0x1;
	p0 =	seq.s32 s7, s2  }
0x1e: {  	s7 =	smul.u32 @!p0 $0xF7A, s2;
	p2 =	seq.s32 @!p0 s5, $0x0  }
0x1f: {  	s9 =	smul.u32 $0xF7A, s1;
	s8 =	simm.s32 @!p0 $0x1BF5;
	p2 =	por !p2, p0  }
0x20: {  	[sflag:s8] =	ssyncset.s32 @!p0 $0xFFFFF086;
	s6 =	sadd.s32 @!p0 s3, s7;
	s7 =	simm.s32 @!p0 $0x108  }
0x21: {  	s3 =	sadd.s32 s3, s9;
	s6 =	sadd.s32 @!p0 $0x88, s6;
	s7 =	simm.s32 @p2 $0x1082  }
0x22: {  	[simem:s7], [sflag:s8] =	dma.local @!p0 [hbm:s6], $0xF7A  }
0x23: {  	s9 =	sor.u32 $0xD0000000, s2;
	s6 =	simm.s32 $0x108;
	_ =	swait.ge @!p0 [sflag:s8], $0x0  }
0x24: {  	s3 =	sadd.s32 $0x88, s3;
	s6 =	simm.s32 @!p1 $0x1082;
	[sflag:s4] =	ssyncset.s32 $0xFFFFF086  }
0x25: {  	[simem:s6], [sflag:s4] =	dma.local [hbm:s3], $0xF7A  }
0x26: {  	[smem:$0x3F93] =	sst s1;
	(tag) =	ssettag s2;
	_ =	strace s9  }
0x27: {  	s1 =	sld [smem:$0x3FA3]  }
0x28: {  	s2 =	sld [smem:$0x3FA4]  }
0x29: {  	s4 =	sld [smem:$0x3FA6]  }
0x2a: {  	p0 =	seq.s32 s5, $0x0;
	s5 =	sld [smem:$0x3FA7]  }
0x2b: {  	s6 =	sld [smem:$0x3FA8]  }
0x2c: {  	s7 =	sld [smem:$0x3FA9]  }
0x2d: {  	s3 =	simm.s32 $0x108;
	s8 =	sld [smem:$0x3FAA]  }
0x2e: {  	s3 =	simm.s32 @!p0 $0x1082;
	s9 =	sld [smem:$0x3FAB]  }
0x2f: {  	lr =	sadd.s32 s0, s3;
	s0 =	sld [smem:$0x3FA2]  }
0x30: {  	s3 =	sld [smem:$0x3FA5]  }
0x31: {  	[smem:$0x3FAE] =	sst s10  }
0x32: {  	s10 =	sld [smem:$0x3FAC];
	_ =	sdelay $0x3  }
0x33: {  	p0 =	seq.s32 s10, $0x1;
	s10 =	sld [smem:$0x3FAE];
	_ =	sdelay $0x3  }
0x34: {  	[smem:$0x3FAE] =	sst s10  }
0x35: {  	s10 =	sld [smem:$0x3FAD];
	_ =	sdelay $0x3  }
0x36: {  	p1 =	seq.s32 s10, $0x1;
	s10 =	sld [smem:$0x3FAE];
	_ =	sdelay $0x3  }
0x37: {  	[smem:$0x3FAE] =	sst s10  }
0x38: {  	s10 =	sld [smem:$0x3FAF]  }
0x39: {  	_ = 	snop;
	(pc) =	sbr.ind lr, $3  }
0x3a: {  	_ = 	snop  }
0x3b: {  	_ = 	snop  }
0x3c: {  	p2 =	seq.s32 s10, $0x1;
	s10 =	sld [smem:$0x3FAE]  }
0x3d: {  	_ =	shalt  }
0x3e: {  	_ =	shalt  }
0x3f: {  	_ =	shalt  }
0x40: {  	_ =	shalt  }
0x41: {  	_ =	shalt  }
0x42: {  	_ =	shalt  }
0x43: {  	_ =	shalt  }
0x44: {  	_ =	shalt  }
0x45: {  	_ =	shalt  }
0x46: {  	_ =	shalt  }
0x47: {  	_ =	shalt  }
0x48: {  	_ =	shalt  }
0x49: {  	_ =	shalt  }
0x4a: {  	_ =	shalt  }
0x4b: {  	_ =	shalt  }
0x4c: {  	_ =	shalt  }
0x4d: {  	_ =	shalt  }
0x4e: {  	_ =	shalt  }
0x4f: {  	_ =	shalt  }
0x50: {  	_ =	shalt  }
0x51: {  	_ =	shalt  }
0x52: {  	_ =	shalt  }
0x53: {  	_ =	shalt  }
0x54: {  	_ =	shalt  }
0x55: {  	_ =	shalt  }
0x56: {  	_ =	shalt  }
0x57: {  	_ =	shalt  }
0x58: {  	_ =	shalt  }
0x59: {  	_ =	shalt  }
0x5a: {  	_ =	shalt  }
0x5b: {  	_ =	shalt  }
0x5c: {  	_ =	shalt  }
0x5d: {  	_ =	shalt  }
0x5e: {  	_ =	shalt  }
0x5f: {  	_ =	shalt  }
0x60: {  	_ =	shalt  }
0x61: {  	_ =	shalt  }
0x62: {  	_ =	shalt  }
0x63: {  	_ =	shalt  }
0x64: {  	_ =	shalt  }
0x65: {  	_ =	shalt  }
0x66: {  	_ =	shalt  }
0x67: {  	_ =	shalt  }
0x68: {  	_ =	shalt  }
0x69: {  	_ =	shalt  }
0x6a: {  	_ =	shalt  }
0x6b: {  	_ =	shalt  }
0x6c: {  	_ =	shalt  }
0x6d: {  	_ =	shalt  }
0x6e: {  	_ =	shalt  }
0x6f: {  	_ =	shalt  }
0x70: {  	_ =	shalt  }
0x71: {  	_ =	shalt  }
0x72: {  	_ =	shalt  }
0x73: {  	_ =	shalt  }
0x74: {  	_ =	shalt  }
0x75: {  	_ =	shalt  }
0x76: {  	_ =	shalt  }
0x77: {  	_ =	shalt  }
0x78: {  	_ =	shalt  }
0x79: {  	_ =	shalt  }
0x7a: {  	_ =	shalt  }
0x7b: {  	_ =	shalt  }
0x7c: {  	_ =	shalt  }
0x7d: {  	_ =	shalt  }
0x7e: {  	_ =	shalt  }
0x7f: {  	_ =	shalt  }
0x80: {  	_ =	shalt  }
0x81: {  	_ =	shalt  }
0x82: {  	_ =	shalt  }
0x83: {  	_ =	shalt  }
0x84: {  	_ =	shalt  }
0x85: {  	_ =	shalt  }
0x86: {  	_ =	shalt  }
0x87: {  	_ =	shalt  }
.Lfunc_end0:
.L_simem_size_0:
called_computation.3_lowered:
.L_overlay_start_0:
0x88: {  	s2 =	sld [smem:$0x3FD9]  }
0x89: {  	s3 =	sld [smem:$0x3FFE];
	_ =	sdelay $0x1  }
0x8a: {  	s1 =	srdreg.scid  }
0x8b: {  	s0 =	sand.u32 $0x1, s1  }
0x8c: {  	s17 =	sshll.u32 s0, $0xA;
	s2 =	sadd.s32 s3, s2  }
0x8d: {  	s2 =	sadd.s32 s2, s17  }
0x8e: {  	[smem:$0x3FBA] =	sst s2  }
0x8f: {  	_ = 	snop  }
0x90: {  	s2 =	sld [smem:$0x3FD0];
	(tm) =	ssettm $0x1  }
0x91: {  	s18 =	sld [smem:$0x3FFB];
	_ =	sdelay $0x3  }
0x92: {  	_ =	strace s18  }
0x93: {  	s3 =	sld [smem:$0x3FFC];
	_ =	sdelay $0x3  }
0x94: {  	_ =	strace s3  }
0x95: {  	s3 =	sld [smem:$0x3FFD];
	_ =	sdelay $0x3  }
0x96: {  	_ =	strace s3  }
0x97: {  	_ =	strace $0x8FFFFFFF  }
0x98: {  	s19 =	sld [smem:$0x3FDB];
	_ =	sdelay $0x1  }
0x99: {  	s4 =	simm.s32 $_scs_section_size  }
0x9a: {  	s5 =	simm.s32 $_size__tile_overlayer_lowered;
	s6 =	simm.s32 $_tile_overlayer_lowered  }
0x9b: {  	s22 =	simm.s32 $0x1BFF;
	s21 =	sshll.u32 s6, $0x1;
	s3 =	sadd.s32 s4, s19  }
0x9c: {  	s7 =	simm.s32 $0x0;
	s20 =	sshll.u32 s5, $0x1;
	s5 =	sadd.s32 s21, s3  }
0x9d: {  	[timem:s7], [sflag:s22] =	dma.local [hbm:s5], s20  }
0x9e: {  	_ =	swait.ge [sflag:s22], s20  }
0x9f: {  	s4 =	ssub.s32 $0x0, s20;
	[sflag:s22] =	ssyncset.done $0x0  }
0xa0: {  	[sflag:s22] =	ssyncadd.s32 s4;
	_ =	sdelay $0x1  }
0xa1: {  	s23 =	simm.s32 $0x1B8B  }
0xa2: {  	_ =	swait.ge [sflag:s23], $0x1  }
0xa3: {  	[sflag:s23] =	ssyncset.done $0x0  }
0xa4: {  	s25 =	simm.s32 $0x1B8E;
	s24 =	sld [smem:$0x3FFE];
	[sflag:s23] =	ssyncadd.s32 $0xFFFFFFFF  }
0xa5: {  	s26 =	simm.s32 $execute0_lowered;
	[smem:$0x3FD2] =	sst s25  }
0xa6: {  	s5 =	sshll.u32 s26, $0x1;
	_ =	strace $0x8000004F;
	[dreg:$0x1] =	wrdreg $0xFFFFFFFF  }
0xa7: {  	s28 =	simm.s32 $_size_execute0_lowered;
	s3 =	sadd.s32 s3, s5;
	[dreg:$0x0] =	wrdreg $0x0  }
0xa8: {  	s5 =	sshll.u32 s28, $0x1;
	[dreg:$0x2] =	wrdreg s3  }
0xa9: {  	[dreg:$0x3] =	wrdreg s5  }
0xaa: {  	[dreg:$0x4] =	wrdreg $0xC0  }
0xab: {  	_ =	task [dreg:s7], $0x5FFFF  }
0xac: {  	[dreg:$0x1] =	wrdreg $0xFFFFFFFF  }
0xad: {  	[dreg:$0x0] =	wrdreg $0x60  }
0xae: {  	[dreg:$0x2] =	wrdreg s2  }
0xaf: {  	[dreg:$0x3] =	wrdreg s24  }
0xb0: {  	[dreg:$0x4] =	wrdreg $0x82000  }
0xb1: {  	[dreg:$0x5] =	wrdreg $0x9  }
0xb2: {  	_ =	task.clear_ibuf [dreg:s7], $0x6FFFF;
	_ =	strace $0x9000004F  }
0xb3: {  	s29 =	simm.s32 $0x9;
	_ =	strace $0x80000051  }
0xb4: {  	_ =	swait.ge [sflag:s29], $0x1  }
0xb5: {  	[sflag:s29] =	ssyncadd.s32 $0xFFFFFFFF  }
0xb6: {  	_ =	strace $0x90000051  }
0xb7: {  	_ =	sfence  }
0xb8: {  	s30 =	sld [smem:$0x0];
	_ =	sdelay $0x2  }
0xb9: {  	s31 =	sshll.u32 s1, $0xD;
	s1 =	sshrl.u32 s1, $0x2  }
0xba: {  	s3 =	sand.u32 $0x4000, s31;
	s1 =	sadd.s32 s1, s30  }
0xbb: {  	s0 =	sor.u32 s3, s0;
	s1 =	sshll.u32 s1, $0x11  }
0xbc: {  	s0 =	sor.u32 s1, s0  }
0xbd: {  	s0 =	sadd.s32 $0x8F2B, s0  }
0xbe: {  	[sflag:s0] =	ssyncadd.remote.s32 $0x1  }
0xbf: {  	_ =	sfence.sel $0xFFFF  }
0xc0: {  	[dreg:$0x0] =	wrdreg $0xFFFFFFFF;
	(pc) =	sbr.abs _section_cstart, $3  }
0xc1: {  	[dreg:$0x1] =	wrdreg $0xFFFFFFFF  }
0xc2: {  	_ =	task.clear_ibuf [dreg:s7], $0x2FFFF;
	_ =	strace $0x9FFFFFFF  }
0xc3: {  	(tm) =	ssettm $0x7FFFFFFF  }
tec
execute0_lowered:
.L_overlay_start_1:
0x0: {  	(tag) =	ssettag $0x1  }
0x1: {  	s1 =	srdreg.scid  }
0x2: {  	s1 =	sand.u32 $0x1, s1  }
0x3: {  	p0 =	seq.s32 s1, $0x1  }
.Ltmp0:
0x4: {  	s3 =	rddreg [dreg:$0x0];
	(pc) =	sbr.rel @p0 .LBB2_4-.Ltmp0, $4  }
0x5: {  	s16 =	rddreg [dreg:$0x1]  }
0x6: {  	s2 =	rddreg [dreg:$0x2];
	s6 =	simm.s32 $0x0  }
0x7: {  	[smem:$0x7FF] =	sst s6  }
0x8: {  	s0 =	rddreg [dreg:$0x3];
	_ =	strace $0x80000050;
	s1 =	stileid.u32  }
0x9: {  	s4 =	smul.u32 $0x4F000, s1  }
0xa: {  	s20 =	smul.u32 $0x2780, s1  }
0xb: {  	s8 =	smul.u32 $0x4F00, s1  }
0xc: {  	s5 =	sadd.s32 $0x18200, s16;
	s9 =	smul.u32 $0x300, s1;
	s4 =	sshrl.u32 s4, $0x2  }
0xd: {  	s23 =	sshll.u32 s1, $0x6;
	s10 =	sadd.s32 s5, s20;
	s7 =	sadd.s32 s4, s2  }
0xe: {  	s4 =	sor.u32 $0x1C05, s23;
	s5 =	sshrl.u32 s7, $0x3;
	s7 =	simm.s32 $0x5  }
0xf: {  	[spmem:s5], [sflag:s4] =	dma.local [hbm:s10], $0x2780  }
0x10: {  	s8 =	sand.u32 $0x7FC00, s8;
	s9 =	sand.u32 $0x300, s9;
	_ =	swait.ge [sflag:s7], $0x2780  }
0x11: {  	s8 =	sor.u32 s9, s8;
	[sflag:s7] =	ssyncset.done $0x0  }
0x12: {  	s17 =	sadd.s32 $0xE400, s16;
	s8 =	sshrl.u32 s8, $0x3;
	[sflag:s7] =	ssyncadd.s32 $0xFFFFD880  }
0x13: {  	s18 =	sadd.s32 $0x4600, s16;
	s24 =	sadd.s32 s17, s8;
	[bflag:$0x0] =	sbarrier.arrive $0xFFFF  }
0x14: {  	[tilespmem:s6], [sflag:$0x3] =	stream.linear.gather [hbm4b:s24+s6], $0x80, $0x38;
	[tilespmem:$0x1BE00] =	vst v63  }
0x15: {  	s25 =	sor.u32 $0x10, s8;
	s26 =	sadd.s32 s18, s8;
	s8 =	simm.s32 $0x100  }
0x16: {  	[tilespmem:s8], [sflag:$0x3] =	stream.linear.gather [hbm4b:s26+s6], $0x80, $0x38;
	[tilespmem:$0x1BE00] =	vst v63  }
0x17: {  	s9 =	simm.s32 $0x80;
	s11 =	sadd.s32 s17, s25  }
0x18: {  	[tilespmem:s9], [sflag:$0x4] =	stream.linear.gather [hbm4b:s11+s6], $0x80, $0x38;
	[tilespmem:$0x1BE00] =	vst v63  }
0x19: {  	s10 =	simm.s32 $0x180;
	s28 =	sadd.s32 s18, s25;
	s11 =	simm.s32 $0x3  }
0x1a: {  	[tilespmem:s10], [sflag:$0x4] =	stream.linear.gather [hbm4b:s28+s6], $0x80, $0x38;
	[tilespmem:$0x1BE00] =	vst v63  }
0x1b: {  	_ =	swait.ge [sflag:s11], $0x80  }
0x1c: {  	[sflag:s11] =	ssyncset.done $0x0  }
0x1d: {  	[sflag:s11] =	ssyncadd.s32 $0xFFFFFF80  }
0x1e: {  	_ =	swait.ge [sflag:s11], $0x80  }
0x1f: {  	[sflag:s11] =	ssyncset.done $0x0  }
0x20: {  	s12 =	simm.s32 $0x200;
	s13 =	simm.s32 $0x4;
	[sflag:s11] =	ssyncadd.s32 $0xFFFFFF80  }
0x21: {  	[tilespmem:s12], [sflag:$0x1] =	stream.indirect.gather [hbm4b:s3+s9], $0x80, s6, s9, $0xb8;
	[tilespmem:$0x1BE00] =	vst v63  }
0x22: {  	_ =	swait.ge [sflag:s13], $0x80  }
0x23: {  	[sflag:s13] =	ssyncset.done $0x0  }
0x24: {  	[sflag:s13] =	ssyncadd.s32 $0xFFFFFF80  }
0x25: {  	_ =	swait.ge [sflag:s13], $0x80  }
0x26: {  	[sflag:s13] =	ssyncset.done $0x0  }
0x27: {  	s14 =	simm.s32 $0x4200;
	s15 =	simm.s32 $0x1;
	[sflag:s13] =	ssyncadd.s32 $0xFFFFFF80  }
0x28: {  	[tilespmem:s14], [sflag:$0x2] =	stream.indirect.gather [hbm4b:s3+s9], $0x80, s9, s9, $0xb8;
	[tilespmem:$0x1BE00] =	vst v63  }
0x29: {  	_ =	swait.ge [sflag:s15], $0x4000  }
0x2a: {  	[sflag:s15] =	ssyncset.done $0x0  }
0x2b: {  	s19 =	smul.u32 $0x9E0, s1;
	[sflag:s15] =	ssyncadd.s32 $0xFFFFC000  }
0x2c: {  	[spmem:s2] =	stream.indirect.scatter.add.f32 [tilespmem:s12], [sflag:$0x5], $0x80, s8, s9, $0xb8;
	[tilespmem:$0x1BE00] =	vst v63  }
0x2d: {  	s17 =	sadd.s32 s19, s17;
	_ =	swait.ge [sflag:s7], $0x4000  }
0x2e: {  	s18 =	sadd.s32 s19, s18;
	s21 =	sadd.s32 $0xFFFFF640, s17;
	[sflag:s7] =	ssyncset.done $0x0  }
0x2f: {  	s22 =	sadd.s32 $0xFFFFF640, s18;
	s29 =	sadd.s32 $0x9E0, s21;
	[sflag:s7] =	ssyncadd.s32 $0xFFFFC000  }
0x30: {  	[tilespmem:s6], [sflag:$0x3] =	stream.linear.gather [hbm4b:s29+s6], $0x80, $0x38;
	[tilespmem:$0x1BE00] =	vst v63  }
0x31: {  	s19 =	simm.s32 $0x2;
	s23 =	sadd.s32 $0x9E0, s22  }
0x32: {  	[tilespmem:s8], [sflag:$0x3] =	stream.linear.gather [hbm4b:s23+s6], $0x80, $0x38;
	[tilespmem:$0x1BE00] =	vst v63  }
0x33: {  	_ =	swait.ge [sflag:s19], $0x4000  }
0x34: {  	[sflag:s19] =	ssyncset.done $0x0  }
0x35: {  	[sflag:s19] =	ssyncadd.s32 $0xFFFFC000  }
0x36: {  	[spmem:s2] =	stream.indirect.scatter.add.f32 [tilespmem:s14], [sflag:$0x5], $0x80, s10, s9, $0xb8;
	[tilespmem:$0x1BE00] =	vst v63  }
0x37: {  	_ =	swait.ge [sflag:s7], $0x4000  }
0x38: {  	[sflag:s7] =	ssyncset.done $0x0  }
0x39: {  	s21 =	sadd.s32 $0x9F0, s21;
	[sflag:s7] =	ssyncadd.s32 $0xFFFFC000  }
0x3a: {  	[tilespmem:s9], [sflag:$0x4] =	stream.linear.gather [hbm4b:s21+s6], $0x80, $0x38;
	[tilespmem:$0x1BE00] =	vst v63  }
0x3b: {  	s30 =	sadd.s32 $0x9F0, s22  }
0x3c: {  	[tilespmem:s10], [sflag:$0x4] =	stream.linear.gather [hbm4b:s30+s6], $0x80, $0x38;
	[tilespmem:$0x1BE00] =	vst v63  }
0x3d: {  	_ =	swait.ge [sflag:s11], $0x80  }
0x3e: {  	[sflag:s11] =	ssyncset.done $0x0  }
0x3f: {  	[sflag:s11] =	ssyncadd.s32 $0xFFFFFF80  }
0x40: {  	_ =	swait.ge [sflag:s11], $0x80  }
0x41: {  	s31 =	sadd.s32 s20, s16;
	[sflag:s11] =	ssyncset.done $0x0  }
0x42: {  	s20 =	simm.s32 $0xFFFFF660;
	s16 =	sadd.s32 $0x3FA00, s31;
	[sflag:s11] =	ssyncadd.s32 $0xFFFFFF80  }
.LBB2_2:
0x43: {  	[tilespmem:s12], [sflag:$0x1] =	stream.indirect.gather [hbm4b:s3+s9], $0x80, s6, s9, $0xb8;
	[tilespmem:$0x1BE00] =	vst v63  }
0x44: {  	s21 =	smov.u32 s20  }
0x45: {  	p0 =	sne.s32 s20, $0xFFFFFFE0;
	s20 =	sadd.s32 $0x20, s20;
	_ =	swait.ge [sflag:s13], $0x80  }
0x46: {  	[sflag:s13] =	ssyncset.done $0x0  }
0x47: {  	[sflag:s13] =	ssyncadd.s32 $0xFFFFFF80  }
0x48: {  	_ =	swait.ge [sflag:s13], $0x80  }
0x49: {  	[sflag:s13] =	ssyncset.done $0x0  }
0x4a: {  	[sflag:s13] =	ssyncadd.s32 $0xFFFFFF80  }
0x4b: {  	[tilespmem:s14], [sflag:$0x2] =	stream.indirect.gather [hbm4b:s3+s9], $0x80, s9, s9, $0xb8;
	[tilespmem:$0x1BE00] =	vst v63  }
0x4c: {  	_ =	swait.ge [sflag:s15], $0x4000  }
0x4d: {  	[sflag:s15] =	ssyncset.done $0x0  }
0x4e: {  	[sflag:s15] =	ssyncadd.s32 $0xFFFFC000  }
0x4f: {  	[spmem:s2] =	stream.indirect.scatter.add.f32 [tilespmem:s12], [sflag:$0x5], $0x80, s8, s9, $0xb8;
	[tilespmem:$0x1BE00] =	vst v63  }
0x50: {  	_ =	swait.ge [sflag:s7], $0x4000  }
0x51: {  	s22 =	sadd.s32 s21, s17;
	[sflag:s7] =	ssyncset.done $0x0  }
0x52: {  	s21 =	sadd.s32 s21, s18;
	s23 =	sadd.s32 $0x9E0, s22;
	[sflag:s7] =	ssyncadd.s32 $0xFFFFC000  }
0x53: {  	[tilespmem:s6], [sflag:$0x3] =	stream.linear.gather [hbm4b:s23+s6], $0x80, $0x38;
	[tilespmem:$0x1BE00] =	vst v63  }
0x54: {  	s23 =	sadd.s32 $0x9E0, s21  }
0x55: {  	[tilespmem:s8], [sflag:$0x3] =	stream.linear.gather [hbm4b:s23+s6], $0x80, $0x38;
	[tilespmem:$0x1BE00] =	vst v63  }
0x56: {  	_ =	swait.ge [sflag:s19], $0x4000  }
0x57: {  	[sflag:s19] =	ssyncset.done $0x0  }
0x58: {  	[sflag:s19] =	ssyncadd.s32 $0xFFFFC000  }
0x59: {  	[spmem:s2] =	stream.indirect.scatter.add.f32 [tilespmem:s14], [sflag:$0x5], $0x80, s10, s9, $0xb8;
	[tilespmem:$0x1BE00] =	vst v63  }
0x5a: {  	_ =	swait.ge [sflag:s7], $0x4000  }
0x5b: {  	[sflag:s7] =	ssyncset.done $0x0  }
0x5c: {  	s22 =	sadd.s32 $0x9F0, s22;
	[sflag:s7] =	ssyncadd.s32 $0xFFFFC000  }
0x5d: {  	[tilespmem:s9], [sflag:$0x4] =	stream.linear.gather [hbm4b:s22+s6], $0x80, $0x38;
	[tilespmem:$0x1BE00] =	vst v63  }
0x5e: {  	s21 =	sadd.s32 $0x9F0, s21  }
0x5f: {  	[tilespmem:s10], [sflag:$0x4] =	stream.linear.gather [hbm4b:s21+s6], $0x80, $0x38;
	[tilespmem:$0x1BE00] =	vst v63  }
0x60: {  	_ =	swait.ge [sflag:s11], $0x80  }
.Ltmp1:
0x61: {  	[sflag:s11] =	ssyncset.done $0x0;
	(pc) =	sbr.rel @p0 .LBB2_2-.Ltmp1, $4  }
0x62: {  	[sflag:s11] =	ssyncadd.s32 $0xFFFFFF80  }
0x63: {  	_ =	swait.ge [sflag:s11], $0x80  }
0x64: {  	[sflag:s11] =	ssyncset.done $0x0  }
0x65: {  	[sflag:s11] =	ssyncadd.s32 $0xFFFFFF80  }
0x66: {  	[tilespmem:s12], [sflag:$0x1] =	stream.indirect.gather [hbm4b:s3+s9], $0x80, s6, s9, $0xb8;
	[tilespmem:$0x1BE00] =	vst v63  }
0x67: {  	s24 =	simm.s32 $0x4  }
0x68: {  	_ =	swait.ge [sflag:s24], $0x80  }
0x69: {  	[sflag:s24] =	ssyncset.done $0x0  }
0x6a: {  	[sflag:s24] =	ssyncadd.s32 $0xFFFFFF80  }
0x6b: {  	_ =	swait.ge [sflag:s24], $0x80  }
0x6c: {  	s25 =	simm.s32 $0x80;
	[sflag:s24] =	ssyncset.done $0x0  }
0x6d: {  	s7 =	simm.s32 $0x4200;
	s26 =	simm.s32 $0x1;
	[sflag:s24] =	ssyncadd.s32 $0xFFFFFF80  }
0x6e: {  	[tilespmem:s7], [sflag:$0x2] =	stream.indirect.gather [hbm4b:s3+s25], $0x80, s25, s25, $0xb8;
	[tilespmem:$0x1BE00] =	vst v63  }
0x6f: {  	_ =	swait.ge [sflag:s26], $0x4000  }
0x70: {  	s28 =	simm.s32 $0x100;
	[sflag:s26] =	ssyncset.done $0x0  }
0x71: {  	s8 =	simm.s32 $0x200;
	s29 =	simm.s32 $0x5;
	[sflag:s26] =	ssyncadd.s32 $0xFFFFC000  }
0x72: {  	[spmem:s2] =	stream.indirect.scatter.add.f32 [tilespmem:s8], [sflag:$0x5], $0x80, s28, s25, $0xb8;
	[tilespmem:$0x1BE00] =	vst v63  }
0x73: {  	_ =	swait.ge [sflag:s29], $0x4000  }
0x74: {  	[sflag:s29] =	ssyncset.done $0x0  }
0x75: {  	s30 =	simm.s32 $0x2;
	[sflag:s29] =	ssyncadd.s32 $0xFFFFC000  }
0x76: {  	_ =	swait.ge [sflag:s30], $0x4000  }
0x77: {  	[sflag:s30] =	ssyncset.done $0x0  }
0x78: {  	s31 =	simm.s32 $0x180;
	[sflag:s30] =	ssyncadd.s32 $0xFFFFC000  }
0x79: {  	[spmem:s2] =	stream.indirect.scatter.add.f32 [tilespmem:s7], [sflag:$0x5], $0x80, s31, s25, $0xb8;
	[tilespmem:$0x1BE00] =	vst v63  }
0x7a: {  	_ =	swait.ge [sflag:s29], $0x4000  }
0x7b: {  	[sflag:s29] =	ssyncset.done $0x0  }
0x7c: {  	[sflag:s29] =	ssyncadd.s32 $0xFFFFC000  }
0x7d: {  	[bflag:$0x0] =	sbarrier.arrive $0xFFFF  }
0x7e: {  	[hbm:s16], [sflag:s4] =	dma.local [spmem:s5], $0x2780  }
0x7f: {  	_ =	swait.ge [sflag:s29], $0x2780  }
0x80: {  	[sflag:s29] =	ssyncset.done $0x0  }
0x81: {  	[sflag:s29] =	ssyncadd.s32 $0xFFFFD880  }
.LBB2_4:
0x82: {  	_ =	sfence.sel $0x180000  }
0x83: {  	[bflag:$0x0] =	sbarrier.arrive $0xFFFF  }
0x84: {  	p0 =	sne.s32 s1, $0x0;
	_ =	strace $0x90000050  }
0x85: {  	s0 =	sadd.s32 @!p0 $0x100000, s0;
	[bflag:$0x2] =	sbarrier.arrive $0xFFFF  }
0x86: {  	[sflag:s0] =	ssyncadd.tile.s32 @!p0 $0x1;
	_ =	shalt  }
.Lfunc_end2:
_tile_overlayer_lowered:
.L_overlay_start_2:
0x87: {  	(tag) =	ssettag $0x2  }
0x88: {  	s0 =	rddreg [dreg:$0x0];
	s2 =	stileid.u32  }
0x89: {  	s1 =	rddreg [dreg:$0x1];
	p0 =	sne.s32 s2, $0x0  }
0x8a: {  	s3 =	rddreg [dreg:$0x2];
	[bflag:$0x3] =	sbarrier.arrive $0xFFFF;
	s2 =	simm.s32 @!p0 $0x1C05  }
0x8b: {  	[timem:s3], [sflag:s2] =	dma.local @!p0 [hbm:s0], s1  }
0x8c: {  	s0 =	simm.s32 @!p0 $0x5  }
0x8d: {  	_ =	swait.ge @!p0 [sflag:s0], s1  }
0x8e: {  	s1 =	ssub.s32 @!p0 $0x0, s1;
	[sflag:s0] =	ssyncset.done @!p0 $0x0  }
0x8f: {  	[sflag:s0] =	ssyncadd.s32 @!p0 s1  }
0x90: {  	[bflag:$0x3] =	sbarrier.arrive $0xFFFF  }
0x91: {  	_ =	shalt  }

</sc_bundles>
